<compile_context>
chip_gen: v7x
topology: tpu7x:2x2x1
jax: 0.10.2.dev20260603
libtpu: 0.0.44.dev20260713+nightly
codegen_flags: <defaults>
</compile_context>

<pallas_src>
import functools
import math

import jax
import jax.numpy as jnp
from jax import lax
from jax.experimental import pallas as pl
from jax.experimental.pallas import tpu as pltpu
from jax.experimental.pallas import tpu_sc as plsc

D_MODEL = 128
SCALE = math.sqrt(float(D_MODEL))

_NC = 2
_NS = 16
_NW = _NC * _NS
_L = 16

NBUF = 4


def _make_gather(B, S, D):
    assert B % _NW == 0
    rows_per_w = B // _NW
    n_groups = rows_per_w // NBUF
    assert rows_per_w % NBUF == 0 and n_groups >= 2

    mesh = plsc.VectorSubcoreMesh(core_axis_name="c", subcore_axis_name="s")

    @functools.partial(
        pl.kernel,
        mesh=mesh,
        out_type=jax.ShapeDtypeStruct((B, S, D), jnp.float32),
        scratch_types=[
            pltpu.VMEM((rows_per_w, S), jnp.int32),
            *([pltpu.VMEM((S, D), jnp.float32)] * NBUF),
            *([pltpu.VMEM((S, D), jnp.float32)] * NBUF),
            *([pltpu.SemaphoreType.DMA] * NBUF),
            *([pltpu.SemaphoreType.DMA] * NBUF),
        ],
    )
    def gather_kernel(table_hbm, idx_hbm, out_hbm, idx_v, *bufs):
        gbuf = bufs[:NBUF]
        obuf = bufs[NBUF:2 * NBUF]
        gsem = bufs[2 * NBUF:3 * NBUF]
        ssem = bufs[3 * NBUF:4 * NBUF]

        wid = lax.axis_index("s") * _NC + lax.axis_index("c")
        base = wid * rows_per_w
        pltpu.sync_copy(idx_hbm.at[wid], idx_v)

        def issue_gather(r, b):
            pltpu.make_async_copy(
                table_hbm.at[idx_v.at[r]], gbuf[b], gsem[b]).start()

        def issue_scatter(r, b):
            pltpu.make_async_copy(
                obuf[b], out_hbm.at[base + r], ssem[b]).start()

        def wait_gather(b):
            pltpu.make_async_copy(
                table_hbm.at[idx_v.at[0]], gbuf[b], gsem[b]).wait()

        def wait_scatter(b):
            pltpu.make_async_copy(
                obuf[b], out_hbm.at[base], ssem[b]).wait()

        def multiply(b):
            def row_body(r, carry):
                for j in range(D // _L):
                    sl = pl.ds(j * _L, _L)
                    obuf[b][r, sl] = gbuf[b][r, sl] * SCALE
                return carry

            lax.fori_loop(0, S, row_body, 0)

        for b in range(NBUF):
            issue_gather(b, b)
        for b in range(NBUF):
            wait_gather(b)
            multiply(b)
            issue_gather(NBUF + b, b)
            issue_scatter(b, b)

        def group_body(g, carry):
            for b in range(NBUF):
                r = g * NBUF + b
                wait_gather(b)
                wait_scatter(b)
                multiply(b)
                issue_gather(r + NBUF, b)
                issue_scatter(r, b)
            return carry

        lax.fori_loop(1, n_groups - 1, group_body, 0)

        for b in range(NBUF):
            r = (n_groups - 1) * NBUF + b
            wait_gather(b)
            wait_scatter(b)
            multiply(b)
            issue_scatter(r, b)

        for b in range(NBUF):
            wait_scatter(b)

    return gather_kernel


def kernel(x, target_vec, table, W, b):
    B, S = x.shape
    V, D = table.shape
    rows_per_w = B // _NW
    idx = x.reshape(_NW, rows_per_w, S).astype(jnp.int32)
    return _make_gather(B, S, D)(table, idx)

# --- scband reference (transcript-rebuilt; emitter-appended) ---
"""Pipeline reference for scband-embeddings-24816321036532 (READ-ONLY COPY).

The authoritative reference and input builder live on the scoring server;
editing this copy changes nothing except your own understanding.
"""

import jax, jax.numpy as jnp
import numpy as np
import math

D_MODEL = 128
VOCAB = 100000
ESM_SIZE = 128


def setup_inputs(seed: int = 0) -> dict:
    key = jax.random.key(seed)
    k1, k2, k3, k4 = jax.random.split(key, 4)
    x = jax.random.randint(k1, (4096, 50), 0, VOCAB)
    target_vec = jax.random.normal(k2, (4096, ESM_SIZE), dtype=jnp.float32)
    # learned params
    table = jax.random.normal(k3, (VOCAB, D_MODEL), dtype=jnp.float32) * 0.02
    # nn.Linear(esm_size + d_model, d_model): weight [out, in] = [128, 256]
    W = jax.random.normal(k4, (D_MODEL, ESM_SIZE + D_MODEL), dtype=jnp.float32) * 0.05
    b = jnp.zeros((D_MODEL,), dtype=jnp.float32)
    return {"x": x, "target_vec": target_vec, "table": table, "W": W, "b": b}


def reference(x, target_vec, table, W, b):
    # data_type == Data_Type.base (default): only the scaled embedding lookup is returned.
    torch_embed = jnp.take(table, x, axis=0) * math.sqrt(D_MODEL)
    return torch_embed

if __name__ == "__main__":
    import jax
    _d = setup_inputs()
    print(jax.jit(kernel)(*tuple(_d.values())))

</pallas_src>

<mosaic_0001>
#map = affine_map<(d0, d1) -> (0, 0)>
#map1 = affine_map<(d0, d1) -> (0, 0, 0)>
module attributes {stable_mosaic.version = 14 : i64} {
  func.func @gather_kernel(%arg0: i32, %arg1: i32, %arg2: memref<100000x128xf32, #tpu.memory_space<hbm>>, %arg3: memref<32x128x50xi32, #tpu.memory_space<hbm>>, %arg4: memref<4096x50x128xf32, #tpu.memory_space<hbm>>, %arg5: memref<128x50xi32, #tpu.memory_space<vmem>>, %arg6: memref<50x128xf32, #tpu.memory_space<vmem>>, %arg7: memref<50x128xf32, #tpu.memory_space<vmem>>, %arg8: memref<50x128xf32, #tpu.memory_space<vmem>>, %arg9: memref<50x128xf32, #tpu.memory_space<vmem>>, %arg10: memref<50x128xf32, #tpu.memory_space<vmem>>, %arg11: memref<50x128xf32, #tpu.memory_space<vmem>>, %arg12: memref<50x128xf32, #tpu.memory_space<vmem>>, %arg13: memref<50x128xf32, #tpu.memory_space<vmem>>, %arg14: memref<!tpu.dma_semaphore, #tpu.memory_space<semaphore_mem>>, %arg15: memref<!tpu.dma_semaphore, #tpu.memory_space<semaphore_mem>>, %arg16: memref<!tpu.dma_semaphore, #tpu.memory_space<semaphore_mem>>, %arg17: memref<!tpu.dma_semaphore, #tpu.memory_space<semaphore_mem>>, %arg18: memref<!tpu.dma_semaphore, #tpu.memory_space<semaphore_mem>>, %arg19: memref<!tpu.dma_semaphore, #tpu.memory_space<semaphore_mem>>, %arg20: memref<!tpu.dma_semaphore, #tpu.memory_space<semaphore_mem>>, %arg21: memref<!tpu.dma_semaphore, #tpu.memory_space<semaphore_mem>>) attributes {dimension_semantics = [#tpu.dimension_semantics<core_parallel>, #tpu.dimension_semantics<subcore_parallel>], iteration_bounds = array<i64: 2, 16>, scalar_prefetch = 0 : i64, scratch_operands = 17 : i64, tpu.core_type = #tpu.core_type<sc_vector_subcore>, window_params = [{transform_indices = #map}, {transform_indices = #map1}, {transform_indices = #map1}]} {
    %mul3A = arith.constant 2 : i32
    %mul3A_0 = arith.muli %arg1, %mul3A : i32
    %add3A = arith.addi %mul3A_0, %arg0 : i32
    %mul3A_1 = arith.constant 128 : i32
    %mul3A_2 = arith.muli %add3A, %mul3A_1 : i32
    "tpu.region"() ({
      %run_scoped3A = tpu.sem_alloc : memref<!tpu.dma_semaphore, #tpu.memory_space<semaphore_mem>>
      %dma_start3A_310 = arith.constant 0 : i32
      %dma_start3A_311 = arith.constant 0 : i32
      %dma_start3A_312 = tpu.memref_slice %arg3[%add3A, %dma_start3A_310, %dma_start3A_311] : memref<32x128x50xi32, #tpu.memory_space<hbm>> -> memref<1x128x50xi32, #tpu.memory_space<hbm>>
      %dma_start3A_313 = tpu.memref_squeeze %dma_start3A_312 : memref<1x128x50xi32, #tpu.memory_space<hbm>> -> memref<128x50xi32, #tpu.memory_space<hbm>>
      %dma_start3A_314 = arith.constant 0 : i32
      %dma_start3A_315 = arith.constant 0 : i32
      %dma_start3A_316 = tpu.memref_slice %arg3[%add3A, %dma_start3A_314, %dma_start3A_315] : memref<32x128x50xi32, #tpu.memory_space<hbm>> -> memref<1x128x50xi32, #tpu.memory_space<hbm>>
      %dma_start3A_317 = tpu.memref_squeeze %dma_start3A_316 : memref<1x128x50xi32, #tpu.memory_space<hbm>> -> memref<128x50xi32, #tpu.memory_space<hbm>>
      tpu.enqueue_dma source(%dma_start3A_317 : memref<128x50xi32, #tpu.memory_space<hbm>>) target(%arg5 : memref<128x50xi32, #tpu.memory_space<vmem>>) target_semaphore(%run_scoped3A : memref<!tpu.dma_semaphore, #tpu.memory_space<semaphore_mem>>)
      %dma_wait3A_318 = arith.constant 0 : i32
      %dma_wait3A_319 = arith.constant 0 : i32
      %dma_wait3A_320 = tpu.memref_slice %arg3[%add3A, %dma_wait3A_318, %dma_wait3A_319] : memref<32x128x50xi32, #tpu.memory_space<hbm>> -> memref<1x128x50xi32, #tpu.memory_space<hbm>>
      %dma_wait3A_321 = tpu.memref_squeeze %dma_wait3A_320 : memref<1x128x50xi32, #tpu.memory_space<hbm>> -> memref<128x50xi32, #tpu.memory_space<hbm>>
      %dma_wait3A_322 = arith.constant 0 : i32
      %dma_wait3A_323 = arith.constant 0 : i32
      %dma_wait3A_324 = tpu.memref_slice %arg3[%add3A, %dma_wait3A_322, %dma_wait3A_323] : memref<32x128x50xi32, #tpu.memory_space<hbm>> -> memref<1x128x50xi32, #tpu.memory_space<hbm>>
      %dma_wait3A_325 = tpu.memref_squeeze %dma_wait3A_324 : memref<1x128x50xi32, #tpu.memory_space<hbm>> -> memref<128x50xi32, #tpu.memory_space<hbm>>
      tpu.wait_dma2 semaphore(%run_scoped3A : memref<!tpu.dma_semaphore, #tpu.memory_space<semaphore_mem>>) src(%dma_wait3A_325 : memref<128x50xi32, #tpu.memory_space<hbm>>) dst(%arg5 : memref<128x50xi32, #tpu.memory_space<vmem>>)
      tpu.yield
    }) : () -> ()
    %dma_start3A = arith.constant 0 : i32
    %dma_start3A_3 = arith.constant 0 : i32
    %dma_start3A_4 = tpu.memref_slice %arg5[%dma_start3A, %dma_start3A_3] : memref<128x50xi32, #tpu.memory_space<vmem>> -> memref<1x50xi32, #tpu.memory_space<vmem>>
    %dma_start3A_5 = tpu.memref_squeeze %dma_start3A_4 : memref<1x50xi32, #tpu.memory_space<vmem>> -> memref<50xi32, #tpu.memory_space<vmem>>
    %dma_start3A_6 = arith.constant 0 : i32
    %dma_start3A_7 = arith.constant 0 : i32
    %dma_start3A_8 = tpu.memref_slice %arg2[%dma_start3A_6, %dma_start3A_7] : memref<100000x128xf32, #tpu.memory_space<hbm>> -> memref<100000x128xf32, #tpu.memory_space<hbm>>
    tpu.enqueue_indirect_dma source(%dma_start3A_8 : memref<100000x128xf32, #tpu.memory_space<hbm>>) target(%arg6 : memref<50x128xf32, #tpu.memory_space<vmem>>) offsets(%dma_start3A_5 : memref<50xi32, #tpu.memory_space<vmem>>) semaphore(%arg14 : memref<!tpu.dma_semaphore, #tpu.memory_space<semaphore_mem>>)
    %dma_start3A_9 = arith.constant 1 : i32
    %dma_start3A_10 = arith.constant 0 : i32
    %dma_start3A_11 = tpu.memref_slice %arg5[%dma_start3A_9, %dma_start3A_10] : memref<128x50xi32, #tpu.memory_space<vmem>> -> memref<1x50xi32, #tpu.memory_space<vmem>>
    %dma_start3A_12 = tpu.memref_squeeze %dma_start3A_11 : memref<1x50xi32, #tpu.memory_space<vmem>> -> memref<50xi32, #tpu.memory_space<vmem>>
    %dma_start3A_13 = arith.constant 0 : i32
    %dma_start3A_14 = arith.constant 0 : i32
    %dma_start3A_15 = tpu.memref_slice %arg2[%dma_start3A_13, %dma_start3A_14] : memref<100000x128xf32, #tpu.memory_space<hbm>> -> memref<100000x128xf32, #tpu.memory_space<hbm>>
    tpu.enqueue_indirect_dma source(%dma_start3A_15 : memref<100000x128xf32, #tpu.memory_space<hbm>>) target(%arg7 : memref<50x128xf32, #tpu.memory_space<vmem>>) offsets(%dma_start3A_12 : memref<50xi32, #tpu.memory_space<vmem>>) semaphore(%arg15 : memref<!tpu.dma_semaphore, #tpu.memory_space<semaphore_mem>>)
    %dma_start3A_16 = arith.constant 2 : i32
    %dma_start3A_17 = arith.constant 0 : i32
    %dma_start3A_18 = tpu.memref_slice %arg5[%dma_start3A_16, %dma_start3A_17] : memref<128x50xi32, #tpu.memory_space<vmem>> -> memref<1x50xi32, #tpu.memory_space<vmem>>
    %dma_start3A_19 = tpu.memref_squeeze %dma_start3A_18 : memref<1x50xi32, #tpu.memory_space<vmem>> -> memref<50xi32, #tpu.memory_space<vmem>>
    %dma_start3A_20 = arith.constant 0 : i32
    %dma_start3A_21 = arith.constant 0 : i32
    %dma_start3A_22 = tpu.memref_slice %arg2[%dma_start3A_20, %dma_start3A_21] : memref<100000x128xf32, #tpu.memory_space<hbm>> -> memref<100000x128xf32, #tpu.memory_space<hbm>>
    tpu.enqueue_indirect_dma source(%dma_start3A_22 : memref<100000x128xf32, #tpu.memory_space<hbm>>) target(%arg8 : memref<50x128xf32, #tpu.memory_space<vmem>>) offsets(%dma_start3A_19 : memref<50xi32, #tpu.memory_space<vmem>>) semaphore(%arg16 : memref<!tpu.dma_semaphore, #tpu.memory_space<semaphore_mem>>)
    %dma_start3A_23 = arith.constant 3 : i32
    %dma_start3A_24 = arith.constant 0 : i32
    %dma_start3A_25 = tpu.memref_slice %arg5[%dma_start3A_23, %dma_start3A_24] : memref<128x50xi32, #tpu.memory_space<vmem>> -> memref<1x50xi32, #tpu.memory_space<vmem>>
    %dma_start3A_26 = tpu.memref_squeeze %dma_start3A_25 : memref<1x50xi32, #tpu.memory_space<vmem>> -> memref<50xi32, #tpu.memory_space<vmem>>
    %dma_start3A_27 = arith.constant 0 : i32
    %dma_start3A_28 = arith.constant 0 : i32
    %dma_start3A_29 = tpu.memref_slice %arg2[%dma_start3A_27, %dma_start3A_28] : memref<100000x128xf32, #tpu.memory_space<hbm>> -> memref<100000x128xf32, #tpu.memory_space<hbm>>
    tpu.enqueue_indirect_dma source(%dma_start3A_29 : memref<100000x128xf32, #tpu.memory_space<hbm>>) target(%arg9 : memref<50x128xf32, #tpu.memory_space<vmem>>) offsets(%dma_start3A_26 : memref<50xi32, #tpu.memory_space<vmem>>) semaphore(%arg17 : memref<!tpu.dma_semaphore, #tpu.memory_space<semaphore_mem>>)
    %dma_wait3A = arith.constant 0 : i32
    %dma_wait3A_30 = arith.constant 0 : i32
    %dma_wait3A_31 = tpu.memref_slice %arg5[%dma_wait3A, %dma_wait3A_30] : memref<128x50xi32, #tpu.memory_space<vmem>> -> memref<1x50xi32, #tpu.memory_space<vmem>>
    %dma_wait3A_32 = tpu.memref_squeeze %dma_wait3A_31 : memref<1x50xi32, #tpu.memory_space<vmem>> -> memref<50xi32, #tpu.memory_space<vmem>>
    %dma_wait3A_33 = arith.constant 0 : i32
    %dma_wait3A_34 = arith.constant 0 : i32
    %dma_wait3A_35 = tpu.memref_slice %arg2[%dma_wait3A_33, %dma_wait3A_34] : memref<100000x128xf32, #tpu.memory_space<hbm>> -> memref<100000x128xf32, #tpu.memory_space<hbm>>
    tpu.wait_indirect_dma semaphore(%arg14 : memref<!tpu.dma_semaphore, #tpu.memory_space<semaphore_mem>>) src(%dma_wait3A_35 : memref<100000x128xf32, #tpu.memory_space<hbm>>) dst(%arg6 : memref<50x128xf32, #tpu.memory_space<vmem>>)
    %scan3A = arith.constant 0 : i32
    %scan3A_36 = arith.constant 0 : i32
    %scan3A_37 = arith.constant 50 : i32
    %scan3A_38 = arith.addi %scan3A_36, %scan3A_37 : i32
    %scan3A_39 = arith.constant 1 : i32
    scf.for %scan3A_310 = %scan3A_36 to %scan3A_38 step %scan3A_39  : i32 {
      %get3A = arith.index_cast %scan3A_310 : i32 to index
      %get3A_311 = arith.constant 0 : index
      %get3A_312 = tpu.vector_load %arg6[%get3A, %get3A_311] {strides = array<i32>} : memref<50x128xf32, #tpu.memory_space<vmem>>, vector<1x16xf32>,
      %get3A_313 = vector.shape_cast %get3A_312 : vector<1x16xf32> to vector<16xf32>
      %mul3A_314 = arith.constant 11.3137083 : f32
      %mul3A_315 = vector.broadcast %mul3A_314 : f32 to vector<16xf32>
      %mul3A_316 = arith.mulf %get3A_313, %mul3A_315 : vector<16xf32>
      %swap3A = arith.index_cast %scan3A_310 : i32 to index
      %swap3A_317 = arith.constant 0 : index
      %swap3A_318 = tpu.vector_load %arg10[%swap3A, %swap3A_317] {strides = array<i32>} : memref<50x128xf32, #tpu.memory_space<vmem>>, vector<1x16xf32>,
      %swap3A_319 = vector.shape_cast %swap3A_318 : vector<1x16xf32> to vector<16xf32>
      %swap3A_320 = vector.shape_cast %mul3A_316 : vector<16xf32> to vector<1x16xf32>
      tpu.vector_store %arg10[%swap3A, %swap3A_317], %swap3A_320 {strides = array<i32>} : memref<50x128xf32, #tpu.memory_space<vmem>>, vector<1x16xf32>,
      %get3A_321 = arith.index_cast %scan3A_310 : i32 to index
      %get3A_322 = arith.constant 16 : index
      %get3A_323 = tpu.vector_load %arg6[%get3A_321, %get3A_322] {strides = array<i32>} : memref<50x128xf32, #tpu.memory_space<vmem>>, vector<1x16xf32>,
      %get3A_324 = vector.shape_cast %get3A_323 : vector<1x16xf32> to vector<16xf32>
      %mul3A_325 = arith.constant 11.3137083 : f32
      %mul3A_326 = vector.broadcast %mul3A_325 : f32 to vector<16xf32>
      %mul3A_327 = arith.mulf %get3A_324, %mul3A_326 : vector<16xf32>
      %swap3A_328 = arith.index_cast %scan3A_310 : i32 to index
      %swap3A_329 = arith.constant 16 : index
      %swap3A_330 = tpu.vector_load %arg10[%swap3A_328, %swap3A_329] {strides = array<i32>} : memref<50x128xf32, #tpu.memory_space<vmem>>, vector<1x16xf32>,
      %swap3A_331 = vector.shape_cast %swap3A_330 : vector<1x16xf32> to vector<16xf32>
      %swap3A_332 = vector.shape_cast %mul3A_327 : vector<16xf32> to vector<1x16xf32>
      tpu.vector_store %arg10[%swap3A_328, %swap3A_329], %swap3A_332 {strides = array<i32>} : memref<50x128xf32, #tpu.memory_space<vmem>>, vector<1x16xf32>,
      %get3A_333 = arith.index_cast %scan3A_310 : i32 to index
      %get3A_334 = arith.constant 32 : index
      %get3A_335 = tpu.vector_load %arg6[%get3A_333, %get3A_334] {strides = array<i32>} : memref<50x128xf32, #tpu.memory_space<vmem>>, vector<1x16xf32>,
      %get3A_336 = vector.shape_cast %get3A_335 : vector<1x16xf32> to vector<16xf32>
      %mul3A_337 = arith.constant 11.3137083 : f32
      %mul3A_338 = vector.broadcast %mul3A_337 : f32 to vector<16xf32>
      %mul3A_339 = arith.mulf %get3A_336, %mul3A_338 : vector<16xf32>
      %swap3A_340 = arith.index_cast %scan3A_310 : i32 to index
      %swap3A_341 = arith.constant 32 : index
      %swap3A_342 = tpu.vector_load %arg10[%swap3A_340, %swap3A_341] {strides = array<i32>} : memref<50x128xf32, #tpu.memory_space<vmem>>, vector<1x16xf32>,
      %swap3A_343 = vector.shape_cast %swap3A_342 : vector<1x16xf32> to vector<16xf32>
      %swap3A_344 = vector.shape_cast %mul3A_339 : vector<16xf32> to vector<1x16xf32>
      tpu.vector_store %arg10[%swap3A_340, %swap3A_341], %swap3A_344 {strides = array<i32>} : memref<50x128xf32, #tpu.memory_space<vmem>>, vector<1x16xf32>,
      %get3A_345 = arith.index_cast %scan3A_310 : i32 to index
      %get3A_346 = arith.constant 48 : index
      %get3A_347 = tpu.vector_load %arg6[%get3A_345, %get3A_346] {strides = array<i32>} : memref<50x128xf32, #tpu.memory_space<vmem>>, vector<1x16xf32>,
      %get3A_348 = vector.shape_cast %get3A_347 : vector<1x16xf32> to vector<16xf32>
      %mul3A_349 = arith.constant 11.3137083 : f32
      %mul3A_350 = vector.broadcast %mul3A_349 : f32 to vector<16xf32>
      %mul3A_351 = arith.mulf %get3A_348, %mul3A_350 : vector<16xf32>
      %swap3A_352 = arith.index_cast %scan3A_310 : i32 to index
      %swap3A_353 = arith.constant 48 : index
      %swap3A_354 = tpu.vector_load %arg10[%swap3A_352, %swap3A_353] {strides = array<i32>} : memref<50x128xf32, #tpu.memory_space<vmem>>, vector<1x16xf32>,
      %swap3A_355 = vector.shape_cast %swap3A_354 : vector<1x16xf32> to vector<16xf32>
      %swap3A_356 = vector.shape_cast %mul3A_351 : vector<16xf32> to vector<1x16xf32>
      tpu.vector_store %arg10[%swap3A_352, %swap3A_353], %swap3A_356 {strides = array<i32>} : memref<50x128xf32, #tpu.memory_space<vmem>>, vector<1x16xf32>,
      %get3A_357 = arith.index_cast %scan3A_310 : i32 to index
      %get3A_358 = arith.constant 64 : index
      %get3A_359 = tpu.vector_load %arg6[%get3A_357, %get3A_358] {strides = array<i32>} : memref<50x128xf32, #tpu.memory_space<vmem>>, vector<1x16xf32>,
      %get3A_360 = vector.shape_cast %get3A_359 : vector<1x16xf32> to vector<16xf32>
      %mul3A_361 = arith.constant 11.3137083 : f32
      %mul3A_362 = vector.broadcast %mul3A_361 : f32 to vector<16xf32>
      %mul3A_363 = arith.mulf %get3A_360, %mul3A_362 : vector<16xf32>
      %swap3A_364 = arith.index_cast %scan3A_310 : i32 to index
      %swap3A_365 = arith.constant 64 : index
      %swap3A_366 = tpu.vector_load %arg10[%swap3A_364, %swap3A_365] {strides = array<i32>} : memref<50x128xf32, #tpu.memory_space<vmem>>, vector<1x16xf32>,
      %swap3A_367 = vector.shape_cast %swap3A_366 : vector<1x16xf32> to vector<16xf32>
      %swap3A_368 = vector.shape_cast %mul3A_363 : vector<16xf32> to vector<1x16xf32>
      tpu.vector_store %arg10[%swap3A_364, %swap3A_365], %swap3A_368 {strides = array<i32>} : memref<50x128xf32, #tpu.memory_space<vmem>>, vector<1x16xf32>,
      %get3A_369 = arith.index_cast %scan3A_310 : i32 to index
      %get3A_370 = arith.constant 80 : index
      %get3A_371 = tpu.vector_load %arg6[%get3A_369, %get3A_370] {strides = array<i32>} : memref<50x128xf32, #tpu.memory_space<vmem>>, vector<1x16xf32>,
      %get3A_372 = vector.shape_cast %get3A_371 : vector<1x16xf32> to vector<16xf32>
      %mul3A_373 = arith.constant 11.3137083 : f32
      %mul3A_374 = vector.broadcast %mul3A_373 : f32 to vector<16xf32>
      %mul3A_375 = arith.mulf %get3A_372, %mul3A_374 : vector<16xf32>
      %swap3A_376 = arith.index_cast %scan3A_310 : i32 to index
      %swap3A_377 = arith.constant 80 : index
      %swap3A_378 = tpu.vector_load %arg10[%swap3A_376, %swap3A_377] {strides = array<i32>} : memref<50x128xf32, #tpu.memory_space<vmem>>, vector<1x16xf32>,
      %swap3A_379 = vector.shape_cast %swap3A_378 : vector<1x16xf32> to vector<16xf32>
      %swap3A_380 = vector.shape_cast %mul3A_375 : vector<16xf32> to vector<1x16xf32>
      tpu.vector_store %arg10[%swap3A_376, %swap3A_377], %swap3A_380 {strides = array<i32>} : memref<50x128xf32, #tpu.memory_space<vmem>>, vector<1x16xf32>,
      %get3A_381 = arith.index_cast %scan3A_310 : i32 to index
      %get3A_382 = arith.constant 96 : index
      %get3A_383 = tpu.vector_load %arg6[%get3A_381, %get3A_382] {strides = array<i32>} : memref<50x128xf32, #tpu.memory_space<vmem>>, vector<1x16xf32>,
      %get3A_384 = vector.shape_cast %get3A_383 : vector<1x16xf32> to vector<16xf32>
      %mul3A_385 = arith.constant 11.3137083 : f32
      %mul3A_386 = vector.broadcast %mul3A_385 : f32 to vector<16xf32>
      %mul3A_387 = arith.mulf %get3A_384, %mul3A_386 : vector<16xf32>
      %swap3A_388 = arith.index_cast %scan3A_310 : i32 to index
      %swap3A_389 = arith.constant 96 : index
      %swap3A_390 = tpu.vector_load %arg10[%swap3A_388, %swap3A_389] {strides = array<i32>} : memref<50x128xf32, #tpu.memory_space<vmem>>, vector<1x16xf32>,
      %swap3A_391 = vector.shape_cast %swap3A_390 : vector<1x16xf32> to vector<16xf32>
      %swap3A_392 = vector.shape_cast %mul3A_387 : vector<16xf32> to vector<1x16xf32>
      tpu.vector_store %arg10[%swap3A_388, %swap3A_389], %swap3A_392 {strides = array<i32>} : memref<50x128xf32, #tpu.memory_space<vmem>>, vector<1x16xf32>,
      %get3A_393 = arith.index_cast %scan3A_310 : i32 to index
      %get3A_394 = arith.constant 112 : index
      %get3A_395 = tpu.vector_load %arg6[%get3A_393, %get3A_394] {strides = array<i32>} : memref<50x128xf32, #tpu.memory_space<vmem>>, vector<1x16xf32>,
      %get3A_396 = vector.shape_cast %get3A_395 : vector<1x16xf32> to vector<16xf32>
      %mul3A_397 = arith.constant 11.3137083 : f32
      %mul3A_398 = vector.broadcast %mul3A_397 : f32 to vector<16xf32>
      %mul3A_399 = arith.mulf %get3A_396, %mul3A_398 : vector<16xf32>
      %swap3A_400 = arith.index_cast %scan3A_310 : i32 to index
      %swap3A_401 = arith.constant 112 : index
      %swap3A_402 = tpu.vector_load %arg10[%swap3A_400, %swap3A_401] {strides = array<i32>} : memref<50x128xf32, #tpu.memory_space<vmem>>, vector<1x16xf32>,
      %swap3A_403 = vector.shape_cast %swap3A_402 : vector<1x16xf32> to vector<16xf32>
      %swap3A_404 = vector.shape_cast %mul3A_399 : vector<16xf32> to vector<1x16xf32>
      tpu.vector_store %arg10[%swap3A_400, %swap3A_401], %swap3A_404 {strides = array<i32>} : memref<50x128xf32, #tpu.memory_space<vmem>>, vector<1x16xf32>,
    }
    %scan3A_40 = arith.constant 50 : i32
    %dma_start3A_41 = arith.constant 4 : i32
    %dma_start3A_42 = arith.constant 0 : i32
    %dma_start3A_43 = tpu.memref_slice %arg5[%dma_start3A_41, %dma_start3A_42] : memref<128x50xi32, #tpu.memory_space<vmem>> -> memref<1x50xi32, #tpu.memory_space<vmem>>
    %dma_start3A_44 = tpu.memref_squeeze %dma_start3A_43 : memref<1x50xi32, #tpu.memory_space<vmem>> -> memref<50xi32, #tpu.memory_space<vmem>>
    %dma_start3A_45 = arith.constant 0 : i32
    %dma_start3A_46 = arith.constant 0 : i32
    %dma_start3A_47 = tpu.memref_slice %arg2[%dma_start3A_45, %dma_start3A_46] : memref<100000x128xf32, #tpu.memory_space<hbm>> -> memref<100000x128xf32, #tpu.memory_space<hbm>>
    tpu.enqueue_indirect_dma source(%dma_start3A_47 : memref<100000x128xf32, #tpu.memory_space<hbm>>) target(%arg6 : memref<50x128xf32, #tpu.memory_space<vmem>>) offsets(%dma_start3A_44 : memref<50xi32, #tpu.memory_space<vmem>>) semaphore(%arg14 : memref<!tpu.dma_semaphore, #tpu.memory_space<semaphore_mem>>)
    %add3A_48 = arith.constant 0 : i32
    %add3A_49 = arith.addi %mul3A_2, %add3A_48 : i32
    %dma_start3A_50 = arith.constant 0 : i32
    %dma_start3A_51 = arith.constant 0 : i32
    %dma_start3A_52 = tpu.memref_slice %arg4[%add3A_49, %dma_start3A_50, %dma_start3A_51] : memref<4096x50x128xf32, #tpu.memory_space<hbm>> -> memref<1x50x128xf32, #tpu.memory_space<hbm>>
    %dma_start3A_53 = tpu.memref_squeeze %dma_start3A_52 : memref<1x50x128xf32, #tpu.memory_space<hbm>> -> memref<50x128xf32, #tpu.memory_space<hbm>>
    %dma_start3A_54 = arith.constant 0 : i32
    %dma_start3A_55 = arith.constant 0 : i32
    %dma_start3A_56 = tpu.memref_slice %arg4[%add3A_49, %dma_start3A_54, %dma_start3A_55] : memref<4096x50x128xf32, #tpu.memory_space<hbm>> -> memref<1x50x128xf32, #tpu.memory_space<hbm>>
    %dma_start3A_57 = tpu.memref_squeeze %dma_start3A_56 : memref<1x50x128xf32, #tpu.memory_space<hbm>> -> memref<50x128xf32, #tpu.memory_space<hbm>>
    tpu.enqueue_dma source(%arg10 : memref<50x128xf32, #tpu.memory_space<vmem>>) target(%dma_start3A_57 : memref<50x128xf32, #tpu.memory_space<hbm>>) target_semaphore(%arg18 : memref<!tpu.dma_semaphore, #tpu.memory_space<semaphore_mem>>)
    %dma_wait3A_58 = arith.constant 0 : i32
    %dma_wait3A_59 = arith.constant 0 : i32
    %dma_wait3A_60 = tpu.memref_slice %arg5[%dma_wait3A_58, %dma_wait3A_59] : memref<128x50xi32, #tpu.memory_space<vmem>> -> memref<1x50xi32, #tpu.memory_space<vmem>>
    %dma_wait3A_61 = tpu.memref_squeeze %dma_wait3A_60 : memref<1x50xi32, #tpu.memory_space<vmem>> -> memref<50xi32, #tpu.memory_space<vmem>>
    %dma_wait3A_62 = arith.constant 0 : i32
    %dma_wait3A_63 = arith.constant 0 : i32
    %dma_wait3A_64 = tpu.memref_slice %arg2[%dma_wait3A_62, %dma_wait3A_63] : memref<100000x128xf32, #tpu.memory_space<hbm>> -> memref<100000x128xf32, #tpu.memory_space<hbm>>
    tpu.wait_indirect_dma semaphore(%arg15 : memref<!tpu.dma_semaphore, #tpu.memory_space<semaphore_mem>>) src(%dma_wait3A_64 : memref<100000x128xf32, #tpu.memory_space<hbm>>) dst(%arg7 : memref<50x128xf32, #tpu.memory_space<vmem>>)
    %scan3A_65 = arith.constant 0 : i32
    %scan3A_66 = arith.constant 0 : i32
    %scan3A_67 = arith.constant 50 : i32
    %scan3A_68 = arith.addi %scan3A_66, %scan3A_67 : i32
    %scan3A_69 = arith.constant 1 : i32
    scf.for %scan3A_310 = %scan3A_66 to %scan3A_68 step %scan3A_69  : i32 {
      %get3A = arith.index_cast %scan3A_310 : i32 to index
      %get3A_311 = arith.constant 0 : index
      %get3A_312 = tpu.vector_load %arg7[%get3A, %get3A_311] {strides = array<i32>} : memref<50x128xf32, #tpu.memory_space<vmem>>, vector<1x16xf32>,
      %get3A_313 = vector.shape_cast %get3A_312 : vector<1x16xf32> to vector<16xf32>
      %mul3A_314 = arith.constant 11.3137083 : f32
      %mul3A_315 = vector.broadcast %mul3A_314 : f32 to vector<16xf32>
      %mul3A_316 = arith.mulf %get3A_313, %mul3A_315 : vector<16xf32>
      %swap3A = arith.index_cast %scan3A_310 : i32 to index
      %swap3A_317 = arith.constant 0 : index
      %swap3A_318 = tpu.vector_load %arg11[%swap3A, %swap3A_317] {strides = array<i32>} : memref<50x128xf32, #tpu.memory_space<vmem>>, vector<1x16xf32>,
      %swap3A_319 = vector.shape_cast %swap3A_318 : vector<1x16xf32> to vector<16xf32>
      %swap3A_320 = vector.shape_cast %mul3A_316 : vector<16xf32> to vector<1x16xf32>
      tpu.vector_store %arg11[%swap3A, %swap3A_317], %swap3A_320 {strides = array<i32>} : memref<50x128xf32, #tpu.memory_space<vmem>>, vector<1x16xf32>,
      %get3A_321 = arith.index_cast %scan3A_310 : i32 to index
      %get3A_322 = arith.constant 16 : index
      %get3A_323 = tpu.vector_load %arg7[%get3A_321, %get3A_322] {strides = array<i32>} : memref<50x128xf32, #tpu.memory_space<vmem>>, vector<1x16xf32>,
      %get3A_324 = vector.shape_cast %get3A_323 : vector<1x16xf32> to vector<16xf32>
      %mul3A_325 = arith.constant 11.3137083 : f32
      %mul3A_326 = vector.broadcast %mul3A_325 : f32 to vector<16xf32>
      %mul3A_327 = arith.mulf %get3A_324, %mul3A_326 : vector<16xf32>
      %swap3A_328 = arith.index_cast %scan3A_310 : i32 to index
      %swap3A_329 = arith.constant 16 : index
      %swap3A_330 = tpu.vector_load %arg11[%swap3A_328, %swap3A_329] {strides = array<i32>} : memref<50x128xf32, #tpu.memory_space<vmem>>, vector<1x16xf32>,
      %swap3A_331 = vector.shape_cast %swap3A_330 : vector<1x16xf32> to vector<16xf32>
      %swap3A_332 = vector.shape_cast %mul3A_327 : vector<16xf32> to vector<1x16xf32>
      tpu.vector_store %arg11[%swap3A_328, %swap3A_329], %swap3A_332 {strides = array<i32>} : memref<50x128xf32, #tpu.memory_space<vmem>>, vector<1x16xf32>,
      %get3A_333 = arith.index_cast %scan3A_310 : i32 to index
      %get3A_334 = arith.constant 32 : index
      %get3A_335 = tpu.vector_load %arg7[%get3A_333, %get3A_334] {strides = array<i32>} : memref<50x128xf32, #tpu.memory_space<vmem>>, vector<1x16xf32>,
      %get3A_336 = vector.shape_cast %get3A_335 : vector<1x16xf32> to vector<16xf32>
      %mul3A_337 = arith.constant 11.3137083 : f32
      %mul3A_338 = vector.broadcast %mul3A_337 : f32 to vector<16xf32>
      %mul3A_339 = arith.mulf %get3A_336, %mul3A_338 : vector<16xf32>
      %swap3A_340 = arith.index_cast %scan3A_310 : i32 to index
      %swap3A_341 = arith.constant 32 : index
      %swap3A_342 = tpu.vector_load %arg11[%swap3A_340, %swap3A_341] {strides = array<i32>} : memref<50x128xf32, #tpu.memory_space<vmem>>, vector<1x16xf32>,
      %swap3A_343 = vector.shape_cast %swap3A_342 : vector<1x16xf32> to vector<16xf32>
      %swap3A_344 = vector.shape_cast %mul3A_339 : vector<16xf32> to vector<1x16xf32>
      tpu.vector_store %arg11[%swap3A_340, %swap3A_341], %swap3A_344 {strides = array<i32>} : memref<50x128xf32, #tpu.memory_space<vmem>>, vector<1x16xf32>,
      %get3A_345 = arith.index_cast %scan3A_310 : i32 to index
      %get3A_346 = arith.constant 48 : index
      %get3A_347 = tpu.vector_load %arg7[%get3A_345, %get3A_346] {strides = array<i32>} : memref<50x128xf32, #tpu.memory_space<vmem>>, vector<1x16xf32>,
      %get3A_348 = vector.shape_cast %get3A_347 : vector<1x16xf32> to vector<16xf32>
      %mul3A_349 = arith.constant 11.3137083 : f32
      %mul3A_350 = vector.broadcast %mul3A_349 : f32 to vector<16xf32>
      %mul3A_351 = arith.mulf %get3A_348, %mul3A_350 : vector<16xf32>
      %swap3A_352 = arith.index_cast %scan3A_310 : i32 to index
      %swap3A_353 = arith.constant 48 : index
      %swap3A_354 = tpu.vector_load %arg11[%swap3A_352, %swap3A_353] {strides = array<i32>} : memref<50x128xf32, #tpu.memory_space<vmem>>, vector<1x16xf32>,
      %swap3A_355 = vector.shape_cast %swap3A_354 : vector<1x16xf32> to vector<16xf32>
      %swap3A_356 = vector.shape_cast %mul3A_351 : vector<16xf32> to vector<1x16xf32>
      tpu.vector_store %arg11[%swap3A_352, %swap3A_353], %swap3A_356 {strides = array<i32>} : memref<50x128xf32, #tpu.memory_space<vmem>>, vector<1x16xf32>,
      %get3A_357 = arith.index_cast %scan3A_310 : i32 to index
      %get3A_358 = arith.constant 64 : index
      %get3A_359 = tpu.vector_load %arg7[%get3A_357, %get3A_358] {strides = array<i32>} : memref<50x128xf32, #tpu.memory_space<vmem>>, vector<1x16xf32>,
      %get3A_360 = vector.shape_cast %get3A_359 : vector<1x16xf32> to vector<16xf32>
      %mul3A_361 = arith.constant 11.3137083 : f32
      %mul3A_362 = vector.broadcast %mul3A_361 : f32 to vector<16xf32>
      %mul3A_363 = arith.mulf %get3A_360, %mul3A_362 : vector<16xf32>
      %swap3A_364 = arith.index_cast %scan3A_310 : i32 to index
      %swap3A_365 = arith.constant 64 : index
      %swap3A_366 = tpu.vector_load %arg11[%swap3A_364, %swap3A_365] {strides = array<i32>} : memref<50x128xf32, #tpu.memory_space<vmem>>, vector<1x16xf32>,
      %swap3A_367 = vector.shape_cast %swap3A_366 : vector<1x16xf32> to vector<16xf32>
      %swap3A_368 = vector.shape_cast %mul3A_363 : vector<16xf32> to vector<1x16xf32>
      tpu.vector_store %arg11[%swap3A_364, %swap3A_365], %swap3A_368 {strides = array<i32>} : memref<50x128xf32, #tpu.memory_space<vmem>>, vector<1x16xf32>,
      %get3A_369 = arith.index_cast %scan3A_310 : i32 to index
      %get3A_370 = arith.constant 80 : index
      %get3A_371 = tpu.vector_load %arg7[%get3A_369, %get3A_370] {strides = array<i32>} : memref<50x128xf32, #tpu.memory_space<vmem>>, vector<1x16xf32>,
      %get3A_372 = vector.shape_cast %get3A_371 : vector<1x16xf32> to vector<16xf32>
      %mul3A_373 = arith.constant 11.3137083 : f32
      %mul3A_374 = vector.broadcast %mul3A_373 : f32 to vector<16xf32>
      %mul3A_375 = arith.mulf %get3A_372, %mul3A_374 : vector<16xf32>
      %swap3A_376 = arith.index_cast %scan3A_310 : i32 to index
      %swap3A_377 = arith.constant 80 : index
      %swap3A_378 = tpu.vector_load %arg11[%swap3A_376, %swap3A_377] {strides = array<i32>} : memref<50x128xf32, #tpu.memory_space<vmem>>, vector<1x16xf32>,
      %swap3A_379 = vector.shape_cast %swap3A_378 : vector<1x16xf32> to vector<16xf32>
      %swap3A_380 = vector.shape_cast %mul3A_375 : vector<16xf32> to vector<1x16xf32>
      tpu.vector_store %arg11[%swap3A_376, %swap3A_377], %swap3A_380 {strides = array<i32>} : memref<50x128xf32, #tpu.memory_space<vmem>>, vector<1x16xf32>,
      %get3A_381 = arith.index_cast %scan3A_310 : i32 to index
      %get3A_382 = arith.constant 96 : index
      %get3A_383 = tpu.vector_load %arg7[%get3A_381, %get3A_382] {strides = array<i32>} : memref<50x128xf32, #tpu.memory_space<vmem>>, vector<1x16xf32>,
      %get3A_384 = vector.shape_cast %get3A_383 : vector<1x16xf32> to vector<16xf32>
      %mul3A_385 = arith.constant 11.3137083 : f32
      %mul3A_386 = vector.broadcast %mul3A_385 : f32 to vector<16xf32>
      %mul3A_387 = arith.mulf %get3A_384, %mul3A_386 : vector<16xf32>
      %swap3A_388 = arith.index_cast %scan3A_310 : i32 to index
      %swap3A_389 = arith.constant 96 : index
      %swap3A_390 = tpu.vector_load %arg11[%swap3A_388, %swap3A_389] {strides = array<i32>} : memref<50x128xf32, #tpu.memory_space<vmem>>, vector<1x16xf32>,
      %swap3A_391 = vector.shape_cast %swap3A_390 : vector<1x16xf32> to vector<16xf32>
      %swap3A_392 = vector.shape_cast %mul3A_387 : vector<16xf32> to vector<1x16xf32>
      tpu.vector_store %arg11[%swap3A_388, %swap3A_389], %swap3A_392 {strides = array<i32>} : memref<50x128xf32, #tpu.memory_space<vmem>>, vector<1x16xf32>,
      %get3A_393 = arith.index_cast %scan3A_310 : i32 to index
      %get3A_394 = arith.constant 112 : index
      %get3A_395 = tpu.vector_load %arg7[%get3A_393, %get3A_394] {strides = array<i32>} : memref<50x128xf32, #tpu.memory_space<vmem>>, vector<1x16xf32>,
      %get3A_396 = vector.shape_cast %get3A_395 : vector<1x16xf32> to vector<16xf32>
      %mul3A_397 = arith.constant 11.3137083 : f32
      %mul3A_398 = vector.broadcast %mul3A_397 : f32 to vector<16xf32>
      %mul3A_399 = arith.mulf %get3A_396, %mul3A_398 : vector<16xf32>
      %swap3A_400 = arith.index_cast %scan3A_310 : i32 to index
      %swap3A_401 = arith.constant 112 : index
      %swap3A_402 = tpu.vector_load %arg11[%swap3A_400, %swap3A_401] {strides = array<i32>} : memref<50x128xf32, #tpu.memory_space<vmem>>, vector<1x16xf32>,
      %swap3A_403 = vector.shape_cast %swap3A_402 : vector<1x16xf32> to vector<16xf32>
      %swap3A_404 = vector.shape_cast %mul3A_399 : vector<16xf32> to vector<1x16xf32>
      tpu.vector_store %arg11[%swap3A_400, %swap3A_401], %swap3A_404 {strides = array<i32>} : memref<50x128xf32, #tpu.memory_space<vmem>>, vector<1x16xf32>,
    }
    %scan3A_70 = arith.constant 50 : i32
    %dma_start3A_71 = arith.constant 5 : i32
    %dma_start3A_72 = arith.constant 0 : i32
    %dma_start3A_73 = tpu.memref_slice %arg5[%dma_start3A_71, %dma_start3A_72] : memref<128x50xi32, #tpu.memory_space<vmem>> -> memref<1x50xi32, #tpu.memory_space<vmem>>
    %dma_start3A_74 = tpu.memref_squeeze %dma_start3A_73 : memref<1x50xi32, #tpu.memory_space<vmem>> -> memref<50xi32, #tpu.memory_space<vmem>>
    %dma_start3A_75 = arith.constant 0 : i32
    %dma_start3A_76 = arith.constant 0 : i32
    %dma_start3A_77 = tpu.memref_slice %arg2[%dma_start3A_75, %dma_start3A_76] : memref<100000x128xf32, #tpu.memory_space<hbm>> -> memref<100000x128xf32, #tpu.memory_space<hbm>>
    tpu.enqueue_indirect_dma source(%dma_start3A_77 : memref<100000x128xf32, #tpu.memory_space<hbm>>) target(%arg7 : memref<50x128xf32, #tpu.memory_space<vmem>>) offsets(%dma_start3A_74 : memref<50xi32, #tpu.memory_space<vmem>>) semaphore(%arg15 : memref<!tpu.dma_semaphore, #tpu.memory_space<semaphore_mem>>)
    %add3A_78 = arith.constant 1 : i32
    %add3A_79 = arith.addi %mul3A_2, %add3A_78 : i32
    %dma_start3A_80 = arith.constant 0 : i32
    %dma_start3A_81 = arith.constant 0 : i32
    %dma_start3A_82 = tpu.memref_slice %arg4[%add3A_79, %dma_start3A_80, %dma_start3A_81] : memref<4096x50x128xf32, #tpu.memory_space<hbm>> -> memref<1x50x128xf32, #tpu.memory_space<hbm>>
    %dma_start3A_83 = tpu.memref_squeeze %dma_start3A_82 : memref<1x50x128xf32, #tpu.memory_space<hbm>> -> memref<50x128xf32, #tpu.memory_space<hbm>>
    %dma_start3A_84 = arith.constant 0 : i32
    %dma_start3A_85 = arith.constant 0 : i32
    %dma_start3A_86 = tpu.memref_slice %arg4[%add3A_79, %dma_start3A_84, %dma_start3A_85] : memref<4096x50x128xf32, #tpu.memory_space<hbm>> -> memref<1x50x128xf32, #tpu.memory_space<hbm>>
    %dma_start3A_87 = tpu.memref_squeeze %dma_start3A_86 : memref<1x50x128xf32, #tpu.memory_space<hbm>> -> memref<50x128xf32, #tpu.memory_space<hbm>>
    tpu.enqueue_dma source(%arg11 : memref<50x128xf32, #tpu.memory_space<vmem>>) target(%dma_start3A_87 : memref<50x128xf32, #tpu.memory_space<hbm>>) target_semaphore(%arg19 : memref<!tpu.dma_semaphore, #tpu.memory_space<semaphore_mem>>)
    %dma_wait3A_88 = arith.constant 0 : i32
    %dma_wait3A_89 = arith.constant 0 : i32
    %dma_wait3A_90 = tpu.memref_slice %arg5[%dma_wait3A_88, %dma_wait3A_89] : memref<128x50xi32, #tpu.memory_space<vmem>> -> memref<1x50xi32, #tpu.memory_space<vmem>>
    %dma_wait3A_91 = tpu.memref_squeeze %dma_wait3A_90 : memref<1x50xi32, #tpu.memory_space<vmem>> -> memref<50xi32, #tpu.memory_space<vmem>>
    %dma_wait3A_92 = arith.constant 0 : i32
    %dma_wait3A_93 = arith.constant 0 : i32
    %dma_wait3A_94 = tpu.memref_slice %arg2[%dma_wait3A_92, %dma_wait3A_93] : memref<100000x128xf32, #tpu.memory_space<hbm>> -> memref<100000x128xf32, #tpu.memory_space<hbm>>
    tpu.wait_indirect_dma semaphore(%arg16 : memref<!tpu.dma_semaphore, #tpu.memory_space<semaphore_mem>>) src(%dma_wait3A_94 : memref<100000x128xf32, #tpu.memory_space<hbm>>) dst(%arg8 : memref<50x128xf32, #tpu.memory_space<vmem>>)
    %scan3A_95 = arith.constant 0 : i32
    %scan3A_96 = arith.constant 0 : i32
    %scan3A_97 = arith.constant 50 : i32
    %scan3A_98 = arith.addi %scan3A_96, %scan3A_97 : i32
    %scan3A_99 = arith.constant 1 : i32
    scf.for %scan3A_310 = %scan3A_96 to %scan3A_98 step %scan3A_99  : i32 {
      %get3A = arith.index_cast %scan3A_310 : i32 to index
      %get3A_311 = arith.constant 0 : index
      %get3A_312 = tpu.vector_load %arg8[%get3A, %get3A_311] {strides = array<i32>} : memref<50x128xf32, #tpu.memory_space<vmem>>, vector<1x16xf32>,
      %get3A_313 = vector.shape_cast %get3A_312 : vector<1x16xf32> to vector<16xf32>
      %mul3A_314 = arith.constant 11.3137083 : f32
      %mul3A_315 = vector.broadcast %mul3A_314 : f32 to vector<16xf32>
      %mul3A_316 = arith.mulf %get3A_313, %mul3A_315 : vector<16xf32>
      %swap3A = arith.index_cast %scan3A_310 : i32 to index
      %swap3A_317 = arith.constant 0 : index
      %swap3A_318 = tpu.vector_load %arg12[%swap3A, %swap3A_317] {strides = array<i32>} : memref<50x128xf32, #tpu.memory_space<vmem>>, vector<1x16xf32>,
      %swap3A_319 = vector.shape_cast %swap3A_318 : vector<1x16xf32> to vector<16xf32>
      %swap3A_320 = vector.shape_cast %mul3A_316 : vector<16xf32> to vector<1x16xf32>
      tpu.vector_store %arg12[%swap3A, %swap3A_317], %swap3A_320 {strides = array<i32>} : memref<50x128xf32, #tpu.memory_space<vmem>>, vector<1x16xf32>,
      %get3A_321 = arith.index_cast %scan3A_310 : i32 to index
      %get3A_322 = arith.constant 16 : index
      %get3A_323 = tpu.vector_load %arg8[%get3A_321, %get3A_322] {strides = array<i32>} : memref<50x128xf32, #tpu.memory_space<vmem>>, vector<1x16xf32>,
      %get3A_324 = vector.shape_cast %get3A_323 : vector<1x16xf32> to vector<16xf32>
      %mul3A_325 = arith.constant 11.3137083 : f32
      %mul3A_326 = vector.broadcast %mul3A_325 : f32 to vector<16xf32>
      %mul3A_327 = arith.mulf %get3A_324, %mul3A_326 : vector<16xf32>
      %swap3A_328 = arith.index_cast %scan3A_310 : i32 to index
      %swap3A_329 = arith.constant 16 : index
      %swap3A_330 = tpu.vector_load %arg12[%swap3A_328, %swap3A_329] {strides = array<i32>} : memref<50x128xf32, #tpu.memory_space<vmem>>, vector<1x16xf32>,
      %swap3A_331 = vector.shape_cast %swap3A_330 : vector<1x16xf32> to vector<16xf32>
      %swap3A_332 = vector.shape_cast %mul3A_327 : vector<16xf32> to vector<1x16xf32>
      tpu.vector_store %arg12[%swap3A_328, %swap3A_329], %swap3A_332 {strides = array<i32>} : memref<50x128xf32, #tpu.memory_space<vmem>>, vector<1x16xf32>,
      %get3A_333 = arith.index_cast %scan3A_310 : i32 to index
      %get3A_334 = arith.constant 32 : index
      %get3A_335 = tpu.vector_load %arg8[%get3A_333, %get3A_334] {strides = array<i32>} : memref<50x128xf32, #tpu.memory_space<vmem>>, vector<1x16xf32>,
      %get3A_336 = vector.shape_cast %get3A_335 : vector<1x16xf32> to vector<16xf32>
      %mul3A_337 = arith.constant 11.3137083 : f32
      %mul3A_338 = vector.broadcast %mul3A_337 : f32 to vector<16xf32>
      %mul3A_339 = arith.mulf %get3A_336, %mul3A_338 : vector<16xf32>
      %swap3A_340 = arith.index_cast %scan3A_310 : i32 to index
      %swap3A_341 = arith.constant 32 : index
      %swap3A_342 = tpu.vector_load %arg12[%swap3A_340, %swap3A_341] {strides = array<i32>} : memref<50x128xf32, #tpu.memory_space<vmem>>, vector<1x16xf32>,
      %swap3A_343 = vector.shape_cast %swap3A_342 : vector<1x16xf32> to vector<16xf32>
      %swap3A_344 = vector.shape_cast %mul3A_339 : vector<16xf32> to vector<1x16xf32>
      tpu.vector_store %arg12[%swap3A_340, %swap3A_341], %swap3A_344 {strides = array<i32>} : memref<50x128xf32, #tpu.memory_space<vmem>>, vector<1x16xf32>,
      %get3A_345 = arith.index_cast %scan3A_310 : i32 to index
      %get3A_346 = arith.constant 48 : index
      %get3A_347 = tpu.vector_load %arg8[%get3A_345, %get3A_346] {strides = array<i32>} : memref<50x128xf32, #tpu.memory_space<vmem>>, vector<1x16xf32>,
      %get3A_348 = vector.shape_cast %get3A_347 : vector<1x16xf32> to vector<16xf32>
      %mul3A_349 = arith.constant 11.3137083 : f32
      %mul3A_350 = vector.broadcast %mul3A_349 : f32 to vector<16xf32>
      %mul3A_351 = arith.mulf %get3A_348, %mul3A_350 : vector<16xf32>
      %swap3A_352 = arith.index_cast %scan3A_310 : i32 to index
      %swap3A_353 = arith.constant 48 : index
      %swap3A_354 = tpu.vector_load %arg12[%swap3A_352, %swap3A_353] {strides = array<i32>} : memref<50x128xf32, #tpu.memory_space<vmem>>, vector<1x16xf32>,
      %swap3A_355 = vector.shape_cast %swap3A_354 : vector<1x16xf32> to vector<16xf32>
      %swap3A_356 = vector.shape_cast %mul3A_351 : vector<16xf32> to vector<1x16xf32>
      tpu.vector_store %arg12[%swap3A_352, %swap3A_353], %swap3A_356 {strides = array<i32>} : memref<50x128xf32, #tpu.memory_space<vmem>>, vector<1x16xf32>,
      %get3A_357 = arith.index_cast %scan3A_310 : i32 to index
      %get3A_358 = arith.constant 64 : index
      %get3A_359 = tpu.vector_load %arg8[%get3A_357, %get3A_358] {strides = array<i32>} : memref<50x128xf32, #tpu.memory_space<vmem>>, vector<1x16xf32>,
      %get3A_360 = vector.shape_cast %get3A_359 : vector<1x16xf32> to vector<16xf32>
      %mul3A_361 = arith.constant 11.3137083 : f32
      %mul3A_362 = vector.broadcast %mul3A_361 : f32 to vector<16xf32>
      %mul3A_363 = arith.mulf %get3A_360, %mul3A_362 : vector<16xf32>
      %swap3A_364 = arith.index_cast %scan3A_310 : i32 to index
      %swap3A_365 = arith.constant 64 : index
      %swap3A_366 = tpu.vector_load %arg12[%swap3A_364, %swap3A_365] {strides = array<i32>} : memref<50x128xf32, #tpu.memory_space<vmem>>, vector<1x16xf32>,
      %swap3A_367 = vector.shape_cast %swap3A_366 : vector<1x16xf32> to vector<16xf32>
      %swap3A_368 = vector.shape_cast %mul3A_363 : vector<16xf32> to vector<1x16xf32>
      tpu.vector_store %arg12[%swap3A_364, %swap3A_365], %swap3A_368 {strides = array<i32>} : memref<50x128xf32, #tpu.memory_space<vmem>>, vector<1x16xf32>,
      %get3A_369 = arith.index_cast %scan3A_310 : i32 to index
      %get3A_370 = arith.constant 80 : index
      %get3A_371 = tpu.vector_load %arg8[%get3A_369, %get3A_370] {strides = array<i32>} : memref<50x128xf32, #tpu.memory_space<vmem>>, vector<1x16xf32>,
      %get3A_372 = vector.shape_cast %get3A_371 : vector<1x16xf32> to vector<16xf32>
      %mul3A_373 = arith.constant 11.3137083 : f32
      %mul3A_374 = vector.broadcast %mul3A_373 : f32 to vector<16xf32>
      %mul3A_375 = arith.mulf %get3A_372, %mul3A_374 : vector<16xf32>
      %swap3A_376 = arith.index_cast %scan3A_310 : i32 to index
      %swap3A_377 = arith.constant 80 : index
      %swap3A_378 = tpu.vector_load %arg12[%swap3A_376, %swap3A_377] {strides = array<i32>} : memref<50x128xf32, #tpu.memory_space<vmem>>, vector<1x16xf32>,
      %swap3A_379 = vector.shape_cast %swap3A_378 : vector<1x16xf32> to vector<16xf32>
      %swap3A_380 = vector.shape_cast %mul3A_375 : vector<16xf32> to vector<1x16xf32>
      tpu.vector_store %arg12[%swap3A_376, %swap3A_377], %swap3A_380 {strides = array<i32>} : memref<50x128xf32, #tpu.memory_space<vmem>>, vector<1x16xf32>,
      %get3A_381 = arith.index_cast %scan3A_310 : i32 to index
      %get3A_382 = arith.constant 96 : index
      %get3A_383 = tpu.vector_load %arg8[%get3A_381, %get3A_382] {strides = array<i32>} : memref<50x128xf32, #tpu.memory_space<vmem>>, vector<1x16xf32>,
      %get3A_384 = vector.shape_cast %get3A_383 : vector<1x16xf32> to vector<16xf32>
      %mul3A_385 = arith.constant 11.3137083 : f32
      %mul3A_386 = vector.broadcast %mul3A_385 : f32 to vector<16xf32>
      %mul3A_387 = arith.mulf %get3A_384, %mul3A_386 : vector<16xf32>
      %swap3A_388 = arith.index_cast %scan3A_310 : i32 to index
      %swap3A_389 = arith.constant 96 : index
      %swap3A_390 = tpu.vector_load %arg12[%swap3A_388, %swap3A_389] {strides = array<i32>} : memref<50x128xf32, #tpu.memory_space<vmem>>, vector<1x16xf32>,
      %swap3A_391 = vector.shape_cast %swap3A_390 : vector<1x16xf32> to vector<16xf32>
      %swap3A_392 = vector.shape_cast %mul3A_387 : vector<16xf32> to vector<1x16xf32>
      tpu.vector_store %arg12[%swap3A_388, %swap3A_389], %swap3A_392 {strides = array<i32>} : memref<50x128xf32, #tpu.memory_space<vmem>>, vector<1x16xf32>,
      %get3A_393 = arith.index_cast %scan3A_310 : i32 to index
      %get3A_394 = arith.constant 112 : index
      %get3A_395 = tpu.vector_load %arg8[%get3A_393, %get3A_394] {strides = array<i32>} : memref<50x128xf32, #tpu.memory_space<vmem>>, vector<1x16xf32>,
      %get3A_396 = vector.shape_cast %get3A_395 : vector<1x16xf32> to vector<16xf32>
      %mul3A_397 = arith.constant 11.3137083 : f32
      %mul3A_398 = vector.broadcast %mul3A_397 : f32 to vector<16xf32>
      %mul3A_399 = arith.mulf %get3A_396, %mul3A_398 : vector<16xf32>
      %swap3A_400 = arith.index_cast %scan3A_310 : i32 to index
      %swap3A_401 = arith.constant 112 : index
      %swap3A_402 = tpu.vector_load %arg12[%swap3A_400, %swap3A_401] {strides = array<i32>} : memref<50x128xf32, #tpu.memory_space<vmem>>, vector<1x16xf32>,
      %swap3A_403 = vector.shape_cast %swap3A_402 : vector<1x16xf32> to vector<16xf32>
      %swap3A_404 = vector.shape_cast %mul3A_399 : vector<16xf32> to vector<1x16xf32>
      tpu.vector_store %arg12[%swap3A_400, %swap3A_401], %swap3A_404 {strides = array<i32>} : memref<50x128xf32, #tpu.memory_space<vmem>>, vector<1x16xf32>,
    }
    %scan3A_100 = arith.constant 50 : i32
    %dma_start3A_101 = arith.constant 6 : i32
    %dma_start3A_102 = arith.constant 0 : i32
    %dma_start3A_103 = tpu.memref_slice %arg5[%dma_start3A_101, %dma_start3A_102] : memref<128x50xi32, #tpu.memory_space<vmem>> -> memref<1x50xi32, #tpu.memory_space<vmem>>
    %dma_start3A_104 = tpu.memref_squeeze %dma_start3A_103 : memref<1x50xi32, #tpu.memory_space<vmem>> -> memref<50xi32, #tpu.memory_space<vmem>>
    %dma_start3A_105 = arith.constant 0 : i32
    %dma_start3A_106 = arith.constant 0 : i32
    %dma_start3A_107 = tpu.memref_slice %arg2[%dma_start3A_105, %dma_start3A_106] : memref<100000x128xf32, #tpu.memory_space<hbm>> -> memref<100000x128xf32, #tpu.memory_space<hbm>>
    tpu.enqueue_indirect_dma source(%dma_start3A_107 : memref<100000x128xf32, #tpu.memory_space<hbm>>) target(%arg8 : memref<50x128xf32, #tpu.memory_space<vmem>>) offsets(%dma_start3A_104 : memref<50xi32, #tpu.memory_space<vmem>>) semaphore(%arg16 : memref<!tpu.dma_semaphore, #tpu.memory_space<semaphore_mem>>)
    %add3A_108 = arith.constant 2 : i32
    %add3A_109 = arith.addi %mul3A_2, %add3A_108 : i32
    %dma_start3A_110 = arith.constant 0 : i32
    %dma_start3A_111 = arith.constant 0 : i32
    %dma_start3A_112 = tpu.memref_slice %arg4[%add3A_109, %dma_start3A_110, %dma_start3A_111] : memref<4096x50x128xf32, #tpu.memory_space<hbm>> -> memref<1x50x128xf32, #tpu.memory_space<hbm>>
    %dma_start3A_113 = tpu.memref_squeeze %dma_start3A_112 : memref<1x50x128xf32, #tpu.memory_space<hbm>> -> memref<50x128xf32, #tpu.memory_space<hbm>>
    %dma_start3A_114 = arith.constant 0 : i32
    %dma_start3A_115 = arith.constant 0 : i32
    %dma_start3A_116 = tpu.memref_slice %arg4[%add3A_109, %dma_start3A_114, %dma_start3A_115] : memref<4096x50x128xf32, #tpu.memory_space<hbm>> -> memref<1x50x128xf32, #tpu.memory_space<hbm>>
    %dma_start3A_117 = tpu.memref_squeeze %dma_start3A_116 : memref<1x50x128xf32, #tpu.memory_space<hbm>> -> memref<50x128xf32, #tpu.memory_space<hbm>>
    tpu.enqueue_dma source(%arg12 : memref<50x128xf32, #tpu.memory_space<vmem>>) target(%dma_start3A_117 : memref<50x128xf32, #tpu.memory_space<hbm>>) target_semaphore(%arg20 : memref<!tpu.dma_semaphore, #tpu.memory_space<semaphore_mem>>)
    %dma_wait3A_118 = arith.constant 0 : i32
    %dma_wait3A_119 = arith.constant 0 : i32
    %dma_wait3A_120 = tpu.memref_slice %arg5[%dma_wait3A_118, %dma_wait3A_119] : memref<128x50xi32, #tpu.memory_space<vmem>> -> memref<1x50xi32, #tpu.memory_space<vmem>>
    %dma_wait3A_121 = tpu.memref_squeeze %dma_wait3A_120 : memref<1x50xi32, #tpu.memory_space<vmem>> -> memref<50xi32, #tpu.memory_space<vmem>>
    %dma_wait3A_122 = arith.constant 0 : i32
    %dma_wait3A_123 = arith.constant 0 : i32
    %dma_wait3A_124 = tpu.memref_slice %arg2[%dma_wait3A_122, %dma_wait3A_123] : memref<100000x128xf32, #tpu.memory_space<hbm>> -> memref<100000x128xf32, #tpu.memory_space<hbm>>
    tpu.wait_indirect_dma semaphore(%arg17 : memref<!tpu.dma_semaphore, #tpu.memory_space<semaphore_mem>>) src(%dma_wait3A_124 : memref<100000x128xf32, #tpu.memory_space<hbm>>) dst(%arg9 : memref<50x128xf32, #tpu.memory_space<vmem>>)
    %scan3A_125 = arith.constant 0 : i32
    %scan3A_126 = arith.constant 0 : i32
    %scan3A_127 = arith.constant 50 : i32
    %scan3A_128 = arith.addi %scan3A_126, %scan3A_127 : i32
    %scan3A_129 = arith.constant 1 : i32
    scf.for %scan3A_310 = %scan3A_126 to %scan3A_128 step %scan3A_129  : i32 {
      %get3A = arith.index_cast %scan3A_310 : i32 to index
      %get3A_311 = arith.constant 0 : index
      %get3A_312 = tpu.vector_load %arg9[%get3A, %get3A_311] {strides = array<i32>} : memref<50x128xf32, #tpu.memory_space<vmem>>, vector<1x16xf32>,
      %get3A_313 = vector.shape_cast %get3A_312 : vector<1x16xf32> to vector<16xf32>
      %mul3A_314 = arith.constant 11.3137083 : f32
      %mul3A_315 = vector.broadcast %mul3A_314 : f32 to vector<16xf32>
      %mul3A_316 = arith.mulf %get3A_313, %mul3A_315 : vector<16xf32>
      %swap3A = arith.index_cast %scan3A_310 : i32 to index
      %swap3A_317 = arith.constant 0 : index
      %swap3A_318 = tpu.vector_load %arg13[%swap3A, %swap3A_317] {strides = array<i32>} : memref<50x128xf32, #tpu.memory_space<vmem>>, vector<1x16xf32>,
      %swap3A_319 = vector.shape_cast %swap3A_318 : vector<1x16xf32> to vector<16xf32>
      %swap3A_320 = vector.shape_cast %mul3A_316 : vector<16xf32> to vector<1x16xf32>
      tpu.vector_store %arg13[%swap3A, %swap3A_317], %swap3A_320 {strides = array<i32>} : memref<50x128xf32, #tpu.memory_space<vmem>>, vector<1x16xf32>,
      %get3A_321 = arith.index_cast %scan3A_310 : i32 to index
      %get3A_322 = arith.constant 16 : index
      %get3A_323 = tpu.vector_load %arg9[%get3A_321, %get3A_322] {strides = array<i32>} : memref<50x128xf32, #tpu.memory_space<vmem>>, vector<1x16xf32>,
      %get3A_324 = vector.shape_cast %get3A_323 : vector<1x16xf32> to vector<16xf32>
      %mul3A_325 = arith.constant 11.3137083 : f32
      %mul3A_326 = vector.broadcast %mul3A_325 : f32 to vector<16xf32>
      %mul3A_327 = arith.mulf %get3A_324, %mul3A_326 : vector<16xf32>
      %swap3A_328 = arith.index_cast %scan3A_310 : i32 to index
      %swap3A_329 = arith.constant 16 : index
      %swap3A_330 = tpu.vector_load %arg13[%swap3A_328, %swap3A_329] {strides = array<i32>} : memref<50x128xf32, #tpu.memory_space<vmem>>, vector<1x16xf32>,
      %swap3A_331 = vector.shape_cast %swap3A_330 : vector<1x16xf32> to vector<16xf32>
      %swap3A_332 = vector.shape_cast %mul3A_327 : vector<16xf32> to vector<1x16xf32>
      tpu.vector_store %arg13[%swap3A_328, %swap3A_329], %swap3A_332 {strides = array<i32>} : memref<50x128xf32, #tpu.memory_space<vmem>>, vector<1x16xf32>,
      %get3A_333 = arith.index_cast %scan3A_310 : i32 to index
      %get3A_334 = arith.constant 32 : index
      %get3A_335 = tpu.vector_load %arg9[%get3A_333, %get3A_334] {strides = array<i32>} : memref<50x128xf32, #tpu.memory_space<vmem>>, vector<1x16xf32>,
      %get3A_336 = vector.shape_cast %get3A_335 : vector<1x16xf32> to vector<16xf32>
      %mul3A_337 = arith.constant 11.3137083 : f32
      %mul3A_338 = vector.broadcast %mul3A_337 : f32 to vector<16xf32>
      %mul3A_339 = arith.mulf %get3A_336, %mul3A_338 : vector<16xf32>
      %swap3A_340 = arith.index_cast %scan3A_310 : i32 to index
      %swap3A_341 = arith.constant 32 : index
      %swap3A_342 = tpu.vector_load %arg13[%swap3A_340, %swap3A_341] {strides = array<i32>} : memref<50x128xf32, #tpu.memory_space<vmem>>, vector<1x16xf32>,
      %swap3A_343 = vector.shape_cast %swap3A_342 : vector<1x16xf32> to vector<16xf32>
      %swap3A_344 = vector.shape_cast %mul3A_339 : vector<16xf32> to vector<1x16xf32>
      tpu.vector_store %arg13[%swap3A_340, %swap3A_341], %swap3A_344 {strides = array<i32>} : memref<50x128xf32, #tpu.memory_space<vmem>>, vector<1x16xf32>,
      %get3A_345 = arith.index_cast %scan3A_310 : i32 to index
      %get3A_346 = arith.constant 48 : index
      %get3A_347 = tpu.vector_load %arg9[%get3A_345, %get3A_346] {strides = array<i32>} : memref<50x128xf32, #tpu.memory_space<vmem>>, vector<1x16xf32>,
      %get3A_348 = vector.shape_cast %get3A_347 : vector<1x16xf32> to vector<16xf32>
      %mul3A_349 = arith.constant 11.3137083 : f32
      %mul3A_350 = vector.broadcast %mul3A_349 : f32 to vector<16xf32>
      %mul3A_351 = arith.mulf %get3A_348, %mul3A_350 : vector<16xf32>
      %swap3A_352 = arith.index_cast %scan3A_310 : i32 to index
      %swap3A_353 = arith.constant 48 : index
      %swap3A_354 = tpu.vector_load %arg13[%swap3A_352, %swap3A_353] {strides = array<i32>} : memref<50x128xf32, #tpu.memory_space<vmem>>, vector<1x16xf32>,
      %swap3A_355 = vector.shape_cast %swap3A_354 : vector<1x16xf32> to vector<16xf32>
      %swap3A_356 = vector.shape_cast %mul3A_351 : vector<16xf32> to vector<1x16xf32>
      tpu.vector_store %arg13[%swap3A_352, %swap3A_353], %swap3A_356 {strides = array<i32>} : memref<50x128xf32, #tpu.memory_space<vmem>>, vector<1x16xf32>,
      %get3A_357 = arith.index_cast %scan3A_310 : i32 to index
      %get3A_358 = arith.constant 64 : index
      %get3A_359 = tpu.vector_load %arg9[%get3A_357, %get3A_358] {strides = array<i32>} : memref<50x128xf32, #tpu.memory_space<vmem>>, vector<1x16xf32>,
      %get3A_360 = vector.shape_cast %get3A_359 : vector<1x16xf32> to vector<16xf32>
      %mul3A_361 = arith.constant 11.3137083 : f32
      %mul3A_362 = vector.broadcast %mul3A_361 : f32 to vector<16xf32>
      %mul3A_363 = arith.mulf %get3A_360, %mul3A_362 : vector<16xf32>
      %swap3A_364 = arith.index_cast %scan3A_310 : i32 to index
      %swap3A_365 = arith.constant 64 : index
      %swap3A_366 = tpu.vector_load %arg13[%swap3A_364, %swap3A_365] {strides = array<i32>} : memref<50x128xf32, #tpu.memory_space<vmem>>, vector<1x16xf32>,
      %swap3A_367 = vector.shape_cast %swap3A_366 : vector<1x16xf32> to vector<16xf32>
      %swap3A_368 = vector.shape_cast %mul3A_363 : vector<16xf32> to vector<1x16xf32>
      tpu.vector_store %arg13[%swap3A_364, %swap3A_365], %swap3A_368 {strides = array<i32>} : memref<50x128xf32, #tpu.memory_space<vmem>>, vector<1x16xf32>,
      %get3A_369 = arith.index_cast %scan3A_310 : i32 to index
      %get3A_370 = arith.constant 80 : index
      %get3A_371 = tpu.vector_load %arg9[%get3A_369, %get3A_370] {strides = array<i32>} : memref<50x128xf32, #tpu.memory_space<vmem>>, vector<1x16xf32>,
      %get3A_372 = vector.shape_cast %get3A_371 : vector<1x16xf32> to vector<16xf32>
      %mul3A_373 = arith.constant 11.3137083 : f32
      %mul3A_374 = vector.broadcast %mul3A_373 : f32 to vector<16xf32>
      %mul3A_375 = arith.mulf %get3A_372, %mul3A_374 : vector<16xf32>
      %swap3A_376 = arith.index_cast %scan3A_310 : i32 to index
      %swap3A_377 = arith.constant 80 : index
      %swap3A_378 = tpu.vector_load %arg13[%swap3A_376, %swap3A_377] {strides = array<i32>} : memref<50x128xf32, #tpu.memory_space<vmem>>, vector<1x16xf32>,
      %swap3A_379 = vector.shape_cast %swap3A_378 : vector<1x16xf32> to vector<16xf32>
      %swap3A_380 = vector.shape_cast %mul3A_375 : vector<16xf32> to vector<1x16xf32>
      tpu.vector_store %arg13[%swap3A_376, %swap3A_377], %swap3A_380 {strides = array<i32>} : memref<50x128xf32, #tpu.memory_space<vmem>>, vector<1x16xf32>,
      %get3A_381 = arith.index_cast %scan3A_310 : i32 to index
      %get3A_382 = arith.constant 96 : index
      %get3A_383 = tpu.vector_load %arg9[%get3A_381, %get3A_382] {strides = array<i32>} : memref<50x128xf32, #tpu.memory_space<vmem>>, vector<1x16xf32>,
      %get3A_384 = vector.shape_cast %get3A_383 : vector<1x16xf32> to vector<16xf32>
      %mul3A_385 = arith.constant 11.3137083 : f32
      %mul3A_386 = vector.broadcast %mul3A_385 : f32 to vector<16xf32>
      %mul3A_387 = arith.mulf %get3A_384, %mul3A_386 : vector<16xf32>
      %swap3A_388 = arith.index_cast %scan3A_310 : i32 to index
      %swap3A_389 = arith.constant 96 : index
      %swap3A_390 = tpu.vector_load %arg13[%swap3A_388, %swap3A_389] {strides = array<i32>} : memref<50x128xf32, #tpu.memory_space<vmem>>, vector<1x16xf32>,
      %swap3A_391 = vector.shape_cast %swap3A_390 : vector<1x16xf32> to vector<16xf32>
      %swap3A_392 = vector.shape_cast %mul3A_387 : vector<16xf32> to vector<1x16xf32>
      tpu.vector_store %arg13[%swap3A_388, %swap3A_389], %swap3A_392 {strides = array<i32>} : memref<50x128xf32, #tpu.memory_space<vmem>>, vector<1x16xf32>,
      %get3A_393 = arith.index_cast %scan3A_310 : i32 to index
      %get3A_394 = arith.constant 112 : index
      %get3A_395 = tpu.vector_load %arg9[%get3A_393, %get3A_394] {strides = array<i32>} : memref<50x128xf32, #tpu.memory_space<vmem>>, vector<1x16xf32>,
      %get3A_396 = vector.shape_cast %get3A_395 : vector<1x16xf32> to vector<16xf32>
      %mul3A_397 = arith.constant 11.3137083 : f32
      %mul3A_398 = vector.broadcast %mul3A_397 : f32 to vector<16xf32>
      %mul3A_399 = arith.mulf %get3A_396, %mul3A_398 : vector<16xf32>
      %swap3A_400 = arith.index_cast %scan3A_310 : i32 to index
      %swap3A_401 = arith.constant 112 : index
      %swap3A_402 = tpu.vector_load %arg13[%swap3A_400, %swap3A_401] {strides = array<i32>} : memref<50x128xf32, #tpu.memory_space<vmem>>, vector<1x16xf32>,
      %swap3A_403 = vector.shape_cast %swap3A_402 : vector<1x16xf32> to vector<16xf32>
      %swap3A_404 = vector.shape_cast %mul3A_399 : vector<16xf32> to vector<1x16xf32>
      tpu.vector_store %arg13[%swap3A_400, %swap3A_401], %swap3A_404 {strides = array<i32>} : memref<50x128xf32, #tpu.memory_space<vmem>>, vector<1x16xf32>,
    }
    %scan3A_130 = arith.constant 50 : i32
    %dma_start3A_131 = arith.constant 7 : i32
    %dma_start3A_132 = arith.constant 0 : i32
    %dma_start3A_133 = tpu.memref_slice %arg5[%dma_start3A_131, %dma_start3A_132] : memref<128x50xi32, #tpu.memory_space<vmem>> -> memref<1x50xi32, #tpu.memory_space<vmem>>
    %dma_start3A_134 = tpu.memref_squeeze %dma_start3A_133 : memref<1x50xi32, #tpu.memory_space<vmem>> -> memref<50xi32, #tpu.memory_space<vmem>>
    %dma_start3A_135 = arith.constant 0 : i32
    %dma_start3A_136 = arith.constant 0 : i32
    %dma_start3A_137 = tpu.memref_slice %arg2[%dma_start3A_135, %dma_start3A_136] : memref<100000x128xf32, #tpu.memory_space<hbm>> -> memref<100000x128xf32, #tpu.memory_space<hbm>>
    tpu.enqueue_indirect_dma source(%dma_start3A_137 : memref<100000x128xf32, #tpu.memory_space<hbm>>) target(%arg9 : memref<50x128xf32, #tpu.memory_space<vmem>>) offsets(%dma_start3A_134 : memref<50xi32, #tpu.memory_space<vmem>>) semaphore(%arg17 : memref<!tpu.dma_semaphore, #tpu.memory_space<semaphore_mem>>)
    %add3A_138 = arith.constant 3 : i32
    %add3A_139 = arith.addi %mul3A_2, %add3A_138 : i32
    %dma_start3A_140 = arith.constant 0 : i32
    %dma_start3A_141 = arith.constant 0 : i32
    %dma_start3A_142 = tpu.memref_slice %arg4[%add3A_139, %dma_start3A_140, %dma_start3A_141] : memref<4096x50x128xf32, #tpu.memory_space<hbm>> -> memref<1x50x128xf32, #tpu.memory_space<hbm>>
    %dma_start3A_143 = tpu.memref_squeeze %dma_start3A_142 : memref<1x50x128xf32, #tpu.memory_space<hbm>> -> memref<50x128xf32, #tpu.memory_space<hbm>>
    %dma_start3A_144 = arith.constant 0 : i32
    %dma_start3A_145 = arith.constant 0 : i32
    %dma_start3A_146 = tpu.memref_slice %arg4[%add3A_139, %dma_start3A_144, %dma_start3A_145] : memref<4096x50x128xf32, #tpu.memory_space<hbm>> -> memref<1x50x128xf32, #tpu.memory_space<hbm>>
    %dma_start3A_147 = tpu.memref_squeeze %dma_start3A_146 : memref<1x50x128xf32, #tpu.memory_space<hbm>> -> memref<50x128xf32, #tpu.memory_space<hbm>>
    tpu.enqueue_dma source(%arg13 : memref<50x128xf32, #tpu.memory_space<vmem>>) target(%dma_start3A_147 : memref<50x128xf32, #tpu.memory_space<hbm>>) target_semaphore(%arg21 : memref<!tpu.dma_semaphore, #tpu.memory_space<semaphore_mem>>)
    %scan3A_148 = arith.constant 0 : i32
    %scan3A_149 = arith.constant 1 : i32
    %scan3A_150 = arith.constant 30 : i32
    %scan3A_151 = arith.addi %scan3A_149, %scan3A_150 : i32
    %scan3A_152 = arith.constant 1 : i32
    scf.for %scan3A_310 = %scan3A_149 to %scan3A_151 step %scan3A_152  : i32 {
      %mul3A_311 = arith.constant 4 : i32
      %mul3A_312 = arith.muli %scan3A_310, %mul3A_311 : i32
      %add3A_313 = arith.constant 0 : i32
      %add3A_314 = arith.addi %mul3A_312, %add3A_313 : i32
      %dma_wait3A_315 = arith.constant 0 : i32
      %dma_wait3A_316 = arith.constant 0 : i32
      %dma_wait3A_317 = tpu.memref_slice %arg5[%dma_wait3A_315, %dma_wait3A_316] : memref<128x50xi32, #tpu.memory_space<vmem>> -> memref<1x50xi32, #tpu.memory_space<vmem>>
      %dma_wait3A_318 = tpu.memref_squeeze %dma_wait3A_317 : memref<1x50xi32, #tpu.memory_space<vmem>> -> memref<50xi32, #tpu.memory_space<vmem>>
      %dma_wait3A_319 = arith.constant 0 : i32
      %dma_wait3A_320 = arith.constant 0 : i32
      %dma_wait3A_321 = tpu.memref_slice %arg2[%dma_wait3A_319, %dma_wait3A_320] : memref<100000x128xf32, #tpu.memory_space<hbm>> -> memref<100000x128xf32, #tpu.memory_space<hbm>>
      tpu.wait_indirect_dma semaphore(%arg14 : memref<!tpu.dma_semaphore, #tpu.memory_space<semaphore_mem>>) src(%dma_wait3A_321 : memref<100000x128xf32, #tpu.memory_space<hbm>>) dst(%arg6 : memref<50x128xf32, #tpu.memory_space<vmem>>)
      %dma_wait3A_322 = arith.constant 0 : i32
      %dma_wait3A_323 = arith.constant 0 : i32
      %dma_wait3A_324 = tpu.memref_slice %arg4[%mul3A_2, %dma_wait3A_322, %dma_wait3A_323] : memref<4096x50x128xf32, #tpu.memory_space<hbm>> -> memref<1x50x128xf32, #tpu.memory_space<hbm>>
      %dma_wait3A_325 = tpu.memref_squeeze %dma_wait3A_324 : memref<1x50x128xf32, #tpu.memory_space<hbm>> -> memref<50x128xf32, #tpu.memory_space<hbm>>
      %dma_wait3A_326 = arith.constant 0 : i32
      %dma_wait3A_327 = arith.constant 0 : i32
      %dma_wait3A_328 = tpu.memref_slice %arg4[%mul3A_2, %dma_wait3A_326, %dma_wait3A_327] : memref<4096x50x128xf32, #tpu.memory_space<hbm>> -> memref<1x50x128xf32, #tpu.memory_space<hbm>>
      %dma_wait3A_329 = tpu.memref_squeeze %dma_wait3A_328 : memref<1x50x128xf32, #tpu.memory_space<hbm>> -> memref<50x128xf32, #tpu.memory_space<hbm>>
      tpu.wait_dma2 semaphore(%arg18 : memref<!tpu.dma_semaphore, #tpu.memory_space<semaphore_mem>>) src(%arg10 : memref<50x128xf32, #tpu.memory_space<vmem>>) dst(%dma_wait3A_329 : memref<50x128xf32, #tpu.memory_space<hbm>>)
      %scan3A_330 = arith.constant 0 : i32
      %scan3A_331 = arith.constant 0 : i32
      %scan3A_332 = arith.constant 50 : i32
      %scan3A_333 = arith.addi %scan3A_331, %scan3A_332 : i32
      %scan3A_334 = arith.constant 1 : i32
      scf.for %scan3A_479 = %scan3A_331 to %scan3A_333 step %scan3A_334  : i32 {
        %get3A = arith.index_cast %scan3A_479 : i32 to index
        %get3A_480 = arith.constant 0 : index
        %get3A_481 = tpu.vector_load %arg6[%get3A, %get3A_480] {strides = array<i32>} : memref<50x128xf32, #tpu.memory_space<vmem>>, vector<1x16xf32>,
        %get3A_482 = vector.shape_cast %get3A_481 : vector<1x16xf32> to vector<16xf32>
        %mul3A_483 = arith.constant 11.3137083 : f32
        %mul3A_484 = vector.broadcast %mul3A_483 : f32 to vector<16xf32>
        %mul3A_485 = arith.mulf %get3A_482, %mul3A_484 : vector<16xf32>
        %swap3A = arith.index_cast %scan3A_479 : i32 to index
        %swap3A_486 = arith.constant 0 : index
        %swap3A_487 = tpu.vector_load %arg10[%swap3A, %swap3A_486] {strides = array<i32>} : memref<50x128xf32, #tpu.memory_space<vmem>>, vector<1x16xf32>,
        %swap3A_488 = vector.shape_cast %swap3A_487 : vector<1x16xf32> to vector<16xf32>
        %swap3A_489 = vector.shape_cast %mul3A_485 : vector<16xf32> to vector<1x16xf32>
        tpu.vector_store %arg10[%swap3A, %swap3A_486], %swap3A_489 {strides = array<i32>} : memref<50x128xf32, #tpu.memory_space<vmem>>, vector<1x16xf32>,
        %get3A_490 = arith.index_cast %scan3A_479 : i32 to index
        %get3A_491 = arith.constant 16 : index
        %get3A_492 = tpu.vector_load %arg6[%get3A_490, %get3A_491] {strides = array<i32>} : memref<50x128xf32, #tpu.memory_space<vmem>>, vector<1x16xf32>,
        %get3A_493 = vector.shape_cast %get3A_492 : vector<1x16xf32> to vector<16xf32>
        %mul3A_494 = arith.constant 11.3137083 : f32
        %mul3A_495 = vector.broadcast %mul3A_494 : f32 to vector<16xf32>
        %mul3A_496 = arith.mulf %get3A_493, %mul3A_495 : vector<16xf32>
        %swap3A_497 = arith.index_cast %scan3A_479 : i32 to index
        %swap3A_498 = arith.constant 16 : index
        %swap3A_499 = tpu.vector_load %arg10[%swap3A_497, %swap3A_498] {strides = array<i32>} : memref<50x128xf32, #tpu.memory_space<vmem>>, vector<1x16xf32>,
        %swap3A_500 = vector.shape_cast %swap3A_499 : vector<1x16xf32> to vector<16xf32>
        %swap3A_501 = vector.shape_cast %mul3A_496 : vector<16xf32> to vector<1x16xf32>
        tpu.vector_store %arg10[%swap3A_497, %swap3A_498], %swap3A_501 {strides = array<i32>} : memref<50x128xf32, #tpu.memory_space<vmem>>, vector<1x16xf32>,
        %get3A_502 = arith.index_cast %scan3A_479 : i32 to index
        %get3A_503 = arith.constant 32 : index
        %get3A_504 = tpu.vector_load %arg6[%get3A_502, %get3A_503] {strides = array<i32>} : memref<50x128xf32, #tpu.memory_space<vmem>>, vector<1x16xf32>,
        %get3A_505 = vector.shape_cast %get3A_504 : vector<1x16xf32> to vector<16xf32>
        %mul3A_506 = arith.constant 11.3137083 : f32
        %mul3A_507 = vector.broadcast %mul3A_506 : f32 to vector<16xf32>
        %mul3A_508 = arith.mulf %get3A_505, %mul3A_507 : vector<16xf32>
        %swap3A_509 = arith.index_cast %scan3A_479 : i32 to index
        %swap3A_510 = arith.constant 32 : index
        %swap3A_511 = tpu.vector_load %arg10[%swap3A_509, %swap3A_510] {strides = array<i32>} : memref<50x128xf32, #tpu.memory_space<vmem>>, vector<1x16xf32>,
        %swap3A_512 = vector.shape_cast %swap3A_511 : vector<1x16xf32> to vector<16xf32>
        %swap3A_513 = vector.shape_cast %mul3A_508 : vector<16xf32> to vector<1x16xf32>
        tpu.vector_store %arg10[%swap3A_509, %swap3A_510], %swap3A_513 {strides = array<i32>} : memref<50x128xf32, #tpu.memory_space<vmem>>, vector<1x16xf32>,
        %get3A_514 = arith.index_cast %scan3A_479 : i32 to index
        %get3A_515 = arith.constant 48 : index
        %get3A_516 = tpu.vector_load %arg6[%get3A_514, %get3A_515] {strides = array<i32>} : memref<50x128xf32, #tpu.memory_space<vmem>>, vector<1x16xf32>,
        %get3A_517 = vector.shape_cast %get3A_516 : vector<1x16xf32> to vector<16xf32>
        %mul3A_518 = arith.constant 11.3137083 : f32
        %mul3A_519 = vector.broadcast %mul3A_518 : f32 to vector<16xf32>
        %mul3A_520 = arith.mulf %get3A_517, %mul3A_519 : vector<16xf32>
        %swap3A_521 = arith.index_cast %scan3A_479 : i32 to index
        %swap3A_522 = arith.constant 48 : index
        %swap3A_523 = tpu.vector_load %arg10[%swap3A_521, %swap3A_522] {strides = array<i32>} : memref<50x128xf32, #tpu.memory_space<vmem>>, vector<1x16xf32>,
        %swap3A_524 = vector.shape_cast %swap3A_523 : vector<1x16xf32> to vector<16xf32>
        %swap3A_525 = vector.shape_cast %mul3A_520 : vector<16xf32> to vector<1x16xf32>
        tpu.vector_store %arg10[%swap3A_521, %swap3A_522], %swap3A_525 {strides = array<i32>} : memref<50x128xf32, #tpu.memory_space<vmem>>, vector<1x16xf32>,
        %get3A_526 = arith.index_cast %scan3A_479 : i32 to index
        %get3A_527 = arith.constant 64 : index
        %get3A_528 = tpu.vector_load %arg6[%get3A_526, %get3A_527] {strides = array<i32>} : memref<50x128xf32, #tpu.memory_space<vmem>>, vector<1x16xf32>,
        %get3A_529 = vector.shape_cast %get3A_528 : vector<1x16xf32> to vector<16xf32>
        %mul3A_530 = arith.constant 11.3137083 : f32
        %mul3A_531 = vector.broadcast %mul3A_530 : f32 to vector<16xf32>
        %mul3A_532 = arith.mulf %get3A_529, %mul3A_531 : vector<16xf32>
        %swap3A_533 = arith.index_cast %scan3A_479 : i32 to index
        %swap3A_534 = arith.constant 64 : index
        %swap3A_535 = tpu.vector_load %arg10[%swap3A_533, %swap3A_534] {strides = array<i32>} : memref<50x128xf32, #tpu.memory_space<vmem>>, vector<1x16xf32>,
        %swap3A_536 = vector.shape_cast %swap3A_535 : vector<1x16xf32> to vector<16xf32>
        %swap3A_537 = vector.shape_cast %mul3A_532 : vector<16xf32> to vector<1x16xf32>
        tpu.vector_store %arg10[%swap3A_533, %swap3A_534], %swap3A_537 {strides = array<i32>} : memref<50x128xf32, #tpu.memory_space<vmem>>, vector<1x16xf32>,
        %get3A_538 = arith.index_cast %scan3A_479 : i32 to index
        %get3A_539 = arith.constant 80 : index
        %get3A_540 = tpu.vector_load %arg6[%get3A_538, %get3A_539] {strides = array<i32>} : memref<50x128xf32, #tpu.memory_space<vmem>>, vector<1x16xf32>,
        %get3A_541 = vector.shape_cast %get3A_540 : vector<1x16xf32> to vector<16xf32>
        %mul3A_542 = arith.constant 11.3137083 : f32
        %mul3A_543 = vector.broadcast %mul3A_542 : f32 to vector<16xf32>
        %mul3A_544 = arith.mulf %get3A_541, %mul3A_543 : vector<16xf32>
        %swap3A_545 = arith.index_cast %scan3A_479 : i32 to index
        %swap3A_546 = arith.constant 80 : index
        %swap3A_547 = tpu.vector_load %arg10[%swap3A_545, %swap3A_546] {strides = array<i32>} : memref<50x128xf32, #tpu.memory_space<vmem>>, vector<1x16xf32>,
        %swap3A_548 = vector.shape_cast %swap3A_547 : vector<1x16xf32> to vector<16xf32>
        %swap3A_549 = vector.shape_cast %mul3A_544 : vector<16xf32> to vector<1x16xf32>
        tpu.vector_store %arg10[%swap3A_545, %swap3A_546], %swap3A_549 {strides = array<i32>} : memref<50x128xf32, #tpu.memory_space<vmem>>, vector<1x16xf32>,
        %get3A_550 = arith.index_cast %scan3A_479 : i32 to index
        %get3A_551 = arith.constant 96 : index
        %get3A_552 = tpu.vector_load %arg6[%get3A_550, %get3A_551] {strides = array<i32>} : memref<50x128xf32, #tpu.memory_space<vmem>>, vector<1x16xf32>,
        %get3A_553 = vector.shape_cast %get3A_552 : vector<1x16xf32> to vector<16xf32>
        %mul3A_554 = arith.constant 11.3137083 : f32
        %mul3A_555 = vector.broadcast %mul3A_554 : f32 to vector<16xf32>
        %mul3A_556 = arith.mulf %get3A_553, %mul3A_555 : vector<16xf32>
        %swap3A_557 = arith.index_cast %scan3A_479 : i32 to index
        %swap3A_558 = arith.constant 96 : index
        %swap3A_559 = tpu.vector_load %arg10[%swap3A_557, %swap3A_558] {strides = array<i32>} : memref<50x128xf32, #tpu.memory_space<vmem>>, vector<1x16xf32>,
        %swap3A_560 = vector.shape_cast %swap3A_559 : vector<1x16xf32> to vector<16xf32>
        %swap3A_561 = vector.shape_cast %mul3A_556 : vector<16xf32> to vector<1x16xf32>
        tpu.vector_store %arg10[%swap3A_557, %swap3A_558], %swap3A_561 {strides = array<i32>} : memref<50x128xf32, #tpu.memory_space<vmem>>, vector<1x16xf32>,
        %get3A_562 = arith.index_cast %scan3A_479 : i32 to index
        %get3A_563 = arith.constant 112 : index
        %get3A_564 = tpu.vector_load %arg6[%get3A_562, %get3A_563] {strides = array<i32>} : memref<50x128xf32, #tpu.memory_space<vmem>>, vector<1x16xf32>,
        %get3A_565 = vector.shape_cast %get3A_564 : vector<1x16xf32> to vector<16xf32>
        %mul3A_566 = arith.constant 11.3137083 : f32
        %mul3A_567 = vector.broadcast %mul3A_566 : f32 to vector<16xf32>
        %mul3A_568 = arith.mulf %get3A_565, %mul3A_567 : vector<16xf32>
        %swap3A_569 = arith.index_cast %scan3A_479 : i32 to index
        %swap3A_570 = arith.constant 112 : index
        %swap3A_571 = tpu.vector_load %arg10[%swap3A_569, %swap3A_570] {strides = array<i32>} : memref<50x128xf32, #tpu.memory_space<vmem>>, vector<1x16xf32>,
        %swap3A_572 = vector.shape_cast %swap3A_571 : vector<1x16xf32> to vector<16xf32>
        %swap3A_573 = vector.shape_cast %mul3A_568 : vector<16xf32> to vector<1x16xf32>
        tpu.vector_store %arg10[%swap3A_569, %swap3A_570], %swap3A_573 {strides = array<i32>} : memref<50x128xf32, #tpu.memory_space<vmem>>, vector<1x16xf32>,
      }
      %scan3A_335 = arith.constant 50 : i32
      %add3A_336 = arith.constant 4 : i32
      %add3A_337 = arith.addi %add3A_314, %add3A_336 : i32
      %dma_start3A_338 = arith.constant 0 : i32
      %dma_start3A_339 = tpu.memref_slice %arg5[%add3A_337, %dma_start3A_338] : memref<128x50xi32, #tpu.memory_space<vmem>> -> memref<1x50xi32, #tpu.memory_space<vmem>>
      %dma_start3A_340 = tpu.memref_squeeze %dma_start3A_339 : memref<1x50xi32, #tpu.memory_space<vmem>> -> memref<50xi32, #tpu.memory_space<vmem>>
      %dma_start3A_341 = arith.constant 0 : i32
      %dma_start3A_342 = arith.constant 0 : i32
      %dma_start3A_343 = tpu.memref_slice %arg2[%dma_start3A_341, %dma_start3A_342] : memref<100000x128xf32, #tpu.memory_space<hbm>> -> memref<100000x128xf32, #tpu.memory_space<hbm>>
      tpu.enqueue_indirect_dma source(%dma_start3A_343 : memref<100000x128xf32, #tpu.memory_space<hbm>>) target(%arg6 : memref<50x128xf32, #tpu.memory_space<vmem>>) offsets(%dma_start3A_340 : memref<50xi32, #tpu.memory_space<vmem>>) semaphore(%arg14 : memref<!tpu.dma_semaphore, #tpu.memory_space<semaphore_mem>>)
      %add3A_344 = arith.addi %mul3A_2, %add3A_314 : i32
      %dma_start3A_345 = arith.constant 0 : i32
      %dma_start3A_346 = arith.constant 0 : i32
      %dma_start3A_347 = tpu.memref_slice %arg4[%add3A_344, %dma_start3A_345, %dma_start3A_346] : memref<4096x50x128xf32, #tpu.memory_space<hbm>> -> memref<1x50x128xf32, #tpu.memory_space<hbm>>
      %dma_start3A_348 = tpu.memref_squeeze %dma_start3A_347 : memref<1x50x128xf32, #tpu.memory_space<hbm>> -> memref<50x128xf32, #tpu.memory_space<hbm>>
      %dma_start3A_349 = arith.constant 0 : i32
      %dma_start3A_350 = arith.constant 0 : i32
      %dma_start3A_351 = tpu.memref_slice %arg4[%add3A_344, %dma_start3A_349, %dma_start3A_350] : memref<4096x50x128xf32, #tpu.memory_space<hbm>> -> memref<1x50x128xf32, #tpu.memory_space<hbm>>
      %dma_start3A_352 = tpu.memref_squeeze %dma_start3A_351 : memref<1x50x128xf32, #tpu.memory_space<hbm>> -> memref<50x128xf32, #tpu.memory_space<hbm>>
      tpu.enqueue_dma source(%arg10 : memref<50x128xf32, #tpu.memory_space<vmem>>) target(%dma_start3A_352 : memref<50x128xf32, #tpu.memory_space<hbm>>) target_semaphore(%arg18 : memref<!tpu.dma_semaphore, #tpu.memory_space<semaphore_mem>>)
      %mul3A_353 = arith.constant 4 : i32
      %mul3A_354 = arith.muli %scan3A_310, %mul3A_353 : i32
      %add3A_355 = arith.constant 1 : i32
      %add3A_356 = arith.addi %mul3A_354, %add3A_355 : i32
      %dma_wait3A_357 = arith.constant 0 : i32
      %dma_wait3A_358 = arith.constant 0 : i32
      %dma_wait3A_359 = tpu.memref_slice %arg5[%dma_wait3A_357, %dma_wait3A_358] : memref<128x50xi32, #tpu.memory_space<vmem>> -> memref<1x50xi32, #tpu.memory_space<vmem>>
      %dma_wait3A_360 = tpu.memref_squeeze %dma_wait3A_359 : memref<1x50xi32, #tpu.memory_space<vmem>> -> memref<50xi32, #tpu.memory_space<vmem>>
      %dma_wait3A_361 = arith.constant 0 : i32
      %dma_wait3A_362 = arith.constant 0 : i32
      %dma_wait3A_363 = tpu.memref_slice %arg2[%dma_wait3A_361, %dma_wait3A_362] : memref<100000x128xf32, #tpu.memory_space<hbm>> -> memref<100000x128xf32, #tpu.memory_space<hbm>>
      tpu.wait_indirect_dma semaphore(%arg15 : memref<!tpu.dma_semaphore, #tpu.memory_space<semaphore_mem>>) src(%dma_wait3A_363 : memref<100000x128xf32, #tpu.memory_space<hbm>>) dst(%arg7 : memref<50x128xf32, #tpu.memory_space<vmem>>)
      %dma_wait3A_364 = arith.constant 0 : i32
      %dma_wait3A_365 = arith.constant 0 : i32
      %dma_wait3A_366 = tpu.memref_slice %arg4[%mul3A_2, %dma_wait3A_364, %dma_wait3A_365] : memref<4096x50x128xf32, #tpu.memory_space<hbm>> -> memref<1x50x128xf32, #tpu.memory_space<hbm>>
      %dma_wait3A_367 = tpu.memref_squeeze %dma_wait3A_366 : memref<1x50x128xf32, #tpu.memory_space<hbm>> -> memref<50x128xf32, #tpu.memory_space<hbm>>
      %dma_wait3A_368 = arith.constant 0 : i32
      %dma_wait3A_369 = arith.constant 0 : i32
      %dma_wait3A_370 = tpu.memref_slice %arg4[%mul3A_2, %dma_wait3A_368, %dma_wait3A_369] : memref<4096x50x128xf32, #tpu.memory_space<hbm>> -> memref<1x50x128xf32, #tpu.memory_space<hbm>>
      %dma_wait3A_371 = tpu.memref_squeeze %dma_wait3A_370 : memref<1x50x128xf32, #tpu.memory_space<hbm>> -> memref<50x128xf32, #tpu.memory_space<hbm>>
      tpu.wait_dma2 semaphore(%arg19 : memref<!tpu.dma_semaphore, #tpu.memory_space<semaphore_mem>>) src(%arg11 : memref<50x128xf32, #tpu.memory_space<vmem>>) dst(%dma_wait3A_371 : memref<50x128xf32, #tpu.memory_space<hbm>>)
      %scan3A_372 = arith.constant 0 : i32
      %scan3A_373 = arith.constant 0 : i32
      %scan3A_374 = arith.constant 50 : i32
      %scan3A_375 = arith.addi %scan3A_373, %scan3A_374 : i32
      %scan3A_376 = arith.constant 1 : i32
      scf.for %scan3A_479 = %scan3A_373 to %scan3A_375 step %scan3A_376  : i32 {
        %get3A = arith.index_cast %scan3A_479 : i32 to index
        %get3A_480 = arith.constant 0 : index
        %get3A_481 = tpu.vector_load %arg7[%get3A, %get3A_480] {strides = array<i32>} : memref<50x128xf32, #tpu.memory_space<vmem>>, vector<1x16xf32>,
        %get3A_482 = vector.shape_cast %get3A_481 : vector<1x16xf32> to vector<16xf32>
        %mul3A_483 = arith.constant 11.3137083 : f32
        %mul3A_484 = vector.broadcast %mul3A_483 : f32 to vector<16xf32>
        %mul3A_485 = arith.mulf %get3A_482, %mul3A_484 : vector<16xf32>
        %swap3A = arith.index_cast %scan3A_479 : i32 to index
        %swap3A_486 = arith.constant 0 : index
        %swap3A_487 = tpu.vector_load %arg11[%swap3A, %swap3A_486] {strides = array<i32>} : memref<50x128xf32, #tpu.memory_space<vmem>>, vector<1x16xf32>,
        %swap3A_488 = vector.shape_cast %swap3A_487 : vector<1x16xf32> to vector<16xf32>
        %swap3A_489 = vector.shape_cast %mul3A_485 : vector<16xf32> to vector<1x16xf32>
        tpu.vector_store %arg11[%swap3A, %swap3A_486], %swap3A_489 {strides = array<i32>} : memref<50x128xf32, #tpu.memory_space<vmem>>, vector<1x16xf32>,
        %get3A_490 = arith.index_cast %scan3A_479 : i32 to index
        %get3A_491 = arith.constant 16 : index
        %get3A_492 = tpu.vector_load %arg7[%get3A_490, %get3A_491] {strides = array<i32>} : memref<50x128xf32, #tpu.memory_space<vmem>>, vector<1x16xf32>,
        %get3A_493 = vector.shape_cast %get3A_492 : vector<1x16xf32> to vector<16xf32>
        %mul3A_494 = arith.constant 11.3137083 : f32
        %mul3A_495 = vector.broadcast %mul3A_494 : f32 to vector<16xf32>
        %mul3A_496 = arith.mulf %get3A_493, %mul3A_495 : vector<16xf32>
        %swap3A_497 = arith.index_cast %scan3A_479 : i32 to index
        %swap3A_498 = arith.constant 16 : index
        %swap3A_499 = tpu.vector_load %arg11[%swap3A_497, %swap3A_498] {strides = array<i32>} : memref<50x128xf32, #tpu.memory_space<vmem>>, vector<1x16xf32>,
        %swap3A_500 = vector.shape_cast %swap3A_499 : vector<1x16xf32> to vector<16xf32>
        %swap3A_501 = vector.shape_cast %mul3A_496 : vector<16xf32> to vector<1x16xf32>
        tpu.vector_store %arg11[%swap3A_497, %swap3A_498], %swap3A_501 {strides = array<i32>} : memref<50x128xf32, #tpu.memory_space<vmem>>, vector<1x16xf32>,
        %get3A_502 = arith.index_cast %scan3A_479 : i32 to index
        %get3A_503 = arith.constant 32 : index
        %get3A_504 = tpu.vector_load %arg7[%get3A_502, %get3A_503] {strides = array<i32>} : memref<50x128xf32, #tpu.memory_space<vmem>>, vector<1x16xf32>,
        %get3A_505 = vector.shape_cast %get3A_504 : vector<1x16xf32> to vector<16xf32>
        %mul3A_506 = arith.constant 11.3137083 : f32
        %mul3A_507 = vector.broadcast %mul3A_506 : f32 to vector<16xf32>
        %mul3A_508 = arith.mulf %get3A_505, %mul3A_507 : vector<16xf32>
        %swap3A_509 = arith.index_cast %scan3A_479 : i32 to index
        %swap3A_510 = arith.constant 32 : index
        %swap3A_511 = tpu.vector_load %arg11[%swap3A_509, %swap3A_510] {strides = array<i32>} : memref<50x128xf32, #tpu.memory_space<vmem>>, vector<1x16xf32>,
        %swap3A_512 = vector.shape_cast %swap3A_511 : vector<1x16xf32> to vector<16xf32>
        %swap3A_513 = vector.shape_cast %mul3A_508 : vector<16xf32> to vector<1x16xf32>
        tpu.vector_store %arg11[%swap3A_509, %swap3A_510], %swap3A_513 {strides = array<i32>} : memref<50x128xf32, #tpu.memory_space<vmem>>, vector<1x16xf32>,
        %get3A_514 = arith.index_cast %scan3A_479 : i32 to index
        %get3A_515 = arith.constant 48 : index
        %get3A_516 = tpu.vector_load %arg7[%get3A_514, %get3A_515] {strides = array<i32>} : memref<50x128xf32, #tpu.memory_space<vmem>>, vector<1x16xf32>,
        %get3A_517 = vector.shape_cast %get3A_516 : vector<1x16xf32> to vector<16xf32>
        %mul3A_518 = arith.constant 11.3137083 : f32
        %mul3A_519 = vector.broadcast %mul3A_518 : f32 to vector<16xf32>
        %mul3A_520 = arith.mulf %get3A_517, %mul3A_519 : vector<16xf32>
        %swap3A_521 = arith.index_cast %scan3A_479 : i32 to index
        %swap3A_522 = arith.constant 48 : index
        %swap3A_523 = tpu.vector_load %arg11[%swap3A_521, %swap3A_522] {strides = array<i32>} : memref<50x128xf32, #tpu.memory_space<vmem>>, vector<1x16xf32>,
        %swap3A_524 = vector.shape_cast %swap3A_523 : vector<1x16xf32> to vector<16xf32>
        %swap3A_525 = vector.shape_cast %mul3A_520 : vector<16xf32> to vector<1x16xf32>
        tpu.vector_store %arg11[%swap3A_521, %swap3A_522], %swap3A_525 {strides = array<i32>} : memref<50x128xf32, #tpu.memory_space<vmem>>, vector<1x16xf32>,
        %get3A_526 = arith.index_cast %scan3A_479 : i32 to index
        %get3A_527 = arith.constant 64 : index
        %get3A_528 = tpu.vector_load %arg7[%get3A_526, %get3A_527] {strides = array<i32>} : memref<50x128xf32, #tpu.memory_space<vmem>>, vector<1x16xf32>,
        %get3A_529 = vector.shape_cast %get3A_528 : vector<1x16xf32> to vector<16xf32>
        %mul3A_530 = arith.constant 11.3137083 : f32
        %mul3A_531 = vector.broadcast %mul3A_530 : f32 to vector<16xf32>
        %mul3A_532 = arith.mulf %get3A_529, %mul3A_531 : vector<16xf32>
        %swap3A_533 = arith.index_cast %scan3A_479 : i32 to index
        %swap3A_534 = arith.constant 64 : index
        %swap3A_535 = tpu.vector_load %arg11[%swap3A_533, %swap3A_534] {strides = array<i32>} : memref<50x128xf32, #tpu.memory_space<vmem>>, vector<1x16xf32>,
        %swap3A_536 = vector.shape_cast %swap3A_535 : vector<1x16xf32> to vector<16xf32>
        %swap3A_537 = vector.shape_cast %mul3A_532 : vector<16xf32> to vector<1x16xf32>
        tpu.vector_store %arg11[%swap3A_533, %swap3A_534], %swap3A_537 {strides = array<i32>} : memref<50x128xf32, #tpu.memory_space<vmem>>, vector<1x16xf32>,
        %get3A_538 = arith.index_cast %scan3A_479 : i32 to index
        %get3A_539 = arith.constant 80 : index
        %get3A_540 = tpu.vector_load %arg7[%get3A_538, %get3A_539] {strides = array<i32>} : memref<50x128xf32, #tpu.memory_space<vmem>>, vector<1x16xf32>,
        %get3A_541 = vector.shape_cast %get3A_540 : vector<1x16xf32> to vector<16xf32>
        %mul3A_542 = arith.constant 11.3137083 : f32
        %mul3A_543 = vector.broadcast %mul3A_542 : f32 to vector<16xf32>
        %mul3A_544 = arith.mulf %get3A_541, %mul3A_543 : vector<16xf32>
        %swap3A_545 = arith.index_cast %scan3A_479 : i32 to index
        %swap3A_546 = arith.constant 80 : index
        %swap3A_547 = tpu.vector_load %arg11[%swap3A_545, %swap3A_546] {strides = array<i32>} : memref<50x128xf32, #tpu.memory_space<vmem>>, vector<1x16xf32>,
        %swap3A_548 = vector.shape_cast %swap3A_547 : vector<1x16xf32> to vector<16xf32>
        %swap3A_549 = vector.shape_cast %mul3A_544 : vector<16xf32> to vector<1x16xf32>
        tpu.vector_store %arg11[%swap3A_545, %swap3A_546], %swap3A_549 {strides = array<i32>} : memref<50x128xf32, #tpu.memory_space<vmem>>, vector<1x16xf32>,
        %get3A_550 = arith.index_cast %scan3A_479 : i32 to index
        %get3A_551 = arith.constant 96 : index
        %get3A_552 = tpu.vector_load %arg7[%get3A_550, %get3A_551] {strides = array<i32>} : memref<50x128xf32, #tpu.memory_space<vmem>>, vector<1x16xf32>,
        %get3A_553 = vector.shape_cast %get3A_552 : vector<1x16xf32> to vector<16xf32>
        %mul3A_554 = arith.constant 11.3137083 : f32
        %mul3A_555 = vector.broadcast %mul3A_554 : f32 to vector<16xf32>
        %mul3A_556 = arith.mulf %get3A_553, %mul3A_555 : vector<16xf32>
        %swap3A_557 = arith.index_cast %scan3A_479 : i32 to index
        %swap3A_558 = arith.constant 96 : index
        %swap3A_559 = tpu.vector_load %arg11[%swap3A_557, %swap3A_558] {strides = array<i32>} : memref<50x128xf32, #tpu.memory_space<vmem>>, vector<1x16xf32>,
        %swap3A_560 = vector.shape_cast %swap3A_559 : vector<1x16xf32> to vector<16xf32>
        %swap3A_561 = vector.shape_cast %mul3A_556 : vector<16xf32> to vector<1x16xf32>
        tpu.vector_store %arg11[%swap3A_557, %swap3A_558], %swap3A_561 {strides = array<i32>} : memref<50x128xf32, #tpu.memory_space<vmem>>, vector<1x16xf32>,
        %get3A_562 = arith.index_cast %scan3A_479 : i32 to index
        %get3A_563 = arith.constant 112 : index
        %get3A_564 = tpu.vector_load %arg7[%get3A_562, %get3A_563] {strides = array<i32>} : memref<50x128xf32, #tpu.memory_space<vmem>>, vector<1x16xf32>,
        %get3A_565 = vector.shape_cast %get3A_564 : vector<1x16xf32> to vector<16xf32>
        %mul3A_566 = arith.constant 11.3137083 : f32
        %mul3A_567 = vector.broadcast %mul3A_566 : f32 to vector<16xf32>
        %mul3A_568 = arith.mulf %get3A_565, %mul3A_567 : vector<16xf32>
        %swap3A_569 = arith.index_cast %scan3A_479 : i32 to index
        %swap3A_570 = arith.constant 112 : index
        %swap3A_571 = tpu.vector_load %arg11[%swap3A_569, %swap3A_570] {strides = array<i32>} : memref<50x128xf32, #tpu.memory_space<vmem>>, vector<1x16xf32>,
        %swap3A_572 = vector.shape_cast %swap3A_571 : vector<1x16xf32> to vector<16xf32>
        %swap3A_573 = vector.shape_cast %mul3A_568 : vector<16xf32> to vector<1x16xf32>
        tpu.vector_store %arg11[%swap3A_569, %swap3A_570], %swap3A_573 {strides = array<i32>} : memref<50x128xf32, #tpu.memory_space<vmem>>, vector<1x16xf32>,
      }
      %scan3A_377 = arith.constant 50 : i32
      %add3A_378 = arith.constant 4 : i32
      %add3A_379 = arith.addi %add3A_356, %add3A_378 : i32
      %dma_start3A_380 = arith.constant 0 : i32
      %dma_start3A_381 = tpu.memref_slice %arg5[%add3A_379, %dma_start3A_380] : memref<128x50xi32, #tpu.memory_space<vmem>> -> memref<1x50xi32, #tpu.memory_space<vmem>>
      %dma_start3A_382 = tpu.memref_squeeze %dma_start3A_381 : memref<1x50xi32, #tpu.memory_space<vmem>> -> memref<50xi32, #tpu.memory_space<vmem>>
      %dma_start3A_383 = arith.constant 0 : i32
      %dma_start3A_384 = arith.constant 0 : i32
      %dma_start3A_385 = tpu.memref_slice %arg2[%dma_start3A_383, %dma_start3A_384] : memref<100000x128xf32, #tpu.memory_space<hbm>> -> memref<100000x128xf32, #tpu.memory_space<hbm>>
      tpu.enqueue_indirect_dma source(%dma_start3A_385 : memref<100000x128xf32, #tpu.memory_space<hbm>>) target(%arg7 : memref<50x128xf32, #tpu.memory_space<vmem>>) offsets(%dma_start3A_382 : memref<50xi32, #tpu.memory_space<vmem>>) semaphore(%arg15 : memref<!tpu.dma_semaphore, #tpu.memory_space<semaphore_mem>>)
      %add3A_386 = arith.addi %mul3A_2, %add3A_356 : i32
      %dma_start3A_387 = arith.constant 0 : i32
      %dma_start3A_388 = arith.constant 0 : i32
      %dma_start3A_389 = tpu.memref_slice %arg4[%add3A_386, %dma_start3A_387, %dma_start3A_388] : memref<4096x50x128xf32, #tpu.memory_space<hbm>> -> memref<1x50x128xf32, #tpu.memory_space<hbm>>
      %dma_start3A_390 = tpu.memref_squeeze %dma_start3A_389 : memref<1x50x128xf32, #tpu.memory_space<hbm>> -> memref<50x128xf32, #tpu.memory_space<hbm>>
      %dma_start3A_391 = arith.constant 0 : i32
      %dma_start3A_392 = arith.constant 0 : i32
      %dma_start3A_393 = tpu.memref_slice %arg4[%add3A_386, %dma_start3A_391, %dma_start3A_392] : memref<4096x50x128xf32, #tpu.memory_space<hbm>> -> memref<1x50x128xf32, #tpu.memory_space<hbm>>
      %dma_start3A_394 = tpu.memref_squeeze %dma_start3A_393 : memref<1x50x128xf32, #tpu.memory_space<hbm>> -> memref<50x128xf32, #tpu.memory_space<hbm>>
      tpu.enqueue_dma source(%arg11 : memref<50x128xf32, #tpu.memory_space<vmem>>) target(%dma_start3A_394 : memref<50x128xf32, #tpu.memory_space<hbm>>) target_semaphore(%arg19 : memref<!tpu.dma_semaphore, #tpu.memory_space<semaphore_mem>>)
      %mul3A_395 = arith.constant 4 : i32
      %mul3A_396 = arith.muli %scan3A_310, %mul3A_395 : i32
      %add3A_397 = arith.constant 2 : i32
      %add3A_398 = arith.addi %mul3A_396, %add3A_397 : i32
      %dma_wait3A_399 = arith.constant 0 : i32
      %dma_wait3A_400 = arith.constant 0 : i32
      %dma_wait3A_401 = tpu.memref_slice %arg5[%dma_wait3A_399, %dma_wait3A_400] : memref<128x50xi32, #tpu.memory_space<vmem>> -> memref<1x50xi32, #tpu.memory_space<vmem>>
      %dma_wait3A_402 = tpu.memref_squeeze %dma_wait3A_401 : memref<1x50xi32, #tpu.memory_space<vmem>> -> memref<50xi32, #tpu.memory_space<vmem>>
      %dma_wait3A_403 = arith.constant 0 : i32
      %dma_wait3A_404 = arith.constant 0 : i32
      %dma_wait3A_405 = tpu.memref_slice %arg2[%dma_wait3A_403, %dma_wait3A_404] : memref<100000x128xf32, #tpu.memory_space<hbm>> -> memref<100000x128xf32, #tpu.memory_space<hbm>>
      tpu.wait_indirect_dma semaphore(%arg16 : memref<!tpu.dma_semaphore, #tpu.memory_space<semaphore_mem>>) src(%dma_wait3A_405 : memref<100000x128xf32, #tpu.memory_space<hbm>>) dst(%arg8 : memref<50x128xf32, #tpu.memory_space<vmem>>)
      %dma_wait3A_406 = arith.constant 0 : i32
      %dma_wait3A_407 = arith.constant 0 : i32
      %dma_wait3A_408 = tpu.memref_slice %arg4[%mul3A_2, %dma_wait3A_406, %dma_wait3A_407] : memref<4096x50x128xf32, #tpu.memory_space<hbm>> -> memref<1x50x128xf32, #tpu.memory_space<hbm>>
      %dma_wait3A_409 = tpu.memref_squeeze %dma_wait3A_408 : memref<1x50x128xf32, #tpu.memory_space<hbm>> -> memref<50x128xf32, #tpu.memory_space<hbm>>
      %dma_wait3A_410 = arith.constant 0 : i32
      %dma_wait3A_411 = arith.constant 0 : i32
      %dma_wait3A_412 = tpu.memref_slice %arg4[%mul3A_2, %dma_wait3A_410, %dma_wait3A_411] : memref<4096x50x128xf32, #tpu.memory_space<hbm>> -> memref<1x50x128xf32, #tpu.memory_space<hbm>>
      %dma_wait3A_413 = tpu.memref_squeeze %dma_wait3A_412 : memref<1x50x128xf32, #tpu.memory_space<hbm>> -> memref<50x128xf32, #tpu.memory_space<hbm>>
      tpu.wait_dma2 semaphore(%arg20 : memref<!tpu.dma_semaphore, #tpu.memory_space<semaphore_mem>>) src(%arg12 : memref<50x128xf32, #tpu.memory_space<vmem>>) dst(%dma_wait3A_413 : memref<50x128xf32, #tpu.memory_space<hbm>>)
      %scan3A_414 = arith.constant 0 : i32
      %scan3A_415 = arith.constant 0 : i32
      %scan3A_416 = arith.constant 50 : i32
      %scan3A_417 = arith.addi %scan3A_415, %scan3A_416 : i32
      %scan3A_418 = arith.constant 1 : i32
      scf.for %scan3A_479 = %scan3A_415 to %scan3A_417 step %scan3A_418  : i32 {
        %get3A = arith.index_cast %scan3A_479 : i32 to index
        %get3A_480 = arith.constant 0 : index
        %get3A_481 = tpu.vector_load %arg8[%get3A, %get3A_480] {strides = array<i32>} : memref<50x128xf32, #tpu.memory_space<vmem>>, vector<1x16xf32>,
        %get3A_482 = vector.shape_cast %get3A_481 : vector<1x16xf32> to vector<16xf32>
        %mul3A_483 = arith.constant 11.3137083 : f32
        %mul3A_484 = vector.broadcast %mul3A_483 : f32 to vector<16xf32>
        %mul3A_485 = arith.mulf %get3A_482, %mul3A_484 : vector<16xf32>
        %swap3A = arith.index_cast %scan3A_479 : i32 to index
        %swap3A_486 = arith.constant 0 : index
        %swap3A_487 = tpu.vector_load %arg12[%swap3A, %swap3A_486] {strides = array<i32>} : memref<50x128xf32, #tpu.memory_space<vmem>>, vector<1x16xf32>,
        %swap3A_488 = vector.shape_cast %swap3A_487 : vector<1x16xf32> to vector<16xf32>
        %swap3A_489 = vector.shape_cast %mul3A_485 : vector<16xf32> to vector<1x16xf32>
        tpu.vector_store %arg12[%swap3A, %swap3A_486], %swap3A_489 {strides = array<i32>} : memref<50x128xf32, #tpu.memory_space<vmem>>, vector<1x16xf32>,
        %get3A_490 = arith.index_cast %scan3A_479 : i32 to index
        %get3A_491 = arith.constant 16 : index
        %get3A_492 = tpu.vector_load %arg8[%get3A_490, %get3A_491] {strides = array<i32>} : memref<50x128xf32, #tpu.memory_space<vmem>>, vector<1x16xf32>,
        %get3A_493 = vector.shape_cast %get3A_492 : vector<1x16xf32> to vector<16xf32>
        %mul3A_494 = arith.constant 11.3137083 : f32
        %mul3A_495 = vector.broadcast %mul3A_494 : f32 to vector<16xf32>
        %mul3A_496 = arith.mulf %get3A_493, %mul3A_495 : vector<16xf32>
        %swap3A_497 = arith.index_cast %scan3A_479 : i32 to index
        %swap3A_498 = arith.constant 16 : index
        %swap3A_499 = tpu.vector_load %arg12[%swap3A_497, %swap3A_498] {strides = array<i32>} : memref<50x128xf32, #tpu.memory_space<vmem>>, vector<1x16xf32>,
        %swap3A_500 = vector.shape_cast %swap3A_499 : vector<1x16xf32> to vector<16xf32>
        %swap3A_501 = vector.shape_cast %mul3A_496 : vector<16xf32> to vector<1x16xf32>
        tpu.vector_store %arg12[%swap3A_497, %swap3A_498], %swap3A_501 {strides = array<i32>} : memref<50x128xf32, #tpu.memory_space<vmem>>, vector<1x16xf32>,
        %get3A_502 = arith.index_cast %scan3A_479 : i32 to index
        %get3A_503 = arith.constant 32 : index
        %get3A_504 = tpu.vector_load %arg8[%get3A_502, %get3A_503] {strides = array<i32>} : memref<50x128xf32, #tpu.memory_space<vmem>>, vector<1x16xf32>,
        %get3A_505 = vector.shape_cast %get3A_504 : vector<1x16xf32> to vector<16xf32>
        %mul3A_506 = arith.constant 11.3137083 : f32
        %mul3A_507 = vector.broadcast %mul3A_506 : f32 to vector<16xf32>
        %mul3A_508 = arith.mulf %get3A_505, %mul3A_507 : vector<16xf32>
        %swap3A_509 = arith.index_cast %scan3A_479 : i32 to index
        %swap3A_510 = arith.constant 32 : index
        %swap3A_511 = tpu.vector_load %arg12[%swap3A_509, %swap3A_510] {strides = array<i32>} : memref<50x128xf32, #tpu.memory_space<vmem>>, vector<1x16xf32>,
        %swap3A_512 = vector.shape_cast %swap3A_511 : vector<1x16xf32> to vector<16xf32>
        %swap3A_513 = vector.shape_cast %mul3A_508 : vector<16xf32> to vector<1x16xf32>
        tpu.vector_store %arg12[%swap3A_509, %swap3A_510], %swap3A_513 {strides = array<i32>} : memref<50x128xf32, #tpu.memory_space<vmem>>, vector<1x16xf32>,
        %get3A_514 = arith.index_cast %scan3A_479 : i32 to index
        %get3A_515 = arith.constant 48 : index
        %get3A_516 = tpu.vector_load %arg8[%get3A_514, %get3A_515] {strides = array<i32>} : memref<50x128xf32, #tpu.memory_space<vmem>>, vector<1x16xf32>,
        %get3A_517 = vector.shape_cast %get3A_516 : vector<1x16xf32> to vector<16xf32>
        %mul3A_518 = arith.constant 11.3137083 : f32
        %mul3A_519 = vector.broadcast %mul3A_518 : f32 to vector<16xf32>
        %mul3A_520 = arith.mulf %get3A_517, %mul3A_519 : vector<16xf32>
        %swap3A_521 = arith.index_cast %scan3A_479 : i32 to index
        %swap3A_522 = arith.constant 48 : index
        %swap3A_523 = tpu.vector_load %arg12[%swap3A_521, %swap3A_522] {strides = array<i32>} : memref<50x128xf32, #tpu.memory_space<vmem>>, vector<1x16xf32>,
        %swap3A_524 = vector.shape_cast %swap3A_523 : vector<1x16xf32> to vector<16xf32>
        %swap3A_525 = vector.shape_cast %mul3A_520 : vector<16xf32> to vector<1x16xf32>
        tpu.vector_store %arg12[%swap3A_521, %swap3A_522], %swap3A_525 {strides = array<i32>} : memref<50x128xf32, #tpu.memory_space<vmem>>, vector<1x16xf32>,
        %get3A_526 = arith.index_cast %scan3A_479 : i32 to index
        %get3A_527 = arith.constant 64 : index
        %get3A_528 = tpu.vector_load %arg8[%get3A_526, %get3A_527] {strides = array<i32>} : memref<50x128xf32, #tpu.memory_space<vmem>>, vector<1x16xf32>,
        %get3A_529 = vector.shape_cast %get3A_528 : vector<1x16xf32> to vector<16xf32>
        %mul3A_530 = arith.constant 11.3137083 : f32
        %mul3A_531 = vector.broadcast %mul3A_530 : f32 to vector<16xf32>
        %mul3A_532 = arith.mulf %get3A_529, %mul3A_531 : vector<16xf32>
        %swap3A_533 = arith.index_cast %scan3A_479 : i32 to index
        %swap3A_534 = arith.constant 64 : index
        %swap3A_535 = tpu.vector_load %arg12[%swap3A_533, %swap3A_534] {strides = array<i32>} : memref<50x128xf32, #tpu.memory_space<vmem>>, vector<1x16xf32>,
        %swap3A_536 = vector.shape_cast %swap3A_535 : vector<1x16xf32> to vector<16xf32>
        %swap3A_537 = vector.shape_cast %mul3A_532 : vector<16xf32> to vector<1x16xf32>
        tpu.vector_store %arg12[%swap3A_533, %swap3A_534], %swap3A_537 {strides = array<i32>} : memref<50x128xf32, #tpu.memory_space<vmem>>, vector<1x16xf32>,
        %get3A_538 = arith.index_cast %scan3A_479 : i32 to index
        %get3A_539 = arith.constant 80 : index
        %get3A_540 = tpu.vector_load %arg8[%get3A_538, %get3A_539] {strides = array<i32>} : memref<50x128xf32, #tpu.memory_space<vmem>>, vector<1x16xf32>,
        %get3A_541 = vector.shape_cast %get3A_540 : vector<1x16xf32> to vector<16xf32>
        %mul3A_542 = arith.constant 11.3137083 : f32
        %mul3A_543 = vector.broadcast %mul3A_542 : f32 to vector<16xf32>
        %mul3A_544 = arith.mulf %get3A_541, %mul3A_543 : vector<16xf32>
        %swap3A_545 = arith.index_cast %scan3A_479 : i32 to index
        %swap3A_546 = arith.constant 80 : index
        %swap3A_547 = tpu.vector_load %arg12[%swap3A_545, %swap3A_546] {strides = array<i32>} : memref<50x128xf32, #tpu.memory_space<vmem>>, vector<1x16xf32>,
        %swap3A_548 = vector.shape_cast %swap3A_547 : vector<1x16xf32> to vector<16xf32>
        %swap3A_549 = vector.shape_cast %mul3A_544 : vector<16xf32> to vector<1x16xf32>
        tpu.vector_store %arg12[%swap3A_545, %swap3A_546], %swap3A_549 {strides = array<i32>} : memref<50x128xf32, #tpu.memory_space<vmem>>, vector<1x16xf32>,
        %get3A_550 = arith.index_cast %scan3A_479 : i32 to index
        %get3A_551 = arith.constant 96 : index
        %get3A_552 = tpu.vector_load %arg8[%get3A_550, %get3A_551] {strides = array<i32>} : memref<50x128xf32, #tpu.memory_space<vmem>>, vector<1x16xf32>,
        %get3A_553 = vector.shape_cast %get3A_552 : vector<1x16xf32> to vector<16xf32>
        %mul3A_554 = arith.constant 11.3137083 : f32
        %mul3A_555 = vector.broadcast %mul3A_554 : f32 to vector<16xf32>
        %mul3A_556 = arith.mulf %get3A_553, %mul3A_555 : vector<16xf32>
        %swap3A_557 = arith.index_cast %scan3A_479 : i32 to index
        %swap3A_558 = arith.constant 96 : index
        %swap3A_559 = tpu.vector_load %arg12[%swap3A_557, %swap3A_558] {strides = array<i32>} : memref<50x128xf32, #tpu.memory_space<vmem>>, vector<1x16xf32>,
        %swap3A_560 = vector.shape_cast %swap3A_559 : vector<1x16xf32> to vector<16xf32>
        %swap3A_561 = vector.shape_cast %mul3A_556 : vector<16xf32> to vector<1x16xf32>
        tpu.vector_store %arg12[%swap3A_557, %swap3A_558], %swap3A_561 {strides = array<i32>} : memref<50x128xf32, #tpu.memory_space<vmem>>, vector<1x16xf32>,
        %get3A_562 = arith.index_cast %scan3A_479 : i32 to index
        %get3A_563 = arith.constant 112 : index
        %get3A_564 = tpu.vector_load %arg8[%get3A_562, %get3A_563] {strides = array<i32>} : memref<50x128xf32, #tpu.memory_space<vmem>>, vector<1x16xf32>,
        %get3A_565 = vector.shape_cast %get3A_564 : vector<1x16xf32> to vector<16xf32>
        %mul3A_566 = arith.constant 11.3137083 : f32
        %mul3A_567 = vector.broadcast %mul3A_566 : f32 to vector<16xf32>
        %mul3A_568 = arith.mulf %get3A_565, %mul3A_567 : vector<16xf32>
        %swap3A_569 = arith.index_cast %scan3A_479 : i32 to index
        %swap3A_570 = arith.constant 112 : index
        %swap3A_571 = tpu.vector_load %arg12[%swap3A_569, %swap3A_570] {strides = array<i32>} : memref<50x128xf32, #tpu.memory_space<vmem>>, vector<1x16xf32>,
        %swap3A_572 = vector.shape_cast %swap3A_571 : vector<1x16xf32> to vector<16xf32>
        %swap3A_573 = vector.shape_cast %mul3A_568 : vector<16xf32> to vector<1x16xf32>
        tpu.vector_store %arg12[%swap3A_569, %swap3A_570], %swap3A_573 {strides = array<i32>} : memref<50x128xf32, #tpu.memory_space<vmem>>, vector<1x16xf32>,
      }
      %scan3A_419 = arith.constant 50 : i32
      %add3A_420 = arith.constant 4 : i32
      %add3A_421 = arith.addi %add3A_398, %add3A_420 : i32
      %dma_start3A_422 = arith.constant 0 : i32
      %dma_start3A_423 = tpu.memref_slice %arg5[%add3A_421, %dma_start3A_422] : memref<128x50xi32, #tpu.memory_space<vmem>> -> memref<1x50xi32, #tpu.memory_space<vmem>>
      %dma_start3A_424 = tpu.memref_squeeze %dma_start3A_423 : memref<1x50xi32, #tpu.memory_space<vmem>> -> memref<50xi32, #tpu.memory_space<vmem>>
      %dma_start3A_425 = arith.constant 0 : i32
      %dma_start3A_426 = arith.constant 0 : i32
      %dma_start3A_427 = tpu.memref_slice %arg2[%dma_start3A_425, %dma_start3A_426] : memref<100000x128xf32, #tpu.memory_space<hbm>> -> memref<100000x128xf32, #tpu.memory_space<hbm>>
      tpu.enqueue_indirect_dma source(%dma_start3A_427 : memref<100000x128xf32, #tpu.memory_space<hbm>>) target(%arg8 : memref<50x128xf32, #tpu.memory_space<vmem>>) offsets(%dma_start3A_424 : memref<50xi32, #tpu.memory_space<vmem>>) semaphore(%arg16 : memref<!tpu.dma_semaphore, #tpu.memory_space<semaphore_mem>>)
      %add3A_428 = arith.addi %mul3A_2, %add3A_398 : i32
      %dma_start3A_429 = arith.constant 0 : i32
      %dma_start3A_430 = arith.constant 0 : i32
      %dma_start3A_431 = tpu.memref_slice %arg4[%add3A_428, %dma_start3A_429, %dma_start3A_430] : memref<4096x50x128xf32, #tpu.memory_space<hbm>> -> memref<1x50x128xf32, #tpu.memory_space<hbm>>
      %dma_start3A_432 = tpu.memref_squeeze %dma_start3A_431 : memref<1x50x128xf32, #tpu.memory_space<hbm>> -> memref<50x128xf32, #tpu.memory_space<hbm>>
      %dma_start3A_433 = arith.constant 0 : i32
      %dma_start3A_434 = arith.constant 0 : i32
      %dma_start3A_435 = tpu.memref_slice %arg4[%add3A_428, %dma_start3A_433, %dma_start3A_434] : memref<4096x50x128xf32, #tpu.memory_space<hbm>> -> memref<1x50x128xf32, #tpu.memory_space<hbm>>
      %dma_start3A_436 = tpu.memref_squeeze %dma_start3A_435 : memref<1x50x128xf32, #tpu.memory_space<hbm>> -> memref<50x128xf32, #tpu.memory_space<hbm>>
      tpu.enqueue_dma source(%arg12 : memref<50x128xf32, #tpu.memory_space<vmem>>) target(%dma_start3A_436 : memref<50x128xf32, #tpu.memory_space<hbm>>) target_semaphore(%arg20 : memref<!tpu.dma_semaphore, #tpu.memory_space<semaphore_mem>>)
      %mul3A_437 = arith.constant 4 : i32
      %mul3A_438 = arith.muli %scan3A_310, %mul3A_437 : i32
      %add3A_439 = arith.constant 3 : i32
      %add3A_440 = arith.addi %mul3A_438, %add3A_439 : i32
      %dma_wait3A_441 = arith.constant 0 : i32
      %dma_wait3A_442 = arith.constant 0 : i32
      %dma_wait3A_443 = tpu.memref_slice %arg5[%dma_wait3A_441, %dma_wait3A_442] : memref<128x50xi32, #tpu.memory_space<vmem>> -> memref<1x50xi32, #tpu.memory_space<vmem>>
      %dma_wait3A_444 = tpu.memref_squeeze %dma_wait3A_443 : memref<1x50xi32, #tpu.memory_space<vmem>> -> memref<50xi32, #tpu.memory_space<vmem>>
      %dma_wait3A_445 = arith.constant 0 : i32
      %dma_wait3A_446 = arith.constant 0 : i32
      %dma_wait3A_447 = tpu.memref_slice %arg2[%dma_wait3A_445, %dma_wait3A_446] : memref<100000x128xf32, #tpu.memory_space<hbm>> -> memref<100000x128xf32, #tpu.memory_space<hbm>>
      tpu.wait_indirect_dma semaphore(%arg17 : memref<!tpu.dma_semaphore, #tpu.memory_space<semaphore_mem>>) src(%dma_wait3A_447 : memref<100000x128xf32, #tpu.memory_space<hbm>>) dst(%arg9 : memref<50x128xf32, #tpu.memory_space<vmem>>)
      %dma_wait3A_448 = arith.constant 0 : i32
      %dma_wait3A_449 = arith.constant 0 : i32
      %dma_wait3A_450 = tpu.memref_slice %arg4[%mul3A_2, %dma_wait3A_448, %dma_wait3A_449] : memref<4096x50x128xf32, #tpu.memory_space<hbm>> -> memref<1x50x128xf32, #tpu.memory_space<hbm>>
      %dma_wait3A_451 = tpu.memref_squeeze %dma_wait3A_450 : memref<1x50x128xf32, #tpu.memory_space<hbm>> -> memref<50x128xf32, #tpu.memory_space<hbm>>
      %dma_wait3A_452 = arith.constant 0 : i32
      %dma_wait3A_453 = arith.constant 0 : i32
      %dma_wait3A_454 = tpu.memref_slice %arg4[%mul3A_2, %dma_wait3A_452, %dma_wait3A_453] : memref<4096x50x128xf32, #tpu.memory_space<hbm>> -> memref<1x50x128xf32, #tpu.memory_space<hbm>>
      %dma_wait3A_455 = tpu.memref_squeeze %dma_wait3A_454 : memref<1x50x128xf32, #tpu.memory_space<hbm>> -> memref<50x128xf32, #tpu.memory_space<hbm>>
      tpu.wait_dma2 semaphore(%arg21 : memref<!tpu.dma_semaphore, #tpu.memory_space<semaphore_mem>>) src(%arg13 : memref<50x128xf32, #tpu.memory_space<vmem>>) dst(%dma_wait3A_455 : memref<50x128xf32, #tpu.memory_space<hbm>>)
      %scan3A_456 = arith.constant 0 : i32
      %scan3A_457 = arith.constant 0 : i32
      %scan3A_458 = arith.constant 50 : i32
      %scan3A_459 = arith.addi %scan3A_457, %scan3A_458 : i32
      %scan3A_460 = arith.constant 1 : i32
      scf.for %scan3A_479 = %scan3A_457 to %scan3A_459 step %scan3A_460  : i32 {
        %get3A = arith.index_cast %scan3A_479 : i32 to index
        %get3A_480 = arith.constant 0 : index
        %get3A_481 = tpu.vector_load %arg9[%get3A, %get3A_480] {strides = array<i32>} : memref<50x128xf32, #tpu.memory_space<vmem>>, vector<1x16xf32>,
        %get3A_482 = vector.shape_cast %get3A_481 : vector<1x16xf32> to vector<16xf32>
        %mul3A_483 = arith.constant 11.3137083 : f32
        %mul3A_484 = vector.broadcast %mul3A_483 : f32 to vector<16xf32>
        %mul3A_485 = arith.mulf %get3A_482, %mul3A_484 : vector<16xf32>
        %swap3A = arith.index_cast %scan3A_479 : i32 to index
        %swap3A_486 = arith.constant 0 : index
        %swap3A_487 = tpu.vector_load %arg13[%swap3A, %swap3A_486] {strides = array<i32>} : memref<50x128xf32, #tpu.memory_space<vmem>>, vector<1x16xf32>,
        %swap3A_488 = vector.shape_cast %swap3A_487 : vector<1x16xf32> to vector<16xf32>
        %swap3A_489 = vector.shape_cast %mul3A_485 : vector<16xf32> to vector<1x16xf32>
        tpu.vector_store %arg13[%swap3A, %swap3A_486], %swap3A_489 {strides = array<i32>} : memref<50x128xf32, #tpu.memory_space<vmem>>, vector<1x16xf32>,
        %get3A_490 = arith.index_cast %scan3A_479 : i32 to index
        %get3A_491 = arith.constant 16 : index
        %get3A_492 = tpu.vector_load %arg9[%get3A_490, %get3A_491] {strides = array<i32>} : memref<50x128xf32, #tpu.memory_space<vmem>>, vector<1x16xf32>,
        %get3A_493 = vector.shape_cast %get3A_492 : vector<1x16xf32> to vector<16xf32>
        %mul3A_494 = arith.constant 11.3137083 : f32
        %mul3A_495 = vector.broadcast %mul3A_494 : f32 to vector<16xf32>
        %mul3A_496 = arith.mulf %get3A_493, %mul3A_495 : vector<16xf32>
        %swap3A_497 = arith.index_cast %scan3A_479 : i32 to index
        %swap3A_498 = arith.constant 16 : index
        %swap3A_499 = tpu.vector_load %arg13[%swap3A_497, %swap3A_498] {strides = array<i32>} : memref<50x128xf32, #tpu.memory_space<vmem>>, vector<1x16xf32>,
        %swap3A_500 = vector.shape_cast %swap3A_499 : vector<1x16xf32> to vector<16xf32>
        %swap3A_501 = vector.shape_cast %mul3A_496 : vector<16xf32> to vector<1x16xf32>
        tpu.vector_store %arg13[%swap3A_497, %swap3A_498], %swap3A_501 {strides = array<i32>} : memref<50x128xf32, #tpu.memory_space<vmem>>, vector<1x16xf32>,
        %get3A_502 = arith.index_cast %scan3A_479 : i32 to index
        %get3A_503 = arith.constant 32 : index
        %get3A_504 = tpu.vector_load %arg9[%get3A_502, %get3A_503] {strides = array<i32>} : memref<50x128xf32, #tpu.memory_space<vmem>>, vector<1x16xf32>,
        %get3A_505 = vector.shape_cast %get3A_504 : vector<1x16xf32> to vector<16xf32>
        %mul3A_506 = arith.constant 11.3137083 : f32
        %mul3A_507 = vector.broadcast %mul3A_506 : f32 to vector<16xf32>
        %mul3A_508 = arith.mulf %get3A_505, %mul3A_507 : vector<16xf32>
        %swap3A_509 = arith.index_cast %scan3A_479 : i32 to index
        %swap3A_510 = arith.constant 32 : index
        %swap3A_511 = tpu.vector_load %arg13[%swap3A_509, %swap3A_510] {strides = array<i32>} : memref<50x128xf32, #tpu.memory_space<vmem>>, vector<1x16xf32>,
        %swap3A_512 = vector.shape_cast %swap3A_511 : vector<1x16xf32> to vector<16xf32>
        %swap3A_513 = vector.shape_cast %mul3A_508 : vector<16xf32> to vector<1x16xf32>
        tpu.vector_store %arg13[%swap3A_509, %swap3A_510], %swap3A_513 {strides = array<i32>} : memref<50x128xf32, #tpu.memory_space<vmem>>, vector<1x16xf32>,
        %get3A_514 = arith.index_cast %scan3A_479 : i32 to index
        %get3A_515 = arith.constant 48 : index
        %get3A_516 = tpu.vector_load %arg9[%get3A_514, %get3A_515] {strides = array<i32>} : memref<50x128xf32, #tpu.memory_space<vmem>>, vector<1x16xf32>,
        %get3A_517 = vector.shape_cast %get3A_516 : vector<1x16xf32> to vector<16xf32>
        %mul3A_518 = arith.constant 11.3137083 : f32
        %mul3A_519 = vector.broadcast %mul3A_518 : f32 to vector<16xf32>
        %mul3A_520 = arith.mulf %get3A_517, %mul3A_519 : vector<16xf32>
        %swap3A_521 = arith.index_cast %scan3A_479 : i32 to index
        %swap3A_522 = arith.constant 48 : index
        %swap3A_523 = tpu.vector_load %arg13[%swap3A_521, %swap3A_522] {strides = array<i32>} : memref<50x128xf32, #tpu.memory_space<vmem>>, vector<1x16xf32>,
        %swap3A_524 = vector.shape_cast %swap3A_523 : vector<1x16xf32> to vector<16xf32>
        %swap3A_525 = vector.shape_cast %mul3A_520 : vector<16xf32> to vector<1x16xf32>
        tpu.vector_store %arg13[%swap3A_521, %swap3A_522], %swap3A_525 {strides = array<i32>} : memref<50x128xf32, #tpu.memory_space<vmem>>, vector<1x16xf32>,
        %get3A_526 = arith.index_cast %scan3A_479 : i32 to index
        %get3A_527 = arith.constant 64 : index
        %get3A_528 = tpu.vector_load %arg9[%get3A_526, %get3A_527] {strides = array<i32>} : memref<50x128xf32, #tpu.memory_space<vmem>>, vector<1x16xf32>,
        %get3A_529 = vector.shape_cast %get3A_528 : vector<1x16xf32> to vector<16xf32>
        %mul3A_530 = arith.constant 11.3137083 : f32
        %mul3A_531 = vector.broadcast %mul3A_530 : f32 to vector<16xf32>
        %mul3A_532 = arith.mulf %get3A_529, %mul3A_531 : vector<16xf32>
        %swap3A_533 = arith.index_cast %scan3A_479 : i32 to index
        %swap3A_534 = arith.constant 64 : index
        %swap3A_535 = tpu.vector_load %arg13[%swap3A_533, %swap3A_534] {strides = array<i32>} : memref<50x128xf32, #tpu.memory_space<vmem>>, vector<1x16xf32>,
        %swap3A_536 = vector.shape_cast %swap3A_535 : vector<1x16xf32> to vector<16xf32>
        %swap3A_537 = vector.shape_cast %mul3A_532 : vector<16xf32> to vector<1x16xf32>
        tpu.vector_store %arg13[%swap3A_533, %swap3A_534], %swap3A_537 {strides = array<i32>} : memref<50x128xf32, #tpu.memory_space<vmem>>, vector<1x16xf32>,
        %get3A_538 = arith.index_cast %scan3A_479 : i32 to index
        %get3A_539 = arith.constant 80 : index
        %get3A_540 = tpu.vector_load %arg9[%get3A_538, %get3A_539] {strides = array<i32>} : memref<50x128xf32, #tpu.memory_space<vmem>>, vector<1x16xf32>,
        %get3A_541 = vector.shape_cast %get3A_540 : vector<1x16xf32> to vector<16xf32>
        %mul3A_542 = arith.constant 11.3137083 : f32
        %mul3A_543 = vector.broadcast %mul3A_542 : f32 to vector<16xf32>
        %mul3A_544 = arith.mulf %get3A_541, %mul3A_543 : vector<16xf32>
        %swap3A_545 = arith.index_cast %scan3A_479 : i32 to index
        %swap3A_546 = arith.constant 80 : index
        %swap3A_547 = tpu.vector_load %arg13[%swap3A_545, %swap3A_546] {strides = array<i32>} : memref<50x128xf32, #tpu.memory_space<vmem>>, vector<1x16xf32>,
        %swap3A_548 = vector.shape_cast %swap3A_547 : vector<1x16xf32> to vector<16xf32>
        %swap3A_549 = vector.shape_cast %mul3A_544 : vector<16xf32> to vector<1x16xf32>
        tpu.vector_store %arg13[%swap3A_545, %swap3A_546], %swap3A_549 {strides = array<i32>} : memref<50x128xf32, #tpu.memory_space<vmem>>, vector<1x16xf32>,
        %get3A_550 = arith.index_cast %scan3A_479 : i32 to index
        %get3A_551 = arith.constant 96 : index
        %get3A_552 = tpu.vector_load %arg9[%get3A_550, %get3A_551] {strides = array<i32>} : memref<50x128xf32, #tpu.memory_space<vmem>>, vector<1x16xf32>,
        %get3A_553 = vector.shape_cast %get3A_552 : vector<1x16xf32> to vector<16xf32>
        %mul3A_554 = arith.constant 11.3137083 : f32
        %mul3A_555 = vector.broadcast %mul3A_554 : f32 to vector<16xf32>
        %mul3A_556 = arith.mulf %get3A_553, %mul3A_555 : vector<16xf32>
        %swap3A_557 = arith.index_cast %scan3A_479 : i32 to index
        %swap3A_558 = arith.constant 96 : index
        %swap3A_559 = tpu.vector_load %arg13[%swap3A_557, %swap3A_558] {strides = array<i32>} : memref<50x128xf32, #tpu.memory_space<vmem>>, vector<1x16xf32>,
        %swap3A_560 = vector.shape_cast %swap3A_559 : vector<1x16xf32> to vector<16xf32>
        %swap3A_561 = vector.shape_cast %mul3A_556 : vector<16xf32> to vector<1x16xf32>
        tpu.vector_store %arg13[%swap3A_557, %swap3A_558], %swap3A_561 {strides = array<i32>} : memref<50x128xf32, #tpu.memory_space<vmem>>, vector<1x16xf32>,
        %get3A_562 = arith.index_cast %scan3A_479 : i32 to index
        %get3A_563 = arith.constant 112 : index
        %get3A_564 = tpu.vector_load %arg9[%get3A_562, %get3A_563] {strides = array<i32>} : memref<50x128xf32, #tpu.memory_space<vmem>>, vector<1x16xf32>,
        %get3A_565 = vector.shape_cast %get3A_564 : vector<1x16xf32> to vector<16xf32>
        %mul3A_566 = arith.constant 11.3137083 : f32
        %mul3A_567 = vector.broadcast %mul3A_566 : f32 to vector<16xf32>
        %mul3A_568 = arith.mulf %get3A_565, %mul3A_567 : vector<16xf32>
        %swap3A_569 = arith.index_cast %scan3A_479 : i32 to index
        %swap3A_570 = arith.constant 112 : index
        %swap3A_571 = tpu.vector_load %arg13[%swap3A_569, %swap3A_570] {strides = array<i32>} : memref<50x128xf32, #tpu.memory_space<vmem>>, vector<1x16xf32>,
        %swap3A_572 = vector.shape_cast %swap3A_571 : vector<1x16xf32> to vector<16xf32>
        %swap3A_573 = vector.shape_cast %mul3A_568 : vector<16xf32> to vector<1x16xf32>
        tpu.vector_store %arg13[%swap3A_569, %swap3A_570], %swap3A_573 {strides = array<i32>} : memref<50x128xf32, #tpu.memory_space<vmem>>, vector<1x16xf32>,
      }
      %scan3A_461 = arith.constant 50 : i32
      %add3A_462 = arith.constant 4 : i32
      %add3A_463 = arith.addi %add3A_440, %add3A_462 : i32
      %dma_start3A_464 = arith.constant 0 : i32
      %dma_start3A_465 = tpu.memref_slice %arg5[%add3A_463, %dma_start3A_464] : memref<128x50xi32, #tpu.memory_space<vmem>> -> memref<1x50xi32, #tpu.memory_space<vmem>>
      %dma_start3A_466 = tpu.memref_squeeze %dma_start3A_465 : memref<1x50xi32, #tpu.memory_space<vmem>> -> memref<50xi32, #tpu.memory_space<vmem>>
      %dma_start3A_467 = arith.constant 0 : i32
      %dma_start3A_468 = arith.constant 0 : i32
      %dma_start3A_469 = tpu.memref_slice %arg2[%dma_start3A_467, %dma_start3A_468] : memref<100000x128xf32, #tpu.memory_space<hbm>> -> memref<100000x128xf32, #tpu.memory_space<hbm>>
      tpu.enqueue_indirect_dma source(%dma_start3A_469 : memref<100000x128xf32, #tpu.memory_space<hbm>>) target(%arg9 : memref<50x128xf32, #tpu.memory_space<vmem>>) offsets(%dma_start3A_466 : memref<50xi32, #tpu.memory_space<vmem>>) semaphore(%arg17 : memref<!tpu.dma_semaphore, #tpu.memory_space<semaphore_mem>>)
      %add3A_470 = arith.addi %mul3A_2, %add3A_440 : i32
      %dma_start3A_471 = arith.constant 0 : i32
      %dma_start3A_472 = arith.constant 0 : i32
      %dma_start3A_473 = tpu.memref_slice %arg4[%add3A_470, %dma_start3A_471, %dma_start3A_472] : memref<4096x50x128xf32, #tpu.memory_space<hbm>> -> memref<1x50x128xf32, #tpu.memory_space<hbm>>
      %dma_start3A_474 = tpu.memref_squeeze %dma_start3A_473 : memref<1x50x128xf32, #tpu.memory_space<hbm>> -> memref<50x128xf32, #tpu.memory_space<hbm>>
      %dma_start3A_475 = arith.constant 0 : i32
      %dma_start3A_476 = arith.constant 0 : i32
      %dma_start3A_477 = tpu.memref_slice %arg4[%add3A_470, %dma_start3A_475, %dma_start3A_476] : memref<4096x50x128xf32, #tpu.memory_space<hbm>> -> memref<1x50x128xf32, #tpu.memory_space<hbm>>
      %dma_start3A_478 = tpu.memref_squeeze %dma_start3A_477 : memref<1x50x128xf32, #tpu.memory_space<hbm>> -> memref<50x128xf32, #tpu.memory_space<hbm>>
      tpu.enqueue_dma source(%arg13 : memref<50x128xf32, #tpu.memory_space<vmem>>) target(%dma_start3A_478 : memref<50x128xf32, #tpu.memory_space<hbm>>) target_semaphore(%arg21 : memref<!tpu.dma_semaphore, #tpu.memory_space<semaphore_mem>>)
    }
    %scan3A_153 = arith.constant 30 : i32
    %dma_wait3A_154 = arith.constant 0 : i32
    %dma_wait3A_155 = arith.constant 0 : i32
    %dma_wait3A_156 = tpu.memref_slice %arg5[%dma_wait3A_154, %dma_wait3A_155] : memref<128x50xi32, #tpu.memory_space<vmem>> -> memref<1x50xi32, #tpu.memory_space<vmem>>
    %dma_wait3A_157 = tpu.memref_squeeze %dma_wait3A_156 : memref<1x50xi32, #tpu.memory_space<vmem>> -> memref<50xi32, #tpu.memory_space<vmem>>
    %dma_wait3A_158 = arith.constant 0 : i32
    %dma_wait3A_159 = arith.constant 0 : i32
    %dma_wait3A_160 = tpu.memref_slice %arg2[%dma_wait3A_158, %dma_wait3A_159] : memref<100000x128xf32, #tpu.memory_space<hbm>> -> memref<100000x128xf32, #tpu.memory_space<hbm>>
    tpu.wait_indirect_dma semaphore(%arg14 : memref<!tpu.dma_semaphore, #tpu.memory_space<semaphore_mem>>) src(%dma_wait3A_160 : memref<100000x128xf32, #tpu.memory_space<hbm>>) dst(%arg6 : memref<50x128xf32, #tpu.memory_space<vmem>>)
    %dma_wait3A_161 = arith.constant 0 : i32
    %dma_wait3A_162 = arith.constant 0 : i32
    %dma_wait3A_163 = tpu.memref_slice %arg4[%mul3A_2, %dma_wait3A_161, %dma_wait3A_162] : memref<4096x50x128xf32, #tpu.memory_space<hbm>> -> memref<1x50x128xf32, #tpu.memory_space<hbm>>
    %dma_wait3A_164 = tpu.memref_squeeze %dma_wait3A_163 : memref<1x50x128xf32, #tpu.memory_space<hbm>> -> memref<50x128xf32, #tpu.memory_space<hbm>>
    %dma_wait3A_165 = arith.constant 0 : i32
    %dma_wait3A_166 = arith.constant 0 : i32
    %dma_wait3A_167 = tpu.memref_slice %arg4[%mul3A_2, %dma_wait3A_165, %dma_wait3A_166] : memref<4096x50x128xf32, #tpu.memory_space<hbm>> -> memref<1x50x128xf32, #tpu.memory_space<hbm>>
    %dma_wait3A_168 = tpu.memref_squeeze %dma_wait3A_167 : memref<1x50x128xf32, #tpu.memory_space<hbm>> -> memref<50x128xf32, #tpu.memory_space<hbm>>
    tpu.wait_dma2 semaphore(%arg18 : memref<!tpu.dma_semaphore, #tpu.memory_space<semaphore_mem>>) src(%arg10 : memref<50x128xf32, #tpu.memory_space<vmem>>) dst(%dma_wait3A_168 : memref<50x128xf32, #tpu.memory_space<hbm>>)
    %scan3A_169 = arith.constant 0 : i32
    %scan3A_170 = arith.constant 0 : i32
    %scan3A_171 = arith.constant 50 : i32
    %scan3A_172 = arith.addi %scan3A_170, %scan3A_171 : i32
    %scan3A_173 = arith.constant 1 : i32
    scf.for %scan3A_310 = %scan3A_170 to %scan3A_172 step %scan3A_173  : i32 {
      %get3A = arith.index_cast %scan3A_310 : i32 to index
      %get3A_311 = arith.constant 0 : index
      %get3A_312 = tpu.vector_load %arg6[%get3A, %get3A_311] {strides = array<i32>} : memref<50x128xf32, #tpu.memory_space<vmem>>, vector<1x16xf32>,
      %get3A_313 = vector.shape_cast %get3A_312 : vector<1x16xf32> to vector<16xf32>
      %mul3A_314 = arith.constant 11.3137083 : f32
      %mul3A_315 = vector.broadcast %mul3A_314 : f32 to vector<16xf32>
      %mul3A_316 = arith.mulf %get3A_313, %mul3A_315 : vector<16xf32>
      %swap3A = arith.index_cast %scan3A_310 : i32 to index
      %swap3A_317 = arith.constant 0 : index
      %swap3A_318 = tpu.vector_load %arg10[%swap3A, %swap3A_317] {strides = array<i32>} : memref<50x128xf32, #tpu.memory_space<vmem>>, vector<1x16xf32>,
      %swap3A_319 = vector.shape_cast %swap3A_318 : vector<1x16xf32> to vector<16xf32>
      %swap3A_320 = vector.shape_cast %mul3A_316 : vector<16xf32> to vector<1x16xf32>
      tpu.vector_store %arg10[%swap3A, %swap3A_317], %swap3A_320 {strides = array<i32>} : memref<50x128xf32, #tpu.memory_space<vmem>>, vector<1x16xf32>,
      %get3A_321 = arith.index_cast %scan3A_310 : i32 to index
      %get3A_322 = arith.constant 16 : index
      %get3A_323 = tpu.vector_load %arg6[%get3A_321, %get3A_322] {strides = array<i32>} : memref<50x128xf32, #tpu.memory_space<vmem>>, vector<1x16xf32>,
      %get3A_324 = vector.shape_cast %get3A_323 : vector<1x16xf32> to vector<16xf32>
      %mul3A_325 = arith.constant 11.3137083 : f32
      %mul3A_326 = vector.broadcast %mul3A_325 : f32 to vector<16xf32>
      %mul3A_327 = arith.mulf %get3A_324, %mul3A_326 : vector<16xf32>
      %swap3A_328 = arith.index_cast %scan3A_310 : i32 to index
      %swap3A_329 = arith.constant 16 : index
      %swap3A_330 = tpu.vector_load %arg10[%swap3A_328, %swap3A_329] {strides = array<i32>} : memref<50x128xf32, #tpu.memory_space<vmem>>, vector<1x16xf32>,
      %swap3A_331 = vector.shape_cast %swap3A_330 : vector<1x16xf32> to vector<16xf32>
      %swap3A_332 = vector.shape_cast %mul3A_327 : vector<16xf32> to vector<1x16xf32>
      tpu.vector_store %arg10[%swap3A_328, %swap3A_329], %swap3A_332 {strides = array<i32>} : memref<50x128xf32, #tpu.memory_space<vmem>>, vector<1x16xf32>,
      %get3A_333 = arith.index_cast %scan3A_310 : i32 to index
      %get3A_334 = arith.constant 32 : index
      %get3A_335 = tpu.vector_load %arg6[%get3A_333, %get3A_334] {strides = array<i32>} : memref<50x128xf32, #tpu.memory_space<vmem>>, vector<1x16xf32>,
      %get3A_336 = vector.shape_cast %get3A_335 : vector<1x16xf32> to vector<16xf32>
      %mul3A_337 = arith.constant 11.3137083 : f32
      %mul3A_338 = vector.broadcast %mul3A_337 : f32 to vector<16xf32>
      %mul3A_339 = arith.mulf %get3A_336, %mul3A_338 : vector<16xf32>
      %swap3A_340 = arith.index_cast %scan3A_310 : i32 to index
      %swap3A_341 = arith.constant 32 : index
      %swap3A_342 = tpu.vector_load %arg10[%swap3A_340, %swap3A_341] {strides = array<i32>} : memref<50x128xf32, #tpu.memory_space<vmem>>, vector<1x16xf32>,
      %swap3A_343 = vector.shape_cast %swap3A_342 : vector<1x16xf32> to vector<16xf32>
      %swap3A_344 = vector.shape_cast %mul3A_339 : vector<16xf32> to vector<1x16xf32>
      tpu.vector_store %arg10[%swap3A_340, %swap3A_341], %swap3A_344 {strides = array<i32>} : memref<50x128xf32, #tpu.memory_space<vmem>>, vector<1x16xf32>,
      %get3A_345 = arith.index_cast %scan3A_310 : i32 to index
      %get3A_346 = arith.constant 48 : index
      %get3A_347 = tpu.vector_load %arg6[%get3A_345, %get3A_346] {strides = array<i32>} : memref<50x128xf32, #tpu.memory_space<vmem>>, vector<1x16xf32>,
      %get3A_348 = vector.shape_cast %get3A_347 : vector<1x16xf32> to vector<16xf32>
      %mul3A_349 = arith.constant 11.3137083 : f32
      %mul3A_350 = vector.broadcast %mul3A_349 : f32 to vector<16xf32>
      %mul3A_351 = arith.mulf %get3A_348, %mul3A_350 : vector<16xf32>
      %swap3A_352 = arith.index_cast %scan3A_310 : i32 to index
      %swap3A_353 = arith.constant 48 : index
      %swap3A_354 = tpu.vector_load %arg10[%swap3A_352, %swap3A_353] {strides = array<i32>} : memref<50x128xf32, #tpu.memory_space<vmem>>, vector<1x16xf32>,
      %swap3A_355 = vector.shape_cast %swap3A_354 : vector<1x16xf32> to vector<16xf32>
      %swap3A_356 = vector.shape_cast %mul3A_351 : vector<16xf32> to vector<1x16xf32>
      tpu.vector_store %arg10[%swap3A_352, %swap3A_353], %swap3A_356 {strides = array<i32>} : memref<50x128xf32, #tpu.memory_space<vmem>>, vector<1x16xf32>,
      %get3A_357 = arith.index_cast %scan3A_310 : i32 to index
      %get3A_358 = arith.constant 64 : index
      %get3A_359 = tpu.vector_load %arg6[%get3A_357, %get3A_358] {strides = array<i32>} : memref<50x128xf32, #tpu.memory_space<vmem>>, vector<1x16xf32>,
      %get3A_360 = vector.shape_cast %get3A_359 : vector<1x16xf32> to vector<16xf32>
      %mul3A_361 = arith.constant 11.3137083 : f32
      %mul3A_362 = vector.broadcast %mul3A_361 : f32 to vector<16xf32>
      %mul3A_363 = arith.mulf %get3A_360, %mul3A_362 : vector<16xf32>
      %swap3A_364 = arith.index_cast %scan3A_310 : i32 to index
      %swap3A_365 = arith.constant 64 : index
      %swap3A_366 = tpu.vector_load %arg10[%swap3A_364, %swap3A_365] {strides = array<i32>} : memref<50x128xf32, #tpu.memory_space<vmem>>, vector<1x16xf32>,
      %swap3A_367 = vector.shape_cast %swap3A_366 : vector<1x16xf32> to vector<16xf32>
      %swap3A_368 = vector.shape_cast %mul3A_363 : vector<16xf32> to vector<1x16xf32>
      tpu.vector_store %arg10[%swap3A_364, %swap3A_365], %swap3A_368 {strides = array<i32>} : memref<50x128xf32, #tpu.memory_space<vmem>>, vector<1x16xf32>,
      %get3A_369 = arith.index_cast %scan3A_310 : i32 to index
      %get3A_370 = arith.constant 80 : index
      %get3A_371 = tpu.vector_load %arg6[%get3A_369, %get3A_370] {strides = array<i32>} : memref<50x128xf32, #tpu.memory_space<vmem>>, vector<1x16xf32>,
      %get3A_372 = vector.shape_cast %get3A_371 : vector<1x16xf32> to vector<16xf32>
      %mul3A_373 = arith.constant 11.3137083 : f32
      %mul3A_374 = vector.broadcast %mul3A_373 : f32 to vector<16xf32>
      %mul3A_375 = arith.mulf %get3A_372, %mul3A_374 : vector<16xf32>
      %swap3A_376 = arith.index_cast %scan3A_310 : i32 to index
      %swap3A_377 = arith.constant 80 : index
      %swap3A_378 = tpu.vector_load %arg10[%swap3A_376, %swap3A_377] {strides = array<i32>} : memref<50x128xf32, #tpu.memory_space<vmem>>, vector<1x16xf32>,
      %swap3A_379 = vector.shape_cast %swap3A_378 : vector<1x16xf32> to vector<16xf32>
      %swap3A_380 = vector.shape_cast %mul3A_375 : vector<16xf32> to vector<1x16xf32>
      tpu.vector_store %arg10[%swap3A_376, %swap3A_377], %swap3A_380 {strides = array<i32>} : memref<50x128xf32, #tpu.memory_space<vmem>>, vector<1x16xf32>,
      %get3A_381 = arith.index_cast %scan3A_310 : i32 to index
      %get3A_382 = arith.constant 96 : index
      %get3A_383 = tpu.vector_load %arg6[%get3A_381, %get3A_382] {strides = array<i32>} : memref<50x128xf32, #tpu.memory_space<vmem>>, vector<1x16xf32>,
      %get3A_384 = vector.shape_cast %get3A_383 : vector<1x16xf32> to vector<16xf32>
      %mul3A_385 = arith.constant 11.3137083 : f32
      %mul3A_386 = vector.broadcast %mul3A_385 : f32 to vector<16xf32>
      %mul3A_387 = arith.mulf %get3A_384, %mul3A_386 : vector<16xf32>
      %swap3A_388 = arith.index_cast %scan3A_310 : i32 to index
      %swap3A_389 = arith.constant 96 : index
      %swap3A_390 = tpu.vector_load %arg10[%swap3A_388, %swap3A_389] {strides = array<i32>} : memref<50x128xf32, #tpu.memory_space<vmem>>, vector<1x16xf32>,
      %swap3A_391 = vector.shape_cast %swap3A_390 : vector<1x16xf32> to vector<16xf32>
      %swap3A_392 = vector.shape_cast %mul3A_387 : vector<16xf32> to vector<1x16xf32>
      tpu.vector_store %arg10[%swap3A_388, %swap3A_389], %swap3A_392 {strides = array<i32>} : memref<50x128xf32, #tpu.memory_space<vmem>>, vector<1x16xf32>,
      %get3A_393 = arith.index_cast %scan3A_310 : i32 to index
      %get3A_394 = arith.constant 112 : index
      %get3A_395 = tpu.vector_load %arg6[%get3A_393, %get3A_394] {strides = array<i32>} : memref<50x128xf32, #tpu.memory_space<vmem>>, vector<1x16xf32>,
      %get3A_396 = vector.shape_cast %get3A_395 : vector<1x16xf32> to vector<16xf32>
      %mul3A_397 = arith.constant 11.3137083 : f32
      %mul3A_398 = vector.broadcast %mul3A_397 : f32 to vector<16xf32>
      %mul3A_399 = arith.mulf %get3A_396, %mul3A_398 : vector<16xf32>
      %swap3A_400 = arith.index_cast %scan3A_310 : i32 to index
      %swap3A_401 = arith.constant 112 : index
      %swap3A_402 = tpu.vector_load %arg10[%swap3A_400, %swap3A_401] {strides = array<i32>} : memref<50x128xf32, #tpu.memory_space<vmem>>, vector<1x16xf32>,
      %swap3A_403 = vector.shape_cast %swap3A_402 : vector<1x16xf32> to vector<16xf32>
      %swap3A_404 = vector.shape_cast %mul3A_399 : vector<16xf32> to vector<1x16xf32>
      tpu.vector_store %arg10[%swap3A_400, %swap3A_401], %swap3A_404 {strides = array<i32>} : memref<50x128xf32, #tpu.memory_space<vmem>>, vector<1x16xf32>,
    }
    %scan3A_174 = arith.constant 50 : i32
    %add3A_175 = arith.constant 124 : i32
    %add3A_176 = arith.addi %mul3A_2, %add3A_175 : i32
    %dma_start3A_177 = arith.constant 0 : i32
    %dma_start3A_178 = arith.constant 0 : i32
    %dma_start3A_179 = tpu.memref_slice %arg4[%add3A_176, %dma_start3A_177, %dma_start3A_178] : memref<4096x50x128xf32, #tpu.memory_space<hbm>> -> memref<1x50x128xf32, #tpu.memory_space<hbm>>
    %dma_start3A_180 = tpu.memref_squeeze %dma_start3A_179 : memref<1x50x128xf32, #tpu.memory_space<hbm>> -> memref<50x128xf32, #tpu.memory_space<hbm>>
    %dma_start3A_181 = arith.constant 0 : i32
    %dma_start3A_182 = arith.constant 0 : i32
    %dma_start3A_183 = tpu.memref_slice %arg4[%add3A_176, %dma_start3A_181, %dma_start3A_182] : memref<4096x50x128xf32, #tpu.memory_space<hbm>> -> memref<1x50x128xf32, #tpu.memory_space<hbm>>
    %dma_start3A_184 = tpu.memref_squeeze %dma_start3A_183 : memref<1x50x128xf32, #tpu.memory_space<hbm>> -> memref<50x128xf32, #tpu.memory_space<hbm>>
    tpu.enqueue_dma source(%arg10 : memref<50x128xf32, #tpu.memory_space<vmem>>) target(%dma_start3A_184 : memref<50x128xf32, #tpu.memory_space<hbm>>) target_semaphore(%arg18 : memref<!tpu.dma_semaphore, #tpu.memory_space<semaphore_mem>>)
    %dma_wait3A_185 = arith.constant 0 : i32
    %dma_wait3A_186 = arith.constant 0 : i32
    %dma_wait3A_187 = tpu.memref_slice %arg5[%dma_wait3A_185, %dma_wait3A_186] : memref<128x50xi32, #tpu.memory_space<vmem>> -> memref<1x50xi32, #tpu.memory_space<vmem>>
    %dma_wait3A_188 = tpu.memref_squeeze %dma_wait3A_187 : memref<1x50xi32, #tpu.memory_space<vmem>> -> memref<50xi32, #tpu.memory_space<vmem>>
    %dma_wait3A_189 = arith.constant 0 : i32
    %dma_wait3A_190 = arith.constant 0 : i32
    %dma_wait3A_191 = tpu.memref_slice %arg2[%dma_wait3A_189, %dma_wait3A_190] : memref<100000x128xf32, #tpu.memory_space<hbm>> -> memref<100000x128xf32, #tpu.memory_space<hbm>>
    tpu.wait_indirect_dma semaphore(%arg15 : memref<!tpu.dma_semaphore, #tpu.memory_space<semaphore_mem>>) src(%dma_wait3A_191 : memref<100000x128xf32, #tpu.memory_space<hbm>>) dst(%arg7 : memref<50x128xf32, #tpu.memory_space<vmem>>)
    %dma_wait3A_192 = arith.constant 0 : i32
    %dma_wait3A_193 = arith.constant 0 : i32
    %dma_wait3A_194 = tpu.memref_slice %arg4[%mul3A_2, %dma_wait3A_192, %dma_wait3A_193] : memref<4096x50x128xf32, #tpu.memory_space<hbm>> -> memref<1x50x128xf32, #tpu.memory_space<hbm>>
    %dma_wait3A_195 = tpu.memref_squeeze %dma_wait3A_194 : memref<1x50x128xf32, #tpu.memory_space<hbm>> -> memref<50x128xf32, #tpu.memory_space<hbm>>
    %dma_wait3A_196 = arith.constant 0 : i32
    %dma_wait3A_197 = arith.constant 0 : i32
    %dma_wait3A_198 = tpu.memref_slice %arg4[%mul3A_2, %dma_wait3A_196, %dma_wait3A_197] : memref<4096x50x128xf32, #tpu.memory_space<hbm>> -> memref<1x50x128xf32, #tpu.memory_space<hbm>>
    %dma_wait3A_199 = tpu.memref_squeeze %dma_wait3A_198 : memref<1x50x128xf32, #tpu.memory_space<hbm>> -> memref<50x128xf32, #tpu.memory_space<hbm>>
    tpu.wait_dma2 semaphore(%arg19 : memref<!tpu.dma_semaphore, #tpu.memory_space<semaphore_mem>>) src(%arg11 : memref<50x128xf32, #tpu.memory_space<vmem>>) dst(%dma_wait3A_199 : memref<50x128xf32, #tpu.memory_space<hbm>>)
    %scan3A_200 = arith.constant 0 : i32
    %scan3A_201 = arith.constant 0 : i32
    %scan3A_202 = arith.constant 50 : i32
    %scan3A_203 = arith.addi %scan3A_201, %scan3A_202 : i32
    %scan3A_204 = arith.constant 1 : i32
    scf.for %scan3A_310 = %scan3A_201 to %scan3A_203 step %scan3A_204  : i32 {
      %get3A = arith.index_cast %scan3A_310 : i32 to index
      %get3A_311 = arith.constant 0 : index
      %get3A_312 = tpu.vector_load %arg7[%get3A, %get3A_311] {strides = array<i32>} : memref<50x128xf32, #tpu.memory_space<vmem>>, vector<1x16xf32>,
      %get3A_313 = vector.shape_cast %get3A_312 : vector<1x16xf32> to vector<16xf32>
      %mul3A_314 = arith.constant 11.3137083 : f32
      %mul3A_315 = vector.broadcast %mul3A_314 : f32 to vector<16xf32>
      %mul3A_316 = arith.mulf %get3A_313, %mul3A_315 : vector<16xf32>
      %swap3A = arith.index_cast %scan3A_310 : i32 to index
      %swap3A_317 = arith.constant 0 : index
      %swap3A_318 = tpu.vector_load %arg11[%swap3A, %swap3A_317] {strides = array<i32>} : memref<50x128xf32, #tpu.memory_space<vmem>>, vector<1x16xf32>,
      %swap3A_319 = vector.shape_cast %swap3A_318 : vector<1x16xf32> to vector<16xf32>
      %swap3A_320 = vector.shape_cast %mul3A_316 : vector<16xf32> to vector<1x16xf32>
      tpu.vector_store %arg11[%swap3A, %swap3A_317], %swap3A_320 {strides = array<i32>} : memref<50x128xf32, #tpu.memory_space<vmem>>, vector<1x16xf32>,
      %get3A_321 = arith.index_cast %scan3A_310 : i32 to index
      %get3A_322 = arith.constant 16 : index
      %get3A_323 = tpu.vector_load %arg7[%get3A_321, %get3A_322] {strides = array<i32>} : memref<50x128xf32, #tpu.memory_space<vmem>>, vector<1x16xf32>,
      %get3A_324 = vector.shape_cast %get3A_323 : vector<1x16xf32> to vector<16xf32>
      %mul3A_325 = arith.constant 11.3137083 : f32
      %mul3A_326 = vector.broadcast %mul3A_325 : f32 to vector<16xf32>
      %mul3A_327 = arith.mulf %get3A_324, %mul3A_326 : vector<16xf32>
      %swap3A_328 = arith.index_cast %scan3A_310 : i32 to index
      %swap3A_329 = arith.constant 16 : index
      %swap3A_330 = tpu.vector_load %arg11[%swap3A_328, %swap3A_329] {strides = array<i32>} : memref<50x128xf32, #tpu.memory_space<vmem>>, vector<1x16xf32>,
      %swap3A_331 = vector.shape_cast %swap3A_330 : vector<1x16xf32> to vector<16xf32>
      %swap3A_332 = vector.shape_cast %mul3A_327 : vector<16xf32> to vector<1x16xf32>
      tpu.vector_store %arg11[%swap3A_328, %swap3A_329], %swap3A_332 {strides = array<i32>} : memref<50x128xf32, #tpu.memory_space<vmem>>, vector<1x16xf32>,
      %get3A_333 = arith.index_cast %scan3A_310 : i32 to index
      %get3A_334 = arith.constant 32 : index
      %get3A_335 = tpu.vector_load %arg7[%get3A_333, %get3A_334] {strides = array<i32>} : memref<50x128xf32, #tpu.memory_space<vmem>>, vector<1x16xf32>,
      %get3A_336 = vector.shape_cast %get3A_335 : vector<1x16xf32> to vector<16xf32>
      %mul3A_337 = arith.constant 11.3137083 : f32
      %mul3A_338 = vector.broadcast %mul3A_337 : f32 to vector<16xf32>
      %mul3A_339 = arith.mulf %get3A_336, %mul3A_338 : vector<16xf32>
      %swap3A_340 = arith.index_cast %scan3A_310 : i32 to index
      %swap3A_341 = arith.constant 32 : index
      %swap3A_342 = tpu.vector_load %arg11[%swap3A_340, %swap3A_341] {strides = array<i32>} : memref<50x128xf32, #tpu.memory_space<vmem>>, vector<1x16xf32>,
      %swap3A_343 = vector.shape_cast %swap3A_342 : vector<1x16xf32> to vector<16xf32>
      %swap3A_344 = vector.shape_cast %mul3A_339 : vector<16xf32> to vector<1x16xf32>
      tpu.vector_store %arg11[%swap3A_340, %swap3A_341], %swap3A_344 {strides = array<i32>} : memref<50x128xf32, #tpu.memory_space<vmem>>, vector<1x16xf32>,
      %get3A_345 = arith.index_cast %scan3A_310 : i32 to index
      %get3A_346 = arith.constant 48 : index
      %get3A_347 = tpu.vector_load %arg7[%get3A_345, %get3A_346] {strides = array<i32>} : memref<50x128xf32, #tpu.memory_space<vmem>>, vector<1x16xf32>,
      %get3A_348 = vector.shape_cast %get3A_347 : vector<1x16xf32> to vector<16xf32>
      %mul3A_349 = arith.constant 11.3137083 : f32
      %mul3A_350 = vector.broadcast %mul3A_349 : f32 to vector<16xf32>
      %mul3A_351 = arith.mulf %get3A_348, %mul3A_350 : vector<16xf32>
      %swap3A_352 = arith.index_cast %scan3A_310 : i32 to index
      %swap3A_353 = arith.constant 48 : index
      %swap3A_354 = tpu.vector_load %arg11[%swap3A_352, %swap3A_353] {strides = array<i32>} : memref<50x128xf32, #tpu.memory_space<vmem>>, vector<1x16xf32>,
      %swap3A_355 = vector.shape_cast %swap3A_354 : vector<1x16xf32> to vector<16xf32>
      %swap3A_356 = vector.shape_cast %mul3A_351 : vector<16xf32> to vector<1x16xf32>
      tpu.vector_store %arg11[%swap3A_352, %swap3A_353], %swap3A_356 {strides = array<i32>} : memref<50x128xf32, #tpu.memory_space<vmem>>, vector<1x16xf32>,
      %get3A_357 = arith.index_cast %scan3A_310 : i32 to index
      %get3A_358 = arith.constant 64 : index
      %get3A_359 = tpu.vector_load %arg7[%get3A_357, %get3A_358] {strides = array<i32>} : memref<50x128xf32, #tpu.memory_space<vmem>>, vector<1x16xf32>,
      %get3A_360 = vector.shape_cast %get3A_359 : vector<1x16xf32> to vector<16xf32>
      %mul3A_361 = arith.constant 11.3137083 : f32
      %mul3A_362 = vector.broadcast %mul3A_361 : f32 to vector<16xf32>
      %mul3A_363 = arith.mulf %get3A_360, %mul3A_362 : vector<16xf32>
      %swap3A_364 = arith.index_cast %scan3A_310 : i32 to index
      %swap3A_365 = arith.constant 64 : index
      %swap3A_366 = tpu.vector_load %arg11[%swap3A_364, %swap3A_365] {strides = array<i32>} : memref<50x128xf32, #tpu.memory_space<vmem>>, vector<1x16xf32>,
      %swap3A_367 = vector.shape_cast %swap3A_366 : vector<1x16xf32> to vector<16xf32>
      %swap3A_368 = vector.shape_cast %mul3A_363 : vector<16xf32> to vector<1x16xf32>
      tpu.vector_store %arg11[%swap3A_364, %swap3A_365], %swap3A_368 {strides = array<i32>} : memref<50x128xf32, #tpu.memory_space<vmem>>, vector<1x16xf32>,
      %get3A_369 = arith.index_cast %scan3A_310 : i32 to index
      %get3A_370 = arith.constant 80 : index
      %get3A_371 = tpu.vector_load %arg7[%get3A_369, %get3A_370] {strides = array<i32>} : memref<50x128xf32, #tpu.memory_space<vmem>>, vector<1x16xf32>,
      %get3A_372 = vector.shape_cast %get3A_371 : vector<1x16xf32> to vector<16xf32>
      %mul3A_373 = arith.constant 11.3137083 : f32
      %mul3A_374 = vector.broadcast %mul3A_373 : f32 to vector<16xf32>
      %mul3A_375 = arith.mulf %get3A_372, %mul3A_374 : vector<16xf32>
      %swap3A_376 = arith.index_cast %scan3A_310 : i32 to index
      %swap3A_377 = arith.constant 80 : index
      %swap3A_378 = tpu.vector_load %arg11[%swap3A_376, %swap3A_377] {strides = array<i32>} : memref<50x128xf32, #tpu.memory_space<vmem>>, vector<1x16xf32>,
      %swap3A_379 = vector.shape_cast %swap3A_378 : vector<1x16xf32> to vector<16xf32>
      %swap3A_380 = vector.shape_cast %mul3A_375 : vector<16xf32> to vector<1x16xf32>
      tpu.vector_store %arg11[%swap3A_376, %swap3A_377], %swap3A_380 {strides = array<i32>} : memref<50x128xf32, #tpu.memory_space<vmem>>, vector<1x16xf32>,
      %get3A_381 = arith.index_cast %scan3A_310 : i32 to index
      %get3A_382 = arith.constant 96 : index
      %get3A_383 = tpu.vector_load %arg7[%get3A_381, %get3A_382] {strides = array<i32>} : memref<50x128xf32, #tpu.memory_space<vmem>>, vector<1x16xf32>,
      %get3A_384 = vector.shape_cast %get3A_383 : vector<1x16xf32> to vector<16xf32>
      %mul3A_385 = arith.constant 11.3137083 : f32
      %mul3A_386 = vector.broadcast %mul3A_385 : f32 to vector<16xf32>
      %mul3A_387 = arith.mulf %get3A_384, %mul3A_386 : vector<16xf32>
      %swap3A_388 = arith.index_cast %scan3A_310 : i32 to index
      %swap3A_389 = arith.constant 96 : index
      %swap3A_390 = tpu.vector_load %arg11[%swap3A_388, %swap3A_389] {strides = array<i32>} : memref<50x128xf32, #tpu.memory_space<vmem>>, vector<1x16xf32>,
      %swap3A_391 = vector.shape_cast %swap3A_390 : vector<1x16xf32> to vector<16xf32>
      %swap3A_392 = vector.shape_cast %mul3A_387 : vector<16xf32> to vector<1x16xf32>
      tpu.vector_store %arg11[%swap3A_388, %swap3A_389], %swap3A_392 {strides = array<i32>} : memref<50x128xf32, #tpu.memory_space<vmem>>, vector<1x16xf32>,
      %get3A_393 = arith.index_cast %scan3A_310 : i32 to index
      %get3A_394 = arith.constant 112 : index
      %get3A_395 = tpu.vector_load %arg7[%get3A_393, %get3A_394] {strides = array<i32>} : memref<50x128xf32, #tpu.memory_space<vmem>>, vector<1x16xf32>,
      %get3A_396 = vector.shape_cast %get3A_395 : vector<1x16xf32> to vector<16xf32>
      %mul3A_397 = arith.constant 11.3137083 : f32
      %mul3A_398 = vector.broadcast %mul3A_397 : f32 to vector<16xf32>
      %mul3A_399 = arith.mulf %get3A_396, %mul3A_398 : vector<16xf32>
      %swap3A_400 = arith.index_cast %scan3A_310 : i32 to index
      %swap3A_401 = arith.constant 112 : index
      %swap3A_402 = tpu.vector_load %arg11[%swap3A_400, %swap3A_401] {strides = array<i32>} : memref<50x128xf32, #tpu.memory_space<vmem>>, vector<1x16xf32>,
      %swap3A_403 = vector.shape_cast %swap3A_402 : vector<1x16xf32> to vector<16xf32>
      %swap3A_404 = vector.shape_cast %mul3A_399 : vector<16xf32> to vector<1x16xf32>
      tpu.vector_store %arg11[%swap3A_400, %swap3A_401], %swap3A_404 {strides = array<i32>} : memref<50x128xf32, #tpu.memory_space<vmem>>, vector<1x16xf32>,
    }
    %scan3A_205 = arith.constant 50 : i32
    %add3A_206 = arith.constant 125 : i32
    %add3A_207 = arith.addi %mul3A_2, %add3A_206 : i32
    %dma_start3A_208 = arith.constant 0 : i32
    %dma_start3A_209 = arith.constant 0 : i32
    %dma_start3A_210 = tpu.memref_slice %arg4[%add3A_207, %dma_start3A_208, %dma_start3A_209] : memref<4096x50x128xf32, #tpu.memory_space<hbm>> -> memref<1x50x128xf32, #tpu.memory_space<hbm>>
    %dma_start3A_211 = tpu.memref_squeeze %dma_start3A_210 : memref<1x50x128xf32, #tpu.memory_space<hbm>> -> memref<50x128xf32, #tpu.memory_space<hbm>>
    %dma_start3A_212 = arith.constant 0 : i32
    %dma_start3A_213 = arith.constant 0 : i32
    %dma_start3A_214 = tpu.memref_slice %arg4[%add3A_207, %dma_start3A_212, %dma_start3A_213] : memref<4096x50x128xf32, #tpu.memory_space<hbm>> -> memref<1x50x128xf32, #tpu.memory_space<hbm>>
    %dma_start3A_215 = tpu.memref_squeeze %dma_start3A_214 : memref<1x50x128xf32, #tpu.memory_space<hbm>> -> memref<50x128xf32, #tpu.memory_space<hbm>>
    tpu.enqueue_dma source(%arg11 : memref<50x128xf32, #tpu.memory_space<vmem>>) target(%dma_start3A_215 : memref<50x128xf32, #tpu.memory_space<hbm>>) target_semaphore(%arg19 : memref<!tpu.dma_semaphore, #tpu.memory_space<semaphore_mem>>)
    %dma_wait3A_216 = arith.constant 0 : i32
    %dma_wait3A_217 = arith.constant 0 : i32
    %dma_wait3A_218 = tpu.memref_slice %arg5[%dma_wait3A_216, %dma_wait3A_217] : memref<128x50xi32, #tpu.memory_space<vmem>> -> memref<1x50xi32, #tpu.memory_space<vmem>>
    %dma_wait3A_219 = tpu.memref_squeeze %dma_wait3A_218 : memref<1x50xi32, #tpu.memory_space<vmem>> -> memref<50xi32, #tpu.memory_space<vmem>>
    %dma_wait3A_220 = arith.constant 0 : i32
    %dma_wait3A_221 = arith.constant 0 : i32
    %dma_wait3A_222 = tpu.memref_slice %arg2[%dma_wait3A_220, %dma_wait3A_221] : memref<100000x128xf32, #tpu.memory_space<hbm>> -> memref<100000x128xf32, #tpu.memory_space<hbm>>
    tpu.wait_indirect_dma semaphore(%arg16 : memref<!tpu.dma_semaphore, #tpu.memory_space<semaphore_mem>>) src(%dma_wait3A_222 : memref<100000x128xf32, #tpu.memory_space<hbm>>) dst(%arg8 : memref<50x128xf32, #tpu.memory_space<vmem>>)
    %dma_wait3A_223 = arith.constant 0 : i32
    %dma_wait3A_224 = arith.constant 0 : i32
    %dma_wait3A_225 = tpu.memref_slice %arg4[%mul3A_2, %dma_wait3A_223, %dma_wait3A_224] : memref<4096x50x128xf32, #tpu.memory_space<hbm>> -> memref<1x50x128xf32, #tpu.memory_space<hbm>>
    %dma_wait3A_226 = tpu.memref_squeeze %dma_wait3A_225 : memref<1x50x128xf32, #tpu.memory_space<hbm>> -> memref<50x128xf32, #tpu.memory_space<hbm>>
    %dma_wait3A_227 = arith.constant 0 : i32
    %dma_wait3A_228 = arith.constant 0 : i32
    %dma_wait3A_229 = tpu.memref_slice %arg4[%mul3A_2, %dma_wait3A_227, %dma_wait3A_228] : memref<4096x50x128xf32, #tpu.memory_space<hbm>> -> memref<1x50x128xf32, #tpu.memory_space<hbm>>
    %dma_wait3A_230 = tpu.memref_squeeze %dma_wait3A_229 : memref<1x50x128xf32, #tpu.memory_space<hbm>> -> memref<50x128xf32, #tpu.memory_space<hbm>>
    tpu.wait_dma2 semaphore(%arg20 : memref<!tpu.dma_semaphore, #tpu.memory_space<semaphore_mem>>) src(%arg12 : memref<50x128xf32, #tpu.memory_space<vmem>>) dst(%dma_wait3A_230 : memref<50x128xf32, #tpu.memory_space<hbm>>)
    %scan3A_231 = arith.constant 0 : i32
    %scan3A_232 = arith.constant 0 : i32
    %scan3A_233 = arith.constant 50 : i32
    %scan3A_234 = arith.addi %scan3A_232, %scan3A_233 : i32
    %scan3A_235 = arith.constant 1 : i32
    scf.for %scan3A_310 = %scan3A_232 to %scan3A_234 step %scan3A_235  : i32 {
      %get3A = arith.index_cast %scan3A_310 : i32 to index
      %get3A_311 = arith.constant 0 : index
      %get3A_312 = tpu.vector_load %arg8[%get3A, %get3A_311] {strides = array<i32>} : memref<50x128xf32, #tpu.memory_space<vmem>>, vector<1x16xf32>,
      %get3A_313 = vector.shape_cast %get3A_312 : vector<1x16xf32> to vector<16xf32>
      %mul3A_314 = arith.constant 11.3137083 : f32
      %mul3A_315 = vector.broadcast %mul3A_314 : f32 to vector<16xf32>
      %mul3A_316 = arith.mulf %get3A_313, %mul3A_315 : vector<16xf32>
      %swap3A = arith.index_cast %scan3A_310 : i32 to index
      %swap3A_317 = arith.constant 0 : index
      %swap3A_318 = tpu.vector_load %arg12[%swap3A, %swap3A_317] {strides = array<i32>} : memref<50x128xf32, #tpu.memory_space<vmem>>, vector<1x16xf32>,
      %swap3A_319 = vector.shape_cast %swap3A_318 : vector<1x16xf32> to vector<16xf32>
      %swap3A_320 = vector.shape_cast %mul3A_316 : vector<16xf32> to vector<1x16xf32>
      tpu.vector_store %arg12[%swap3A, %swap3A_317], %swap3A_320 {strides = array<i32>} : memref<50x128xf32, #tpu.memory_space<vmem>>, vector<1x16xf32>,
      %get3A_321 = arith.index_cast %scan3A_310 : i32 to index
      %get3A_322 = arith.constant 16 : index
      %get3A_323 = tpu.vector_load %arg8[%get3A_321, %get3A_322] {strides = array<i32>} : memref<50x128xf32, #tpu.memory_space<vmem>>, vector<1x16xf32>,
      %get3A_324 = vector.shape_cast %get3A_323 : vector<1x16xf32> to vector<16xf32>
      %mul3A_325 = arith.constant 11.3137083 : f32
      %mul3A_326 = vector.broadcast %mul3A_325 : f32 to vector<16xf32>
      %mul3A_327 = arith.mulf %get3A_324, %mul3A_326 : vector<16xf32>
      %swap3A_328 = arith.index_cast %scan3A_310 : i32 to index
      %swap3A_329 = arith.constant 16 : index
      %swap3A_330 = tpu.vector_load %arg12[%swap3A_328, %swap3A_329] {strides = array<i32>} : memref<50x128xf32, #tpu.memory_space<vmem>>, vector<1x16xf32>,
      %swap3A_331 = vector.shape_cast %swap3A_330 : vector<1x16xf32> to vector<16xf32>
      %swap3A_332 = vector.shape_cast %mul3A_327 : vector<16xf32> to vector<1x16xf32>
      tpu.vector_store %arg12[%swap3A_328, %swap3A_329], %swap3A_332 {strides = array<i32>} : memref<50x128xf32, #tpu.memory_space<vmem>>, vector<1x16xf32>,
      %get3A_333 = arith.index_cast %scan3A_310 : i32 to index
      %get3A_334 = arith.constant 32 : index
      %get3A_335 = tpu.vector_load %arg8[%get3A_333, %get3A_334] {strides = array<i32>} : memref<50x128xf32, #tpu.memory_space<vmem>>, vector<1x16xf32>,
      %get3A_336 = vector.shape_cast %get3A_335 : vector<1x16xf32> to vector<16xf32>
      %mul3A_337 = arith.constant 11.3137083 : f32
      %mul3A_338 = vector.broadcast %mul3A_337 : f32 to vector<16xf32>
      %mul3A_339 = arith.mulf %get3A_336, %mul3A_338 : vector<16xf32>
      %swap3A_340 = arith.index_cast %scan3A_310 : i32 to index
      %swap3A_341 = arith.constant 32 : index
      %swap3A_342 = tpu.vector_load %arg12[%swap3A_340, %swap3A_341] {strides = array<i32>} : memref<50x128xf32, #tpu.memory_space<vmem>>, vector<1x16xf32>,
      %swap3A_343 = vector.shape_cast %swap3A_342 : vector<1x16xf32> to vector<16xf32>
      %swap3A_344 = vector.shape_cast %mul3A_339 : vector<16xf32> to vector<1x16xf32>
      tpu.vector_store %arg12[%swap3A_340, %swap3A_341], %swap3A_344 {strides = array<i32>} : memref<50x128xf32, #tpu.memory_space<vmem>>, vector<1x16xf32>,
      %get3A_345 = arith.index_cast %scan3A_310 : i32 to index
      %get3A_346 = arith.constant 48 : index
      %get3A_347 = tpu.vector_load %arg8[%get3A_345, %get3A_346] {strides = array<i32>} : memref<50x128xf32, #tpu.memory_space<vmem>>, vector<1x16xf32>,
      %get3A_348 = vector.shape_cast %get3A_347 : vector<1x16xf32> to vector<16xf32>
      %mul3A_349 = arith.constant 11.3137083 : f32
      %mul3A_350 = vector.broadcast %mul3A_349 : f32 to vector<16xf32>
      %mul3A_351 = arith.mulf %get3A_348, %mul3A_350 : vector<16xf32>
      %swap3A_352 = arith.index_cast %scan3A_310 : i32 to index
      %swap3A_353 = arith.constant 48 : index
      %swap3A_354 = tpu.vector_load %arg12[%swap3A_352, %swap3A_353] {strides = array<i32>} : memref<50x128xf32, #tpu.memory_space<vmem>>, vector<1x16xf32>,
      %swap3A_355 = vector.shape_cast %swap3A_354 : vector<1x16xf32> to vector<16xf32>
      %swap3A_356 = vector.shape_cast %mul3A_351 : vector<16xf32> to vector<1x16xf32>
      tpu.vector_store %arg12[%swap3A_352, %swap3A_353], %swap3A_356 {strides = array<i32>} : memref<50x128xf32, #tpu.memory_space<vmem>>, vector<1x16xf32>,
      %get3A_357 = arith.index_cast %scan3A_310 : i32 to index
      %get3A_358 = arith.constant 64 : index
      %get3A_359 = tpu.vector_load %arg8[%get3A_357, %get3A_358] {strides = array<i32>} : memref<50x128xf32, #tpu.memory_space<vmem>>, vector<1x16xf32>,
      %get3A_360 = vector.shape_cast %get3A_359 : vector<1x16xf32> to vector<16xf32>
      %mul3A_361 = arith.constant 11.3137083 : f32
      %mul3A_362 = vector.broadcast %mul3A_361 : f32 to vector<16xf32>
      %mul3A_363 = arith.mulf %get3A_360, %mul3A_362 : vector<16xf32>
      %swap3A_364 = arith.index_cast %scan3A_310 : i32 to index
      %swap3A_365 = arith.constant 64 : index
      %swap3A_366 = tpu.vector_load %arg12[%swap3A_364, %swap3A_365] {strides = array<i32>} : memref<50x128xf32, #tpu.memory_space<vmem>>, vector<1x16xf32>,
      %swap3A_367 = vector.shape_cast %swap3A_366 : vector<1x16xf32> to vector<16xf32>
      %swap3A_368 = vector.shape_cast %mul3A_363 : vector<16xf32> to vector<1x16xf32>
      tpu.vector_store %arg12[%swap3A_364, %swap3A_365], %swap3A_368 {strides = array<i32>} : memref<50x128xf32, #tpu.memory_space<vmem>>, vector<1x16xf32>,
      %get3A_369 = arith.index_cast %scan3A_310 : i32 to index
      %get3A_370 = arith.constant 80 : index
      %get3A_371 = tpu.vector_load %arg8[%get3A_369, %get3A_370] {strides = array<i32>} : memref<50x128xf32, #tpu.memory_space<vmem>>, vector<1x16xf32>,
      %get3A_372 = vector.shape_cast %get3A_371 : vector<1x16xf32> to vector<16xf32>
      %mul3A_373 = arith.constant 11.3137083 : f32
      %mul3A_374 = vector.broadcast %mul3A_373 : f32 to vector<16xf32>
      %mul3A_375 = arith.mulf %get3A_372, %mul3A_374 : vector<16xf32>
      %swap3A_376 = arith.index_cast %scan3A_310 : i32 to index
      %swap3A_377 = arith.constant 80 : index
      %swap3A_378 = tpu.vector_load %arg12[%swap3A_376, %swap3A_377] {strides = array<i32>} : memref<50x128xf32, #tpu.memory_space<vmem>>, vector<1x16xf32>,
      %swap3A_379 = vector.shape_cast %swap3A_378 : vector<1x16xf32> to vector<16xf32>
      %swap3A_380 = vector.shape_cast %mul3A_375 : vector<16xf32> to vector<1x16xf32>
      tpu.vector_store %arg12[%swap3A_376, %swap3A_377], %swap3A_380 {strides = array<i32>} : memref<50x128xf32, #tpu.memory_space<vmem>>, vector<1x16xf32>,
      %get3A_381 = arith.index_cast %scan3A_310 : i32 to index
      %get3A_382 = arith.constant 96 : index
      %get3A_383 = tpu.vector_load %arg8[%get3A_381, %get3A_382] {strides = array<i32>} : memref<50x128xf32, #tpu.memory_space<vmem>>, vector<1x16xf32>,
      %get3A_384 = vector.shape_cast %get3A_383 : vector<1x16xf32> to vector<16xf32>
      %mul3A_385 = arith.constant 11.3137083 : f32
      %mul3A_386 = vector.broadcast %mul3A_385 : f32 to vector<16xf32>
      %mul3A_387 = arith.mulf %get3A_384, %mul3A_386 : vector<16xf32>
      %swap3A_388 = arith.index_cast %scan3A_310 : i32 to index
      %swap3A_389 = arith.constant 96 : index
      %swap3A_390 = tpu.vector_load %arg12[%swap3A_388, %swap3A_389] {strides = array<i32>} : memref<50x128xf32, #tpu.memory_space<vmem>>, vector<1x16xf32>,
      %swap3A_391 = vector.shape_cast %swap3A_390 : vector<1x16xf32> to vector<16xf32>
      %swap3A_392 = vector.shape_cast %mul3A_387 : vector<16xf32> to vector<1x16xf32>
      tpu.vector_store %arg12[%swap3A_388, %swap3A_389], %swap3A_392 {strides = array<i32>} : memref<50x128xf32, #tpu.memory_space<vmem>>, vector<1x16xf32>,
      %get3A_393 = arith.index_cast %scan3A_310 : i32 to index
      %get3A_394 = arith.constant 112 : index
      %get3A_395 = tpu.vector_load %arg8[%get3A_393, %get3A_394] {strides = array<i32>} : memref<50x128xf32, #tpu.memory_space<vmem>>, vector<1x16xf32>,
      %get3A_396 = vector.shape_cast %get3A_395 : vector<1x16xf32> to vector<16xf32>
      %mul3A_397 = arith.constant 11.3137083 : f32
      %mul3A_398 = vector.broadcast %mul3A_397 : f32 to vector<16xf32>
      %mul3A_399 = arith.mulf %get3A_396, %mul3A_398 : vector<16xf32>
      %swap3A_400 = arith.index_cast %scan3A_310 : i32 to index
      %swap3A_401 = arith.constant 112 : index
      %swap3A_402 = tpu.vector_load %arg12[%swap3A_400, %swap3A_401] {strides = array<i32>} : memref<50x128xf32, #tpu.memory_space<vmem>>, vector<1x16xf32>,
      %swap3A_403 = vector.shape_cast %swap3A_402 : vector<1x16xf32> to vector<16xf32>
      %swap3A_404 = vector.shape_cast %mul3A_399 : vector<16xf32> to vector<1x16xf32>
      tpu.vector_store %arg12[%swap3A_400, %swap3A_401], %swap3A_404 {strides = array<i32>} : memref<50x128xf32, #tpu.memory_space<vmem>>, vector<1x16xf32>,
    }
    %scan3A_236 = arith.constant 50 : i32
    %add3A_237 = arith.constant 126 : i32
    %add3A_238 = arith.addi %mul3A_2, %add3A_237 : i32
    %dma_start3A_239 = arith.constant 0 : i32
    %dma_start3A_240 = arith.constant 0 : i32
    %dma_start3A_241 = tpu.memref_slice %arg4[%add3A_238, %dma_start3A_239, %dma_start3A_240] : memref<4096x50x128xf32, #tpu.memory_space<hbm>> -> memref<1x50x128xf32, #tpu.memory_space<hbm>>
    %dma_start3A_242 = tpu.memref_squeeze %dma_start3A_241 : memref<1x50x128xf32, #tpu.memory_space<hbm>> -> memref<50x128xf32, #tpu.memory_space<hbm>>
    %dma_start3A_243 = arith.constant 0 : i32
    %dma_start3A_244 = arith.constant 0 : i32
    %dma_start3A_245 = tpu.memref_slice %arg4[%add3A_238, %dma_start3A_243, %dma_start3A_244] : memref<4096x50x128xf32, #tpu.memory_space<hbm>> -> memref<1x50x128xf32, #tpu.memory_space<hbm>>
    %dma_start3A_246 = tpu.memref_squeeze %dma_start3A_245 : memref<1x50x128xf32, #tpu.memory_space<hbm>> -> memref<50x128xf32, #tpu.memory_space<hbm>>
    tpu.enqueue_dma source(%arg12 : memref<50x128xf32, #tpu.memory_space<vmem>>) target(%dma_start3A_246 : memref<50x128xf32, #tpu.memory_space<hbm>>) target_semaphore(%arg20 : memref<!tpu.dma_semaphore, #tpu.memory_space<semaphore_mem>>)
    %dma_wait3A_247 = arith.constant 0 : i32
    %dma_wait3A_248 = arith.constant 0 : i32
    %dma_wait3A_249 = tpu.memref_slice %arg5[%dma_wait3A_247, %dma_wait3A_248] : memref<128x50xi32, #tpu.memory_space<vmem>> -> memref<1x50xi32, #tpu.memory_space<vmem>>
    %dma_wait3A_250 = tpu.memref_squeeze %dma_wait3A_249 : memref<1x50xi32, #tpu.memory_space<vmem>> -> memref<50xi32, #tpu.memory_space<vmem>>
    %dma_wait3A_251 = arith.constant 0 : i32
    %dma_wait3A_252 = arith.constant 0 : i32
    %dma_wait3A_253 = tpu.memref_slice %arg2[%dma_wait3A_251, %dma_wait3A_252] : memref<100000x128xf32, #tpu.memory_space<hbm>> -> memref<100000x128xf32, #tpu.memory_space<hbm>>
    tpu.wait_indirect_dma semaphore(%arg17 : memref<!tpu.dma_semaphore, #tpu.memory_space<semaphore_mem>>) src(%dma_wait3A_253 : memref<100000x128xf32, #tpu.memory_space<hbm>>) dst(%arg9 : memref<50x128xf32, #tpu.memory_space<vmem>>)
    %dma_wait3A_254 = arith.constant 0 : i32
    %dma_wait3A_255 = arith.constant 0 : i32
    %dma_wait3A_256 = tpu.memref_slice %arg4[%mul3A_2, %dma_wait3A_254, %dma_wait3A_255] : memref<4096x50x128xf32, #tpu.memory_space<hbm>> -> memref<1x50x128xf32, #tpu.memory_space<hbm>>
    %dma_wait3A_257 = tpu.memref_squeeze %dma_wait3A_256 : memref<1x50x128xf32, #tpu.memory_space<hbm>> -> memref<50x128xf32, #tpu.memory_space<hbm>>
    %dma_wait3A_258 = arith.constant 0 : i32
    %dma_wait3A_259 = arith.constant 0 : i32
    %dma_wait3A_260 = tpu.memref_slice %arg4[%mul3A_2, %dma_wait3A_258, %dma_wait3A_259] : memref<4096x50x128xf32, #tpu.memory_space<hbm>> -> memref<1x50x128xf32, #tpu.memory_space<hbm>>
    %dma_wait3A_261 = tpu.memref_squeeze %dma_wait3A_260 : memref<1x50x128xf32, #tpu.memory_space<hbm>> -> memref<50x128xf32, #tpu.memory_space<hbm>>
    tpu.wait_dma2 semaphore(%arg21 : memref<!tpu.dma_semaphore, #tpu.memory_space<semaphore_mem>>) src(%arg13 : memref<50x128xf32, #tpu.memory_space<vmem>>) dst(%dma_wait3A_261 : memref<50x128xf32, #tpu.memory_space<hbm>>)
    %scan3A_262 = arith.constant 0 : i32
    %scan3A_263 = arith.constant 0 : i32
    %scan3A_264 = arith.constant 50 : i32
    %scan3A_265 = arith.addi %scan3A_263, %scan3A_264 : i32
    %scan3A_266 = arith.constant 1 : i32
    scf.for %scan3A_310 = %scan3A_263 to %scan3A_265 step %scan3A_266  : i32 {
      %get3A = arith.index_cast %scan3A_310 : i32 to index
      %get3A_311 = arith.constant 0 : index
      %get3A_312 = tpu.vector_load %arg9[%get3A, %get3A_311] {strides = array<i32>} : memref<50x128xf32, #tpu.memory_space<vmem>>, vector<1x16xf32>,
      %get3A_313 = vector.shape_cast %get3A_312 : vector<1x16xf32> to vector<16xf32>
      %mul3A_314 = arith.constant 11.3137083 : f32
      %mul3A_315 = vector.broadcast %mul3A_314 : f32 to vector<16xf32>
      %mul3A_316 = arith.mulf %get3A_313, %mul3A_315 : vector<16xf32>
      %swap3A = arith.index_cast %scan3A_310 : i32 to index
      %swap3A_317 = arith.constant 0 : index
      %swap3A_318 = tpu.vector_load %arg13[%swap3A, %swap3A_317] {strides = array<i32>} : memref<50x128xf32, #tpu.memory_space<vmem>>, vector<1x16xf32>,
      %swap3A_319 = vector.shape_cast %swap3A_318 : vector<1x16xf32> to vector<16xf32>
      %swap3A_320 = vector.shape_cast %mul3A_316 : vector<16xf32> to vector<1x16xf32>
      tpu.vector_store %arg13[%swap3A, %swap3A_317], %swap3A_320 {strides = array<i32>} : memref<50x128xf32, #tpu.memory_space<vmem>>, vector<1x16xf32>,
      %get3A_321 = arith.index_cast %scan3A_310 : i32 to index
      %get3A_322 = arith.constant 16 : index
      %get3A_323 = tpu.vector_load %arg9[%get3A_321, %get3A_322] {strides = array<i32>} : memref<50x128xf32, #tpu.memory_space<vmem>>, vector<1x16xf32>,
      %get3A_324 = vector.shape_cast %get3A_323 : vector<1x16xf32> to vector<16xf32>
      %mul3A_325 = arith.constant 11.3137083 : f32
      %mul3A_326 = vector.broadcast %mul3A_325 : f32 to vector<16xf32>
      %mul3A_327 = arith.mulf %get3A_324, %mul3A_326 : vector<16xf32>
      %swap3A_328 = arith.index_cast %scan3A_310 : i32 to index
      %swap3A_329 = arith.constant 16 : index
      %swap3A_330 = tpu.vector_load %arg13[%swap3A_328, %swap3A_329] {strides = array<i32>} : memref<50x128xf32, #tpu.memory_space<vmem>>, vector<1x16xf32>,
      %swap3A_331 = vector.shape_cast %swap3A_330 : vector<1x16xf32> to vector<16xf32>
      %swap3A_332 = vector.shape_cast %mul3A_327 : vector<16xf32> to vector<1x16xf32>
      tpu.vector_store %arg13[%swap3A_328, %swap3A_329], %swap3A_332 {strides = array<i32>} : memref<50x128xf32, #tpu.memory_space<vmem>>, vector<1x16xf32>,
      %get3A_333 = arith.index_cast %scan3A_310 : i32 to index
      %get3A_334 = arith.constant 32 : index
      %get3A_335 = tpu.vector_load %arg9[%get3A_333, %get3A_334] {strides = array<i32>} : memref<50x128xf32, #tpu.memory_space<vmem>>, vector<1x16xf32>,
      %get3A_336 = vector.shape_cast %get3A_335 : vector<1x16xf32> to vector<16xf32>
      %mul3A_337 = arith.constant 11.3137083 : f32
      %mul3A_338 = vector.broadcast %mul3A_337 : f32 to vector<16xf32>
      %mul3A_339 = arith.mulf %get3A_336, %mul3A_338 : vector<16xf32>
      %swap3A_340 = arith.index_cast %scan3A_310 : i32 to index
      %swap3A_341 = arith.constant 32 : index
      %swap3A_342 = tpu.vector_load %arg13[%swap3A_340, %swap3A_341] {strides = array<i32>} : memref<50x128xf32, #tpu.memory_space<vmem>>, vector<1x16xf32>,
      %swap3A_343 = vector.shape_cast %swap3A_342 : vector<1x16xf32> to vector<16xf32>
      %swap3A_344 = vector.shape_cast %mul3A_339 : vector<16xf32> to vector<1x16xf32>
      tpu.vector_store %arg13[%swap3A_340, %swap3A_341], %swap3A_344 {strides = array<i32>} : memref<50x128xf32, #tpu.memory_space<vmem>>, vector<1x16xf32>,
      %get3A_345 = arith.index_cast %scan3A_310 : i32 to index
      %get3A_346 = arith.constant 48 : index
      %get3A_347 = tpu.vector_load %arg9[%get3A_345, %get3A_346] {strides = array<i32>} : memref<50x128xf32, #tpu.memory_space<vmem>>, vector<1x16xf32>,
      %get3A_348 = vector.shape_cast %get3A_347 : vector<1x16xf32> to vector<16xf32>
      %mul3A_349 = arith.constant 11.3137083 : f32
      %mul3A_350 = vector.broadcast %mul3A_349 : f32 to vector<16xf32>
      %mul3A_351 = arith.mulf %get3A_348, %mul3A_350 : vector<16xf32>
      %swap3A_352 = arith.index_cast %scan3A_310 : i32 to index
      %swap3A_353 = arith.constant 48 : index
      %swap3A_354 = tpu.vector_load %arg13[%swap3A_352, %swap3A_353] {strides = array<i32>} : memref<50x128xf32, #tpu.memory_space<vmem>>, vector<1x16xf32>,
      %swap3A_355 = vector.shape_cast %swap3A_354 : vector<1x16xf32> to vector<16xf32>
      %swap3A_356 = vector.shape_cast %mul3A_351 : vector<16xf32> to vector<1x16xf32>
      tpu.vector_store %arg13[%swap3A_352, %swap3A_353], %swap3A_356 {strides = array<i32>} : memref<50x128xf32, #tpu.memory_space<vmem>>, vector<1x16xf32>,
      %get3A_357 = arith.index_cast %scan3A_310 : i32 to index
      %get3A_358 = arith.constant 64 : index
      %get3A_359 = tpu.vector_load %arg9[%get3A_357, %get3A_358] {strides = array<i32>} : memref<50x128xf32, #tpu.memory_space<vmem>>, vector<1x16xf32>,
      %get3A_360 = vector.shape_cast %get3A_359 : vector<1x16xf32> to vector<16xf32>
      %mul3A_361 = arith.constant 11.3137083 : f32
      %mul3A_362 = vector.broadcast %mul3A_361 : f32 to vector<16xf32>
      %mul3A_363 = arith.mulf %get3A_360, %mul3A_362 : vector<16xf32>
      %swap3A_364 = arith.index_cast %scan3A_310 : i32 to index
      %swap3A_365 = arith.constant 64 : index
      %swap3A_366 = tpu.vector_load %arg13[%swap3A_364, %swap3A_365] {strides = array<i32>} : memref<50x128xf32, #tpu.memory_space<vmem>>, vector<1x16xf32>,
      %swap3A_367 = vector.shape_cast %swap3A_366 : vector<1x16xf32> to vector<16xf32>
      %swap3A_368 = vector.shape_cast %mul3A_363 : vector<16xf32> to vector<1x16xf32>
      tpu.vector_store %arg13[%swap3A_364, %swap3A_365], %swap3A_368 {strides = array<i32>} : memref<50x128xf32, #tpu.memory_space<vmem>>, vector<1x16xf32>,
      %get3A_369 = arith.index_cast %scan3A_310 : i32 to index
      %get3A_370 = arith.constant 80 : index
      %get3A_371 = tpu.vector_load %arg9[%get3A_369, %get3A_370] {strides = array<i32>} : memref<50x128xf32, #tpu.memory_space<vmem>>, vector<1x16xf32>,
      %get3A_372 = vector.shape_cast %get3A_371 : vector<1x16xf32> to vector<16xf32>
      %mul3A_373 = arith.constant 11.3137083 : f32
      %mul3A_374 = vector.broadcast %mul3A_373 : f32 to vector<16xf32>
      %mul3A_375 = arith.mulf %get3A_372, %mul3A_374 : vector<16xf32>
      %swap3A_376 = arith.index_cast %scan3A_310 : i32 to index
      %swap3A_377 = arith.constant 80 : index
      %swap3A_378 = tpu.vector_load %arg13[%swap3A_376, %swap3A_377] {strides = array<i32>} : memref<50x128xf32, #tpu.memory_space<vmem>>, vector<1x16xf32>,
      %swap3A_379 = vector.shape_cast %swap3A_378 : vector<1x16xf32> to vector<16xf32>
      %swap3A_380 = vector.shape_cast %mul3A_375 : vector<16xf32> to vector<1x16xf32>
      tpu.vector_store %arg13[%swap3A_376, %swap3A_377], %swap3A_380 {strides = array<i32>} : memref<50x128xf32, #tpu.memory_space<vmem>>, vector<1x16xf32>,
      %get3A_381 = arith.index_cast %scan3A_310 : i32 to index
      %get3A_382 = arith.constant 96 : index
      %get3A_383 = tpu.vector_load %arg9[%get3A_381, %get3A_382] {strides = array<i32>} : memref<50x128xf32, #tpu.memory_space<vmem>>, vector<1x16xf32>,
      %get3A_384 = vector.shape_cast %get3A_383 : vector<1x16xf32> to vector<16xf32>
      %mul3A_385 = arith.constant 11.3137083 : f32
      %mul3A_386 = vector.broadcast %mul3A_385 : f32 to vector<16xf32>
      %mul3A_387 = arith.mulf %get3A_384, %mul3A_386 : vector<16xf32>
      %swap3A_388 = arith.index_cast %scan3A_310 : i32 to index
      %swap3A_389 = arith.constant 96 : index
      %swap3A_390 = tpu.vector_load %arg13[%swap3A_388, %swap3A_389] {strides = array<i32>} : memref<50x128xf32, #tpu.memory_space<vmem>>, vector<1x16xf32>,
      %swap3A_391 = vector.shape_cast %swap3A_390 : vector<1x16xf32> to vector<16xf32>
      %swap3A_392 = vector.shape_cast %mul3A_387 : vector<16xf32> to vector<1x16xf32>
      tpu.vector_store %arg13[%swap3A_388, %swap3A_389], %swap3A_392 {strides = array<i32>} : memref<50x128xf32, #tpu.memory_space<vmem>>, vector<1x16xf32>,
      %get3A_393 = arith.index_cast %scan3A_310 : i32 to index
      %get3A_394 = arith.constant 112 : index
      %get3A_395 = tpu.vector_load %arg9[%get3A_393, %get3A_394] {strides = array<i32>} : memref<50x128xf32, #tpu.memory_space<vmem>>, vector<1x16xf32>,
      %get3A_396 = vector.shape_cast %get3A_395 : vector<1x16xf32> to vector<16xf32>
      %mul3A_397 = arith.constant 11.3137083 : f32
      %mul3A_398 = vector.broadcast %mul3A_397 : f32 to vector<16xf32>
      %mul3A_399 = arith.mulf %get3A_396, %mul3A_398 : vector<16xf32>
      %swap3A_400 = arith.index_cast %scan3A_310 : i32 to index
      %swap3A_401 = arith.constant 112 : index
      %swap3A_402 = tpu.vector_load %arg13[%swap3A_400, %swap3A_401] {strides = array<i32>} : memref<50x128xf32, #tpu.memory_space<vmem>>, vector<1x16xf32>,
      %swap3A_403 = vector.shape_cast %swap3A_402 : vector<1x16xf32> to vector<16xf32>
      %swap3A_404 = vector.shape_cast %mul3A_399 : vector<16xf32> to vector<1x16xf32>
      tpu.vector_store %arg13[%swap3A_400, %swap3A_401], %swap3A_404 {strides = array<i32>} : memref<50x128xf32, #tpu.memory_space<vmem>>, vector<1x16xf32>,
    }
    %scan3A_267 = arith.constant 50 : i32
    %add3A_268 = arith.constant 127 : i32
    %add3A_269 = arith.addi %mul3A_2, %add3A_268 : i32
    %dma_start3A_270 = arith.constant 0 : i32
    %dma_start3A_271 = arith.constant 0 : i32
    %dma_start3A_272 = tpu.memref_slice %arg4[%add3A_269, %dma_start3A_270, %dma_start3A_271] : memref<4096x50x128xf32, #tpu.memory_space<hbm>> -> memref<1x50x128xf32, #tpu.memory_space<hbm>>
    %dma_start3A_273 = tpu.memref_squeeze %dma_start3A_272 : memref<1x50x128xf32, #tpu.memory_space<hbm>> -> memref<50x128xf32, #tpu.memory_space<hbm>>
    %dma_start3A_274 = arith.constant 0 : i32
    %dma_start3A_275 = arith.constant 0 : i32
    %dma_start3A_276 = tpu.memref_slice %arg4[%add3A_269, %dma_start3A_274, %dma_start3A_275] : memref<4096x50x128xf32, #tpu.memory_space<hbm>> -> memref<1x50x128xf32, #tpu.memory_space<hbm>>
    %dma_start3A_277 = tpu.memref_squeeze %dma_start3A_276 : memref<1x50x128xf32, #tpu.memory_space<hbm>> -> memref<50x128xf32, #tpu.memory_space<hbm>>
    tpu.enqueue_dma source(%arg13 : memref<50x128xf32, #tpu.memory_space<vmem>>) target(%dma_start3A_277 : memref<50x128xf32, #tpu.memory_space<hbm>>) target_semaphore(%arg21 : memref<!tpu.dma_semaphore, #tpu.memory_space<semaphore_mem>>)
    %dma_wait3A_278 = arith.constant 0 : i32
    %dma_wait3A_279 = arith.constant 0 : i32
    %dma_wait3A_280 = tpu.memref_slice %arg4[%mul3A_2, %dma_wait3A_278, %dma_wait3A_279] : memref<4096x50x128xf32, #tpu.memory_space<hbm>> -> memref<1x50x128xf32, #tpu.memory_space<hbm>>
    %dma_wait3A_281 = tpu.memref_squeeze %dma_wait3A_280 : memref<1x50x128xf32, #tpu.memory_space<hbm>> -> memref<50x128xf32, #tpu.memory_space<hbm>>
    %dma_wait3A_282 = arith.constant 0 : i32
    %dma_wait3A_283 = arith.constant 0 : i32
    %dma_wait3A_284 = tpu.memref_slice %arg4[%mul3A_2, %dma_wait3A_282, %dma_wait3A_283] : memref<4096x50x128xf32, #tpu.memory_space<hbm>> -> memref<1x50x128xf32, #tpu.memory_space<hbm>>
    %dma_wait3A_285 = tpu.memref_squeeze %dma_wait3A_284 : memref<1x50x128xf32, #tpu.memory_space<hbm>> -> memref<50x128xf32, #tpu.memory_space<hbm>>
    tpu.wait_dma2 semaphore(%arg18 : memref<!tpu.dma_semaphore, #tpu.memory_space<semaphore_mem>>) src(%arg10 : memref<50x128xf32, #tpu.memory_space<vmem>>) dst(%dma_wait3A_285 : memref<50x128xf32, #tpu.memory_space<hbm>>)
    %dma_wait3A_286 = arith.constant 0 : i32
    %dma_wait3A_287 = arith.constant 0 : i32
    %dma_wait3A_288 = tpu.memref_slice %arg4[%mul3A_2, %dma_wait3A_286, %dma_wait3A_287] : memref<4096x50x128xf32, #tpu.memory_space<hbm>> -> memref<1x50x128xf32, #tpu.memory_space<hbm>>
    %dma_wait3A_289 = tpu.memref_squeeze %dma_wait3A_288 : memref<1x50x128xf32, #tpu.memory_space<hbm>> -> memref<50x128xf32, #tpu.memory_space<hbm>>
    %dma_wait3A_290 = arith.constant 0 : i32
    %dma_wait3A_291 = arith.constant 0 : i32
    %dma_wait3A_292 = tpu.memref_slice %arg4[%mul3A_2, %dma_wait3A_290, %dma_wait3A_291] : memref<4096x50x128xf32, #tpu.memory_space<hbm>> -> memref<1x50x128xf32, #tpu.memory_space<hbm>>
    %dma_wait3A_293 = tpu.memref_squeeze %dma_wait3A_292 : memref<1x50x128xf32, #tpu.memory_space<hbm>> -> memref<50x128xf32, #tpu.memory_space<hbm>>
    tpu.wait_dma2 semaphore(%arg19 : memref<!tpu.dma_semaphore, #tpu.memory_space<semaphore_mem>>) src(%arg11 : memref<50x128xf32, #tpu.memory_space<vmem>>) dst(%dma_wait3A_293 : memref<50x128xf32, #tpu.memory_space<hbm>>)
    %dma_wait3A_294 = arith.constant 0 : i32
    %dma_wait3A_295 = arith.constant 0 : i32
    %dma_wait3A_296 = tpu.memref_slice %arg4[%mul3A_2, %dma_wait3A_294, %dma_wait3A_295] : memref<4096x50x128xf32, #tpu.memory_space<hbm>> -> memref<1x50x128xf32, #tpu.memory_space<hbm>>
    %dma_wait3A_297 = tpu.memref_squeeze %dma_wait3A_296 : memref<1x50x128xf32, #tpu.memory_space<hbm>> -> memref<50x128xf32, #tpu.memory_space<hbm>>
    %dma_wait3A_298 = arith.constant 0 : i32
    %dma_wait3A_299 = arith.constant 0 : i32
    %dma_wait3A_300 = tpu.memref_slice %arg4[%mul3A_2, %dma_wait3A_298, %dma_wait3A_299] : memref<4096x50x128xf32, #tpu.memory_space<hbm>> -> memref<1x50x128xf32, #tpu.memory_space<hbm>>
    %dma_wait3A_301 = tpu.memref_squeeze %dma_wait3A_300 : memref<1x50x128xf32, #tpu.memory_space<hbm>> -> memref<50x128xf32, #tpu.memory_space<hbm>>
    tpu.wait_dma2 semaphore(%arg20 : memref<!tpu.dma_semaphore, #tpu.memory_space<semaphore_mem>>) src(%arg12 : memref<50x128xf32, #tpu.memory_space<vmem>>) dst(%dma_wait3A_301 : memref<50x128xf32, #tpu.memory_space<hbm>>)
    %dma_wait3A_302 = arith.constant 0 : i32
    %dma_wait3A_303 = arith.constant 0 : i32
    %dma_wait3A_304 = tpu.memref_slice %arg4[%mul3A_2, %dma_wait3A_302, %dma_wait3A_303] : memref<4096x50x128xf32, #tpu.memory_space<hbm>> -> memref<1x50x128xf32, #tpu.memory_space<hbm>>
    %dma_wait3A_305 = tpu.memref_squeeze %dma_wait3A_304 : memref<1x50x128xf32, #tpu.memory_space<hbm>> -> memref<50x128xf32, #tpu.memory_space<hbm>>
    %dma_wait3A_306 = arith.constant 0 : i32
    %dma_wait3A_307 = arith.constant 0 : i32
    %dma_wait3A_308 = tpu.memref_slice %arg4[%mul3A_2, %dma_wait3A_306, %dma_wait3A_307] : memref<4096x50x128xf32, #tpu.memory_space<hbm>> -> memref<1x50x128xf32, #tpu.memory_space<hbm>>
    %dma_wait3A_309 = tpu.memref_squeeze %dma_wait3A_308 : memref<1x50x128xf32, #tpu.memory_space<hbm>> -> memref<50x128xf32, #tpu.memory_space<hbm>>
    tpu.wait_dma2 semaphore(%arg21 : memref<!tpu.dma_semaphore, #tpu.memory_space<semaphore_mem>>) src(%arg13 : memref<50x128xf32, #tpu.memory_space<vmem>>) dst(%dma_wait3A_309 : memref<50x128xf32, #tpu.memory_space<hbm>>)
    return
  }
}

</mosaic_0001>

<sc_bundles>
// kernel: kernel.3.cloned.1.call-start
scs
__scs_entry_jumppad:
0x0: {  	(pc) =	sbr.rel $0x88, $3  }
0x1: {  	(tag) =	ssettag $0x0;
	lr =	simm.s32 $0x1  }
0x2: {  	[smem:$0x3F9F] =	sst lr;
	_ =	strace $0xD0000000  }
0x3: {  	_ = 	snop  }
0x4: {  	_ = 	snop  }
0x5: {  	_ = 	snop  }
0x6: {  	_ = 	snop  }
0x7: {  	_ = 	snop  }
__scs_overlays_trampoline_lowered:
0x8: {  	[smem:$0x3FAE] =	sst s0  }
0x9: {  	[smem:$0x3FAF] =	sst s1  }
0xa: {  	[smem:$0x3FB0] =	sst s2  }
0xb: {  	[smem:$0x3FB1] =	sst s3  }
0xc: {  	[smem:$0x3FB2] =	sst s4  }
0xd: {  	[smem:$0x3FB3] =	sst s5  }
0xe: {  	[smem:$0x3FB4] =	sst s6  }
0xf: {  	[smem:$0x3FB5] =	sst s7  }
0x10: {  	[smem:$0x3FB6] =	sst s8  }
0x11: {  	[smem:$0x3FB7] =	sst s9;
	s0 =	simm.s32 @!p0 $0x0  }
0x12: {  	s1 =	sld [smem:$0x3F9D];
	s0 =	simm.s32 @p0 $0x1  }
0x13: {  	[smem:$0x3FB8] =	sst s0;
	s0 =	simm.s32 @!p1 $0x0  }
0x14: {  	s2 =	sld [smem:$0x3F9C];
	s0 =	simm.s32 @p1 $0x1  }
0x15: {  	[smem:$0x3FB9] =	sst s0;
	s0 =	simm.s32 @!p2 $0x0  }
0x16: {  	s3 =	sld [smem:$0x3FDB];
	s0 =	simm.s32 @p2 $0x1  }
0x17: {  	s4 =	simm.s32 $0x1BF5;
	[smem:$0x3FBB] =	sst s0  }
0x18: {  	s0 =	sld [smem:$0x3F9E];
	_ =	swait.ge [sflag:s4], $0x0  }
0x19: {  	s7 =	sld [smem:$0x3F9F]  }
0x1a: {  	s8 =	sadd.s32 $0xFFFFE003, lr  }
0x1b: {  	s9 =	sadd.s32 $0xFFFFFEF7, lr;
	s5 =	simm.s32 $0xFFFFFFFF;
	p2 =	slt.u32 s8, $0xFFFFF086  }
0x1c: {  	p1 =	slt.u32 s9, $0xF7A;
	s5 =	simm.s32 @!p2 $0x0  }
0x1d: {  	s5 =	simm.s32 @p1 $0x1;
	p0 =	seq.s32 s7, s2  }
0x1e: {  	s7 =	smul.u32 @!p0 $0xF7A, s2;
	p2 =	seq.s32 @!p0 s5, $0x0  }
0x1f: {  	s9 =	smul.u32 $0xF7A, s1;
	s8 =	simm.s32 @!p0 $0x1BF5;
	p2 =	por !p2, p0  }
0x20: {  	[sflag:s8] =	ssyncset.s32 @!p0 $0xFFFFF086;
	s6 =	sadd.s32 @!p0 s3, s7;
	s7 =	simm.s32 @!p0 $0x108  }
0x21: {  	s3 =	sadd.s32 s3, s9;
	s6 =	sadd.s32 @!p0 $0x88, s6;
	s7 =	simm.s32 @p2 $0x1082  }
0x22: {  	[simem:s7], [sflag:s8] =	dma.local @!p0 [hbm:s6], $0xF7A  }
0x23: {  	s9 =	sor.u32 $0xD0000000, s2;
	s6 =	simm.s32 $0x108;
	_ =	swait.ge @!p0 [sflag:s8], $0x0  }
0x24: {  	s3 =	sadd.s32 $0x88, s3;
	s6 =	simm.s32 @!p1 $0x1082;
	[sflag:s4] =	ssyncset.s32 $0xFFFFF086  }
0x25: {  	[simem:s6], [sflag:s4] =	dma.local [hbm:s3], $0xF7A  }
0x26: {  	[smem:$0x3F9F] =	sst s1;
	(tag) =	ssettag s2;
	_ =	strace s9  }
0x27: {  	s1 =	sld [smem:$0x3FAF]  }
0x28: {  	s2 =	sld [smem:$0x3FB0]  }
0x29: {  	s4 =	sld [smem:$0x3FB2]  }
0x2a: {  	p0 =	seq.s32 s5, $0x0;
	s5 =	sld [smem:$0x3FB3]  }
0x2b: {  	s6 =	sld [smem:$0x3FB4]  }
0x2c: {  	s7 =	sld [smem:$0x3FB5]  }
0x2d: {  	s3 =	simm.s32 $0x108;
	s8 =	sld [smem:$0x3FB6]  }
0x2e: {  	s3 =	simm.s32 @!p0 $0x1082;
	s9 =	sld [smem:$0x3FB7]  }
0x2f: {  	lr =	sadd.s32 s0, s3;
	s0 =	sld [smem:$0x3FAE]  }
0x30: {  	s3 =	sld [smem:$0x3FB1]  }
0x31: {  	[smem:$0x3FBA] =	sst s10  }
0x32: {  	s10 =	sld [smem:$0x3FB8];
	_ =	sdelay $0x3  }
0x33: {  	p0 =	seq.s32 s10, $0x1;
	s10 =	sld [smem:$0x3FBA];
	_ =	sdelay $0x3  }
0x34: {  	[smem:$0x3FBA] =	sst s10  }
0x35: {  	s10 =	sld [smem:$0x3FB9];
	_ =	sdelay $0x3  }
0x36: {  	p1 =	seq.s32 s10, $0x1;
	s10 =	sld [smem:$0x3FBA];
	_ =	sdelay $0x3  }
0x37: {  	[smem:$0x3FBA] =	sst s10  }
0x38: {  	s10 =	sld [smem:$0x3FBB]  }
0x39: {  	_ = 	snop;
	(pc) =	sbr.ind lr, $3  }
0x3a: {  	_ = 	snop  }
0x3b: {  	_ = 	snop  }
0x3c: {  	p2 =	seq.s32 s10, $0x1;
	s10 =	sld [smem:$0x3FBA]  }
0x3d: {  	_ =	shalt  }
0x3e: {  	_ =	shalt  }
0x3f: {  	_ =	shalt  }
0x40: {  	_ =	shalt  }
0x41: {  	_ =	shalt  }
0x42: {  	_ =	shalt  }
0x43: {  	_ =	shalt  }
0x44: {  	_ =	shalt  }
0x45: {  	_ =	shalt  }
0x46: {  	_ =	shalt  }
0x47: {  	_ =	shalt  }
0x48: {  	_ =	shalt  }
0x49: {  	_ =	shalt  }
0x4a: {  	_ =	shalt  }
0x4b: {  	_ =	shalt  }
0x4c: {  	_ =	shalt  }
0x4d: {  	_ =	shalt  }
0x4e: {  	_ =	shalt  }
0x4f: {  	_ =	shalt  }
0x50: {  	_ =	shalt  }
0x51: {  	_ =	shalt  }
0x52: {  	_ =	shalt  }
0x53: {  	_ =	shalt  }
0x54: {  	_ =	shalt  }
0x55: {  	_ =	shalt  }
0x56: {  	_ =	shalt  }
0x57: {  	_ =	shalt  }
0x58: {  	_ =	shalt  }
0x59: {  	_ =	shalt  }
0x5a: {  	_ =	shalt  }
0x5b: {  	_ =	shalt  }
0x5c: {  	_ =	shalt  }
0x5d: {  	_ =	shalt  }
0x5e: {  	_ =	shalt  }
0x5f: {  	_ =	shalt  }
0x60: {  	_ =	shalt  }
0x61: {  	_ =	shalt  }
0x62: {  	_ =	shalt  }
0x63: {  	_ =	shalt  }
0x64: {  	_ =	shalt  }
0x65: {  	_ =	shalt  }
0x66: {  	_ =	shalt  }
0x67: {  	_ =	shalt  }
0x68: {  	_ =	shalt  }
0x69: {  	_ =	shalt  }
0x6a: {  	_ =	shalt  }
0x6b: {  	_ =	shalt  }
0x6c: {  	_ =	shalt  }
0x6d: {  	_ =	shalt  }
0x6e: {  	_ =	shalt  }
0x6f: {  	_ =	shalt  }
0x70: {  	_ =	shalt  }
0x71: {  	_ =	shalt  }
0x72: {  	_ =	shalt  }
0x73: {  	_ =	shalt  }
0x74: {  	_ =	shalt  }
0x75: {  	_ =	shalt  }
0x76: {  	_ =	shalt  }
0x77: {  	_ =	shalt  }
0x78: {  	_ =	shalt  }
0x79: {  	_ =	shalt  }
0x7a: {  	_ =	shalt  }
0x7b: {  	_ =	shalt  }
0x7c: {  	_ =	shalt  }
0x7d: {  	_ =	shalt  }
0x7e: {  	_ =	shalt  }
0x7f: {  	_ =	shalt  }
0x80: {  	_ =	shalt  }
0x81: {  	_ =	shalt  }
0x82: {  	_ =	shalt  }
0x83: {  	_ =	shalt  }
0x84: {  	_ =	shalt  }
0x85: {  	_ =	shalt  }
0x86: {  	_ =	shalt  }
0x87: {  	_ =	shalt  }
.Lfunc_end0:
.L_simem_size_0:
called_computation_lowered:
.L_overlay_start_0:
0x88: {  	s2 =	sld [smem:$0x3FD9]  }
0x89: {  	s3 =	sld [smem:$0x3FFE];
	_ =	sdelay $0x1  }
0x8a: {  	s1 =	srdreg.scid  }
0x8b: {  	s0 =	sand.u32 $0x1, s1  }
0x8c: {  	s17 =	sshll.u32 s0, $0xA;
	s2 =	sadd.s32 s3, s2  }
0x8d: {  	s2 =	sadd.s32 s2, s17  }
0x8e: {  	[smem:$0x3FC6] =	sst s2  }
0x8f: {  	_ = 	snop  }
0x90: {  	s2 =	sld [smem:$0x3FC8]  }
0x91: {  	s18 =	sld [smem:$0x3FD0];
	(tm) =	ssettm $0x1  }
0x92: {  	s4 =	sld [smem:$0x3FFB];
	_ =	sdelay $0x3  }
0x93: {  	_ =	strace s4  }
0x94: {  	s4 =	sld [smem:$0x3FFC];
	_ =	sdelay $0x3  }
0x95: {  	_ =	strace s4  }
0x96: {  	s4 =	sld [smem:$0x3FFD];
	_ =	sdelay $0x3  }
0x97: {  	_ =	strace s4  }
0x98: {  	_ =	strace $0x8FFFFFFF  }
0x99: {  	s19 =	sld [smem:$0x3FDB];
	_ =	sdelay $0x1  }
0x9a: {  	s5 =	simm.s32 $_scs_section_size  }
0x9b: {  	s6 =	simm.s32 $_size__tile_overlayer_lowered;
	s7 =	simm.s32 $_tile_overlayer_lowered  }
0x9c: {  	s22 =	simm.s32 $0x1BFF;
	s21 =	sshll.u32 s7, $0x1;
	s4 =	sadd.s32 s5, s19  }
0x9d: {  	s8 =	simm.s32 $0x0;
	s20 =	sshll.u32 s6, $0x1;
	s6 =	sadd.s32 s21, s4  }
0x9e: {  	[timem:s8], [sflag:s22] =	dma.local [hbm:s6], s20  }
0x9f: {  	_ =	swait.ge [sflag:s22], s20  }
0xa0: {  	s5 =	ssub.s32 $0x0, s20;
	[sflag:s22] =	ssyncset.done $0x0  }
0xa1: {  	[sflag:s22] =	ssyncadd.s32 s5;
	_ =	sdelay $0x1  }
0xa2: {  	s23 =	simm.s32 $0x1B8B  }
0xa3: {  	_ =	swait.ge [sflag:s23], $0x1  }
0xa4: {  	[sflag:s23] =	ssyncset.done $0x0  }
0xa5: {  	s25 =	simm.s32 $0x1B8E;
	s24 =	sld [smem:$0x3FFE];
	[sflag:s23] =	ssyncadd.s32 $0xFFFFFFFF  }
0xa6: {  	s26 =	simm.s32 $execute0_lowered;
	[smem:$0x3FD2] =	sst s25  }
0xa7: {  	s6 =	sshll.u32 s26, $0x1;
	_ =	strace $0x80000046;
	[dreg:$0x1] =	wrdreg $0xFFFFFFFF  }
0xa8: {  	s28 =	simm.s32 $_size_execute0_lowered;
	s4 =	sadd.s32 s4, s6;
	[dreg:$0x0] =	wrdreg $0x0  }
0xa9: {  	s6 =	sshll.u32 s28, $0x1;
	[dreg:$0x2] =	wrdreg s4  }
0xaa: {  	[dreg:$0x3] =	wrdreg s6  }
0xab: {  	[dreg:$0x4] =	wrdreg $0xC0  }
0xac: {  	_ =	task [dreg:s8], $0x5FFFF  }
0xad: {  	[dreg:$0x1] =	wrdreg $0xFFFFFFFF  }
0xae: {  	[dreg:$0x0] =	wrdreg $0x60  }
0xaf: {  	[dreg:$0x2] =	wrdreg s2  }
0xb0: {  	[dreg:$0x3] =	wrdreg s18  }
0xb1: {  	[dreg:$0x4] =	wrdreg s24  }
0xb2: {  	[dreg:$0x5] =	wrdreg $0x9  }
0xb3: {  	_ =	task.clear_ibuf [dreg:s8], $0x6FFFF;
	_ =	strace $0x90000046  }
0xb4: {  	s29 =	simm.s32 $0x9;
	_ =	strace $0x80000048  }
0xb5: {  	_ =	swait.ge [sflag:s29], $0x1  }
0xb6: {  	[sflag:s29] =	ssyncadd.s32 $0xFFFFFFFF  }
0xb7: {  	_ =	strace $0x90000048  }
0xb8: {  	_ =	sfence  }
0xb9: {  	s30 =	sld [smem:$0x0];
	_ =	sdelay $0x2  }
0xba: {  	s31 =	sshll.u32 s1, $0xD;
	s1 =	sshrl.u32 s1, $0x2  }
0xbb: {  	s3 =	sand.u32 $0x4000, s31;
	s1 =	sadd.s32 s1, s30  }
0xbc: {  	s0 =	sor.u32 s3, s0;
	s1 =	sshll.u32 s1, $0x11  }
0xbd: {  	s0 =	sor.u32 s1, s0  }
0xbe: {  	s0 =	sadd.s32 $0x8F2B, s0  }
0xbf: {  	[sflag:s0] =	ssyncadd.remote.s32 $0x1  }
0xc0: {  	_ =	sfence.sel $0xFFFF  }
0xc1: {  	[dreg:$0x0] =	wrdreg $0xFFFFFFFF;
	(pc) =	sbr.abs _section_cstart, $3  }
0xc2: {  	[dreg:$0x1] =	wrdreg $0xFFFFFFFF  }
0xc3: {  	_ =	task.clear_ibuf [dreg:s8], $0x2FFFF;
	_ =	strace $0x9FFFFFFF  }
0xc4: {  	(tm) =	ssettm $0x7FFFFFFF  }
0xc5: {  	_ =	shalt  }
tec
execute0_lowered:
.L_overlay_start_1:
0x0: {  	(tag) =	ssettag $0x1  }
0x1: {  	s1 =	rddreg [dreg:$0x0]  }
0x2: {  	s0 =	rddreg [dreg:$0x1]  }
0x3: {  	s2 =	srdreg.scid;
	s3 =	stileid.u32  }
0x4: {  	s4 =	rddreg [dreg:$0x2];
	s16 =	simm.s32 $0x9;
	s17 =	simm.s32 $0x32  }
0x5: {  	s28 =	simm.s32 $0xB000;
	s29 =	simm.s32 $0x2;
	s31 =	simm.s32 $0xCC00  }
0x6: {  	s30 =	simm.s32 $0x5;
	s2 =	sand.u32 $0x1, s2;
	s5 =	sshll.u32 s3, $0x1  }
0x7: {  	s3 =	simm.s32 $0x0;
	s4 =	sadd.s32 $0x400, s4;
	s6 =	sor.u32 s2, s5  }
0x8: {  	[smem:$0x7FF] =	sst s3;
	s2 =	ssub.s32 $0x2, s2;
	s7 =	smul.u32 $0x1C000, s6  }
0x9: {  	_ =	strace $0x80000047;
	s18 =	sshrl.u32 s2, $0x1;
	s8 =	smul.u32 $0xE0000, s6  }
0xa: {  	s5 =	sshll.u32 s6, $0x7;
	s9 =	sshll.u32 s6, $0xB;
	s2 =	ssub.s32 s2, s18  }
0xb: {  	s0 =	sadd.s32 s0, s9;
	s18 =	simm.s32 $0x4000;
	s6 =	sadd.s32 s4, s7  }
0xc: {  	s19 =	sshrl.u32 s8, $0x3;
	[dreg:$0x4] =	wrdreg s0;
	s15 =	smax.u32 s2, $0x1  }
0xd: {  	s2 =	simm.s32 $0x3;
	s7 =	simm.s32 $0x8;
	s20 =	sadd.s32 $0x380, s6  }
0xe: {  	s8 =	simm.s32 $0x0;
	s22 =	sadd.s32 $0x700, s6;
	[dreg:$0x5] =	wrdreg s20  }
0xf: {  	s21 =	sadd.s32 s4, s19;
	s23 =	sadd.s32 $0xA80, s6;
	[dreg:$0x6] =	wrdreg s22  }
0x10: {  	s19 =	simm.s32 $0xE800;
	[dreg:$0x7] =	wrdreg s23;
	s24 =	sadd.s32 $0x1B200, s21  }
0x11: {  	s25 =	sadd.s32 $0x1B580, s21;
	s26 =	sadd.s32 $0x1B900, s21;
	[dreg:$0x8] =	wrdreg s24  }
0x12: {  	s0 =	sadd.s32 $0x1BC80, s21;
	s20 =	simm.s32 $0x5C00;
	[dreg:$0x9] =	wrdreg s25  }
0x13: {  	s22 =	simm.s32 $0x7800;
	s21 =	simm.s32 $0x4;
	[dreg:$0xa] =	wrdreg s26  }
0x14: {  	s23 =	simm.s32 $0x7;
	[dreg:$0xb] =	wrdreg s0;
	s24 =	simm.s32 $0x9400  }
0x15: {  	s25 =	simm.s32 $0x1;
	s26 =	simm.s32 $0x10400;
	s0 =	simm.s32 $0x6  }
.LBB2_1:
0x16: {  	s9 =	rddreg [dreg:$0x4]  }
0x17: {  	[tilespmem:s3], [sflag:$0x9] =	stream.linear.gather [hbm4b:s9+s3], $0x4000, $0x38;
	[tilespmem:$0x12000] =	vst v63  }
0x18: {  	_ =	swait.ge [sflag:s16], $0x4000  }
0x19: {  	[sflag:s16] =	ssyncset.done $0x0  }
0x1a: {  	[sflag:s16] =	ssyncadd.s32 $0xFFFFC000  }
0x1b: {  	[tilespmem:s18], [sflag:$0x1] =	stream.indirect.gather [hbm4b:s1+s17], $0x80, s3, s17, $0xb8;
	[tilespmem:$0x12000] =	vst v63  }
0x1c: {  	s12 =	simm.s32 $0x80  }
0x1d: {  	[tilespmem:s20], [sflag:$0x2] =	stream.indirect.gather [hbm4b:s1+s17], $0x80, s12, s17, $0xb8;
	[tilespmem:$0x12000] =	vst v63  }
0x1e: {  	s13 =	simm.s32 $0x100  }
0x1f: {  	[tilespmem:s22], [sflag:$0x3] =	stream.indirect.gather [hbm4b:s1+s17], $0x80, s13, s17, $0xb8;
	[tilespmem:$0x12000] =	vst v63  }
0x20: {  	s14 =	simm.s32 $0x180  }
0x21: {  	[tilespmem:s24], [sflag:$0x4] =	stream.indirect.gather [hbm4b:s1+s17], $0x80, s14, s17, $0xb8;
	[tilespmem:$0x12000] =	vst v63  }
0x22: {  	_ =	swait.ge [sflag:s25], $0x1900  }
0x23: {  	[sflag:s25] =	ssyncset.done $0x0  }
0x24: {  	s10 =	simm.s32 $0x0;
	[sflag:s25] =	ssyncadd.s32 $0xFFFFE700  }
0x25: {  	v1 =	vld [tilespmem:s10+$0x4070]  }
0x26: {  	v5 =	vld [tilespmem:s10+$0x4000]  }
0x27: {  	v6 =	vld [tilespmem:s10+$0x4010]  }
0x28: {  	v4 =	vld [tilespmem:s10+$0x4020]  }
0x29: {  	v3 =	vld [tilespmem:s10+$0x4030]  }
0x2a: {  	v0 =	vld [tilespmem:s10+$0x4040];
	v7 =	vmul.f32 $1.131370830e+01, v1  }
0x2b: {  	v1 =	vld [tilespmem:s10+$0x4050];
	v5 =	vmul.f32 $1.131370830e+01, v5  }
0x2c: {  	s11 =	simm.s32 $0x400;
	s9 =	simm.s32 $0x80;
	v2 =	vld [tilespmem:s10+$0x4060];
	v6 =	vmul.f32 $1.131370830e+01, v6;
	[tilespmem:s10+$0xB070] =	vst v7  }
.LBB2_2:
0x2d: {  	p0 =	sne.s32 s11, $0x6200;
	v7 =	vld [tilespmem:s9+$0x4070];
	[tilespmem:s10+$0xB000] =	vst v5;
	v4 =	vmul.f32 $1.131370830e+01, v4  }
0x2e: {  	v5 =	vld [tilespmem:s9+$0x4000];
	[tilespmem:s10+$0xB010] =	vst v6;
	v3 =	vmul.f32 $1.131370830e+01, v3  }
0x2f: {  	v6 =	vld [tilespmem:s9+$0x4010];
	[tilespmem:s10+$0xB020] =	vst v4;
	v0 =	vmul.f32 $1.131370830e+01, v0  }
.Ltmp0:
0x30: {  	v4 =	vld [tilespmem:s9+$0x4020];
	[tilespmem:s10+$0xB030] =	vst v3;
	v1 =	vmul.f32 $1.131370830e+01, v1;
	(pc) =	sbr.rel @p0 .LBB2_2-.Ltmp0, $4  }
0x31: {  	v3 =	vld [tilespmem:s9+$0x4030];
	[tilespmem:s10+$0xB040] =	vst v0;
	v2 =	vmul.f32 $1.131370830e+01, v2  }
0x32: {  	v0 =	vld [tilespmem:s9+$0x4040];
	v7 =	vmul.f32 $1.131370830e+01, v7;
	[tilespmem:s10+$0xB050] =	vst v1  }
0x33: {  	v5 =	vmul.f32 $1.131370830e+01, v5;
	v1 =	vld [tilespmem:s9+$0x4050];
	[tilespmem:s10+$0xB060] =	vst v2;
	s10 =	smov.u32 s9  }
0x34: {  	s9 =	sshra.s32 s11, $0x2;
	s11 =	sadd.s32 $0x200, s11;
	v6 =	vmul.f32 $1.131370830e+01, v6;
	v2 =	vld [tilespmem:s10+$0x4060];
	[tilespmem:s10+$0xB070] =	vst v7  }
0x35: {  	v7 =	vld [tilespmem:s9+$0x4070];
	[tilespmem:s10+$0xB000] =	vst v5;
	v4 =	vmul.f32 $1.131370830e+01, v4  }
0x36: {  	v5 =	vld [tilespmem:s9+$0x4000];
	[tilespmem:s10+$0xB010] =	vst v6;
	v3 =	vmul.f32 $1.131370830e+01, v3  }
0x37: {  	v6 =	vld [tilespmem:s9+$0x4010];
	[tilespmem:s10+$0xB020] =	vst v4;
	v0 =	vmul.f32 $1.131370830e+01, v0  }
0x38: {  	v4 =	vld [tilespmem:s9+$0x4020];
	[tilespmem:s10+$0xB030] =	vst v3;
	v1 =	vmul.f32 $1.131370830e+01, v1  }
0x39: {  	v3 =	vld [tilespmem:s9+$0x4030];
	[tilespmem:s10+$0xB040] =	vst v0;
	v2 =	vmul.f32 $1.131370830e+01, v2  }
0x3a: {  	v0 =	vld [tilespmem:s9+$0x4040];
	[tilespmem:s10+$0xB050] =	vst v1;
	v7 =	vmul.f32 $1.131370830e+01, v7  }
0x3b: {  	v1 =	vld [tilespmem:s9+$0x4050];
	[tilespmem:s10+$0xB060] =	vst v2;
	v2 =	vmul.f32 $1.131370830e+01, v5  }
0x3c: {  	v5 =	vld [tilespmem:s9+$0x4060];
	v6 =	vmul.f32 $1.131370830e+01, v6;
	[tilespmem:s9+$0xB070] =	vst v7  }
0x3d: {  	[tilespmem:s9+$0xB000] =	vst v2;
	v2 =	vmul.f32 $1.131370830e+01, v4  }
0x3e: {  	[tilespmem:s9+$0xB010] =	vst v6;
	v3 =	vmul.f32 $1.131370830e+01, v3  }
0x3f: {  	[tilespmem:s9+$0xB020] =	vst v2;
	v0 =	vmul.f32 $1.131370830e+01, v0  }
0x40: {  	[tilespmem:s9+$0xB030] =	vst v3;
	v1 =	vmul.f32 $1.131370830e+01, v1  }
0x41: {  	[tilespmem:s9+$0xB040] =	vst v0;
	v0 =	vmul.f32 $1.131370830e+01, v5  }
0x42: {  	[tilespmem:s9+$0xB050] =	vst v1  }
0x43: {  	s13 =	simm.s32 $0x200;
	[tilespmem:s9+$0xB060] =	vst v0  }
0x44: {  	[tilespmem:s18], [sflag:$0x1] =	stream.indirect.gather [hbm4b:s1+s17], $0x80, s13, s17, $0xb8;
	[tilespmem:$0x12000] =	vst v63  }
0x45: {  	s14 =	simm.s32 $0x0  }
0x46: {  	[hbm4b:s6+s14] =	stream.linear.scatter [tilespmem:s28], [sflag:$0x5], $0x1900, $0x38;
	[tilespmem:$0x12000] =	vst v63  }
0x47: {  	_ =	swait.ge [sflag:s29], $0x1900  }
0x48: {  	[sflag:s29] =	ssyncset.done $0x0  }
0x49: {  	s10 =	simm.s32 $0x0;
	[sflag:s29] =	ssyncadd.s32 $0xFFFFE700  }
0x4a: {  	v1 =	vld [tilespmem:s10+$0x5C70]  }
0x4b: {  	v5 =	vld [tilespmem:s10+$0x5C00]  }
0x4c: {  	v6 =	vld [tilespmem:s10+$0x5C10]  }
0x4d: {  	v4 =	vld [tilespmem:s10+$0x5C20]  }
0x4e: {  	v3 =	vld [tilespmem:s10+$0x5C30]  }
0x4f: {  	v0 =	vld [tilespmem:s10+$0x5C40];
	v7 =	vmul.f32 $1.131370830e+01, v1  }
0x50: {  	v1 =	vld [tilespmem:s10+$0x5C50];
	v5 =	vmul.f32 $1.131370830e+01, v5  }
0x51: {  	s11 =	simm.s32 $0x400;
	s9 =	simm.s32 $0x80;
	v2 =	vld [tilespmem:s10+$0x5C60];
	v6 =	vmul.f32 $1.131370830e+01, v6;
	[tilespmem:s10+$0xCC70] =	vst v7  }
.LBB2_4:
0x52: {  	p0 =	sne.s32 s11, $0x6200;
	v7 =	vld [tilespmem:s9+$0x5C70];
	[tilespmem:s10+$0xCC00] =	vst v5;
	v4 =	vmul.f32 $1.131370830e+01, v4  }
0x53: {  	v5 =	vld [tilespmem:s9+$0x5C00];
	[tilespmem:s10+$0xCC10] =	vst v6;
	v3 =	vmul.f32 $1.131370830e+01, v3  }
0x54: {  	v6 =	vld [tilespmem:s9+$0x5C10];
	[tilespmem:s10+$0xCC20] =	vst v4;
	v0 =	vmul.f32 $1.131370830e+01, v0  }
.Ltmp1:
0x55: {  	v4 =	vld [tilespmem:s9+$0x5C20];
	[tilespmem:s10+$0xCC30] =	vst v3;
	v1 =	vmul.f32 $1.131370830e+01, v1;
	(pc) =	sbr.rel @p0 .LBB2_4-.Ltmp1, $4  }
0x56: {  	v3 =	vld [tilespmem:s9+$0x5C30];
	[tilespmem:s10+$0xCC40] =	vst v0;
	v2 =	vmul.f32 $1.131370830e+01, v2  }
0x57: {  	v0 =	vld [tilespmem:s9+$0x5C40];
	v7 =	vmul.f32 $1.131370830e+01, v7;
	[tilespmem:s10+$0xCC50] =	vst v1  }
0x58: {  	v5 =	vmul.f32 $1.131370830e+01, v5;
	v1 =	vld [tilespmem:s9+$0x5C50];
	[tilespmem:s10+$0xCC60] =	vst v2;
	s10 =	smov.u32 s9  }
0x59: {  	s9 =	sshra.s32 s11, $0x2;
	s11 =	sadd.s32 $0x200, s11;
	v6 =	vmul.f32 $1.131370830e+01, v6;
	v2 =	vld [tilespmem:s10+$0x5C60];
	[tilespmem:s10+$0xCC70] =	vst v7  }
0x5a: {  	v7 =	vld [tilespmem:s9+$0x5C70];
	[tilespmem:s10+$0xCC00] =	vst v5;
	v4 =	vmul.f32 $1.131370830e+01, v4  }
0x5b: {  	v5 =	vld [tilespmem:s9+$0x5C00];
	[tilespmem:s10+$0xCC10] =	vst v6;
	v3 =	vmul.f32 $1.131370830e+01, v3  }
0x5c: {  	v6 =	vld [tilespmem:s9+$0x5C10];
	[tilespmem:s10+$0xCC20] =	vst v4;
	v0 =	vmul.f32 $1.131370830e+01, v0  }
0x5d: {  	v4 =	vld [tilespmem:s9+$0x5C20];
	[tilespmem:s10+$0xCC30] =	vst v3;
	v1 =	vmul.f32 $1.131370830e+01, v1  }
0x5e: {  	v3 =	vld [tilespmem:s9+$0x5C30];
	[tilespmem:s10+$0xCC40] =	vst v0;
	v2 =	vmul.f32 $1.131370830e+01, v2  }
0x5f: {  	v0 =	vld [tilespmem:s9+$0x5C40];
	[tilespmem:s10+$0xCC50] =	vst v1;
	v7 =	vmul.f32 $1.131370830e+01, v7  }
0x60: {  	v1 =	vld [tilespmem:s9+$0x5C50];
	[tilespmem:s10+$0xCC60] =	vst v2;
	v2 =	vmul.f32 $1.131370830e+01, v5  }
0x61: {  	v5 =	vld [tilespmem:s9+$0x5C60];
	v6 =	vmul.f32 $1.131370830e+01, v6;
	[tilespmem:s9+$0xCC70] =	vst v7  }
0x62: {  	[tilespmem:s9+$0xCC00] =	vst v2;
	v2 =	vmul.f32 $1.131370830e+01, v4  }
0x63: {  	[tilespmem:s9+$0xCC10] =	vst v6;
	v3 =	vmul.f32 $1.131370830e+01, v3  }
0x64: {  	[tilespmem:s9+$0xCC20] =	vst v2;
	v0 =	vmul.f32 $1.131370830e+01, v0  }
0x65: {  	[tilespmem:s9+$0xCC30] =	vst v3;
	v1 =	vmul.f32 $1.131370830e+01, v1  }
0x66: {  	[tilespmem:s9+$0xCC40] =	vst v0;
	v0 =	vmul.f32 $1.131370830e+01, v5  }
0x67: {  	[tilespmem:s9+$0xCC50] =	vst v1  }
0x68: {  	s12 =	simm.s32 $0x280;
	[tilespmem:s9+$0xCC60] =	vst v0  }
0x69: {  	[tilespmem:s20], [sflag:$0x2] =	stream.indirect.gather [hbm4b:s1+s17], $0x80, s12, s17, $0xb8;
	[tilespmem:$0x12000] =	vst v63  }
0x6a: {  	s13 =	simm.s32 $0x0;
	s14 =	rddreg [dreg:$0x5]  }
0x6b: {  	[hbm4b:s14+s13] =	stream.linear.scatter [tilespmem:s31], [sflag:$0x6], $0x1900, $0x38;
	[tilespmem:$0x12000] =	vst v63  }
0x6c: {  	_ =	swait.ge [sflag:s2], $0x1900  }
0x6d: {  	[sflag:s2] =	ssyncset.done $0x0  }
0x6e: {  	s10 =	simm.s32 $0x0;
	[sflag:s2] =	ssyncadd.s32 $0xFFFFE700  }
0x6f: {  	v1 =	vld [tilespmem:s10+$0x7870]  }
0x70: {  	v5 =	vld [tilespmem:s10+$0x7800]  }
0x71: {  	v6 =	vld [tilespmem:s10+$0x7810]  }
0x72: {  	v4 =	vld [tilespmem:s10+$0x7820]  }
0x73: {  	v3 =	vld [tilespmem:s10+$0x7830]  }
0x74: {  	v0 =	vld [tilespmem:s10+$0x7840];
	v7 =	vmul.f32 $1.131370830e+01, v1  }
0x75: {  	v1 =	vld [tilespmem:s10+$0x7850];
	v5 =	vmul.f32 $1.131370830e+01, v5  }
0x76: {  	s11 =	simm.s32 $0x400;
	s9 =	simm.s32 $0x80;
	v2 =	vld [tilespmem:s10+$0x7860];
	v6 =	vmul.f32 $1.131370830e+01, v6;
	[tilespmem:s10+$0xE870] =	vst v7  }
.LBB2_6:
0x77: {  	p0 =	sne.s32 s11, $0x6200;
	v7 =	vld [tilespmem:s9+$0x7870];
	[tilespmem:s10+$0xE800] =	vst v5;
	v4 =	vmul.f32 $1.131370830e+01, v4  }
0x78: {  	v5 =	vld [tilespmem:s9+$0x7800];
	[tilespmem:s10+$0xE810] =	vst v6;
	v3 =	vmul.f32 $1.131370830e+01, v3  }
0x79: {  	v6 =	vld [tilespmem:s9+$0x7810];
	[tilespmem:s10+$0xE820] =	vst v4;
	v0 =	vmul.f32 $1.131370830e+01, v0  }
.Ltmp2:
0x7a: {  	v4 =	vld [tilespmem:s9+$0x7820];
	[tilespmem:s10+$0xE830] =	vst v3;
	v1 =	vmul.f32 $1.131370830e+01, v1;
	(pc) =	sbr.rel @p0 .LBB2_6-.Ltmp2, $4  }
0x7b: {  	v3 =	vld [tilespmem:s9+$0x7830];
	[tilespmem:s10+$0xE840] =	vst v0;
	v2 =	vmul.f32 $1.131370830e+01, v2  }
0x7c: {  	v0 =	vld [tilespmem:s9+$0x7840];
	v7 =	vmul.f32 $1.131370830e+01, v7;
	[tilespmem:s10+$0xE850] =	vst v1  }
0x7d: {  	v5 =	vmul.f32 $1.131370830e+01, v5;
	v1 =	vld [tilespmem:s9+$0x7850];
	[tilespmem:s10+$0xE860] =	vst v2;
	s10 =	smov.u32 s9  }
0x7e: {  	s9 =	sshra.s32 s11, $0x2;
	s11 =	sadd.s32 $0x200, s11;
	v6 =	vmul.f32 $1.131370830e+01, v6;
	v2 =	vld [tilespmem:s10+$0x7860];
	[tilespmem:s10+$0xE870] =	vst v7  }
0x7f: {  	v7 =	vld [tilespmem:s9+$0x7870];
	[tilespmem:s10+$0xE800] =	vst v5;
	v4 =	vmul.f32 $1.131370830e+01, v4  }
0x80: {  	v5 =	vld [tilespmem:s9+$0x7800];
	[tilespmem:s10+$0xE810] =	vst v6;
	v3 =	vmul.f32 $1.131370830e+01, v3  }
0x81: {  	v6 =	vld [tilespmem:s9+$0x7810];
	[tilespmem:s10+$0xE820] =	vst v4;
	v0 =	vmul.f32 $1.131370830e+01, v0  }
0x82: {  	v4 =	vld [tilespmem:s9+$0x7820];
	[tilespmem:s10+$0xE830] =	vst v3;
	v1 =	vmul.f32 $1.131370830e+01, v1  }
0x83: {  	v3 =	vld [tilespmem:s9+$0x7830];
	[tilespmem:s10+$0xE840] =	vst v0;
	v2 =	vmul.f32 $1.131370830e+01, v2  }
0x84: {  	v0 =	vld [tilespmem:s9+$0x7840];
	[tilespmem:s10+$0xE850] =	vst v1;
	v7 =	vmul.f32 $1.131370830e+01, v7  }
0x85: {  	v1 =	vld [tilespmem:s9+$0x7850];
	[tilespmem:s10+$0xE860] =	vst v2;
	v2 =	vmul.f32 $1.131370830e+01, v5  }
0x86: {  	v5 =	vld [tilespmem:s9+$0x7860];
	v6 =	vmul.f32 $1.131370830e+01, v6;
	[tilespmem:s9+$0xE870] =	vst v7  }
0x87: {  	[tilespmem:s9+$0xE800] =	vst v2;
	v2 =	vmul.f32 $1.131370830e+01, v4  }
0x88: {  	[tilespmem:s9+$0xE810] =	vst v6;
	v3 =	vmul.f32 $1.131370830e+01, v3  }
0x89: {  	[tilespmem:s9+$0xE820] =	vst v2;
	v0 =	vmul.f32 $1.131370830e+01, v0  }
0x8a: {  	[tilespmem:s9+$0xE830] =	vst v3;
	v1 =	vmul.f32 $1.131370830e+01, v1  }
0x8b: {  	[tilespmem:s9+$0xE840] =	vst v0;
	v0 =	vmul.f32 $1.131370830e+01, v5  }
0x8c: {  	[tilespmem:s9+$0xE850] =	vst v1  }
0x8d: {  	s12 =	simm.s32 $0x300;
	[tilespmem:s9+$0xE860] =	vst v0  }
0x8e: {  	[tilespmem:s22], [sflag:$0x3] =	stream.indirect.gather [hbm4b:s1+s17], $0x80, s12, s17, $0xb8;
	[tilespmem:$0x12000] =	vst v63  }
0x8f: {  	s13 =	simm.s32 $0x0;
	s14 =	rddreg [dreg:$0x6]  }
0x90: {  	[hbm4b:s14+s13] =	stream.linear.scatter [tilespmem:s19], [sflag:$0x7], $0x1900, $0x38;
	[tilespmem:$0x12000] =	vst v63  }
0x91: {  	_ =	swait.ge [sflag:s21], $0x1900  }
0x92: {  	[sflag:s21] =	ssyncset.done $0x0  }
0x93: {  	s10 =	simm.s32 $0x0;
	[sflag:s21] =	ssyncadd.s32 $0xFFFFE700  }
0x94: {  	v1 =	vld [tilespmem:s10+$0x9470]  }
0x95: {  	v5 =	vld [tilespmem:s10+$0x9400]  }
0x96: {  	v6 =	vld [tilespmem:s10+$0x9410]  }
0x97: {  	v4 =	vld [tilespmem:s10+$0x9420]  }
0x98: {  	v3 =	vld [tilespmem:s10+$0x9430]  }
0x99: {  	v0 =	vld [tilespmem:s10+$0x9440];
	v7 =	vmul.f32 $1.131370830e+01, v1  }
0x9a: {  	v1 =	vld [tilespmem:s10+$0x9450];
	v5 =	vmul.f32 $1.131370830e+01, v5  }
0x9b: {  	s11 =	simm.s32 $0x400;
	s9 =	simm.s32 $0x80;
	v2 =	vld [tilespmem:s10+$0x9460];
	v6 =	vmul.f32 $1.131370830e+01, v6;
	[tilespmem:s10+$0x10470] =	vst v7  }
.LBB2_8:
0x9c: {  	p0 =	sne.s32 s11, $0x6200;
	v7 =	vld [tilespmem:s9+$0x9470];
	[tilespmem:s10+$0x10400] =	vst v5;
	v4 =	vmul.f32 $1.131370830e+01, v4  }
0x9d: {  	v5 =	vld [tilespmem:s9+$0x9400];
	[tilespmem:s10+$0x10410] =	vst v6;
	v3 =	vmul.f32 $1.131370830e+01, v3  }
0x9e: {  	v6 =	vld [tilespmem:s9+$0x9410];
	[tilespmem:s10+$0x10420] =	vst v4;
	v0 =	vmul.f32 $1.131370830e+01, v0  }
.Ltmp3:
0x9f: {  	v4 =	vld [tilespmem:s9+$0x9420];
	[tilespmem:s10+$0x10430] =	vst v3;
	v1 =	vmul.f32 $1.131370830e+01, v1;
	(pc) =	sbr.rel @p0 .LBB2_8-.Ltmp3, $4  }
0xa0: {  	v3 =	vld [tilespmem:s9+$0x9430];
	[tilespmem:s10+$0x10440] =	vst v0;
	v2 =	vmul.f32 $1.131370830e+01, v2  }
0xa1: {  	v0 =	vld [tilespmem:s9+$0x9440];
	v7 =	vmul.f32 $1.131370830e+01, v7;
	[tilespmem:s10+$0x10450] =	vst v1  }
0xa2: {  	v5 =	vmul.f32 $1.131370830e+01, v5;
	v1 =	vld [tilespmem:s9+$0x9450];
	[tilespmem:s10+$0x10460] =	vst v2;
	s10 =	smov.u32 s9  }
0xa3: {  	s9 =	sshra.s32 s11, $0x2;
	s11 =	sadd.s32 $0x200, s11;
	v6 =	vmul.f32 $1.131370830e+01, v6;
	v2 =	vld [tilespmem:s10+$0x9460];
	[tilespmem:s10+$0x10470] =	vst v7  }
0xa4: {  	v7 =	vld [tilespmem:s9+$0x9470];
	[tilespmem:s10+$0x10400] =	vst v5;
	v4 =	vmul.f32 $1.131370830e+01, v4  }
0xa5: {  	v5 =	vld [tilespmem:s9+$0x9400];
	[tilespmem:s10+$0x10410] =	vst v6;
	v3 =	vmul.f32 $1.131370830e+01, v3  }
0xa6: {  	v6 =	vld [tilespmem:s9+$0x9410];
	[tilespmem:s10+$0x10420] =	vst v4;
	v0 =	vmul.f32 $1.131370830e+01, v0  }
0xa7: {  	v4 =	vld [tilespmem:s9+$0x9420];
	[tilespmem:s10+$0x10430] =	vst v3;
	v1 =	vmul.f32 $1.131370830e+01, v1  }
0xa8: {  	v3 =	vld [tilespmem:s9+$0x9430];
	[tilespmem:s10+$0x10440] =	vst v0;
	v2 =	vmul.f32 $1.131370830e+01, v2  }
0xa9: {  	v0 =	vld [tilespmem:s9+$0x9440];
	[tilespmem:s10+$0x10450] =	vst v1;
	v7 =	vmul.f32 $1.131370830e+01, v7  }
0xaa: {  	v1 =	vld [tilespmem:s9+$0x9450];
	[tilespmem:s10+$0x10460] =	vst v2;
	v60 =	vmul.f32 $1.131370830e+01, v5  }
0xab: {  	v61 =	vld [tilespmem:s9+$0x9460];
	v6 =	vmul.f32 $1.131370830e+01, v6;
	[tilespmem:s9+$0x10470] =	vst v7  }
0xac: {  	[tilespmem:s9+$0x10400] =	vst v60;
	v62 =	vmul.f32 $1.131370830e+01, v4  }
0xad: {  	[tilespmem:s9+$0x10410] =	vst v6;
	v3 =	vmul.f32 $1.131370830e+01, v3  }
0xae: {  	[tilespmem:s9+$0x10420] =	vst v62;
	v0 =	vmul.f32 $1.131370830e+01, v0  }
0xaf: {  	[tilespmem:s9+$0x10430] =	vst v3;
	v1 =	vmul.f32 $1.131370830e+01, v1  }
0xb0: {  	[tilespmem:s9+$0x10440] =	vst v0;
	v63 =	vmul.f32 $1.131370830e+01, v61  }
0xb1: {  	[tilespmem:s9+$0x10450] =	vst v1  }
0xb2: {  	s13 =	simm.s32 $0x380;
	[tilespmem:s9+$0x10460] =	vst v63  }
0xb3: {  	[tilespmem:s24], [sflag:$0x4] =	stream.indirect.gather [hbm4b:s1+s17], $0x80, s13, s17, $0xb8;
	[tilespmem:$0x12000] =	vst v63  }
0xb4: {  	s14 =	rddreg [dreg:$0x7];
	s9 =	simm.s32 $0x1  }
0xb5: {  	[hbm4b:s14+s3] =	stream.linear.scatter [tilespmem:s26], [sflag:$0x8], $0x1900, $0x38;
	[tilespmem:$0x12000] =	vst v63  }
.LBB2_10:
0xb6: {  	_ =	swait.ge [sflag:s25], $0x1900  }
0xb7: {  	[sflag:s25] =	ssyncset.done $0x0  }
0xb8: {  	[sflag:s25] =	ssyncadd.s32 $0xFFFFE700  }
0xb9: {  	_ =	swait.ge [sflag:s30], $0x1900  }
0xba: {  	[sflag:s30] =	ssyncset.done $0x0  }
0xbb: {  	s10 =	simm.s32 $0x0;
	[sflag:s30] =	ssyncadd.s32 $0xFFFFE700  }
0xbc: {  	v1 =	vld [tilespmem:s10+$0x4070]  }
0xbd: {  	v5 =	vld [tilespmem:s10+$0x4000]  }
0xbe: {  	v6 =	vld [tilespmem:s10+$0x4010]  }
0xbf: {  	v4 =	vld [tilespmem:s10+$0x4020]  }
0xc0: {  	v3 =	vld [tilespmem:s10+$0x4030]  }
0xc1: {  	v0 =	vld [tilespmem:s10+$0x4040];
	v7 =	vmul.f32 $1.131370830e+01, v1  }
0xc2: {  	v1 =	vld [tilespmem:s10+$0x4050];
	v5 =	vmul.f32 $1.131370830e+01, v5  }
0xc3: {  	s12 =	simm.s32 $0x80;
	s11 =	simm.s32 $0x400;
	v2 =	vld [tilespmem:s10+$0x4060];
	v6 =	vmul.f32 $1.131370830e+01, v6;
	[tilespmem:s10+$0xB070] =	vst v7  }
.LBB2_11:
0xc4: {  	p0 =	sne.s32 s11, $0x6200;
	v7 =	vld [tilespmem:s12+$0x4070];
	[tilespmem:s10+$0xB000] =	vst v5;
	v4 =	vmul.f32 $1.131370830e+01, v4  }
0xc5: {  	v5 =	vld [tilespmem:s12+$0x4000];
	[tilespmem:s10+$0xB010] =	vst v6;
	v3 =	vmul.f32 $1.131370830e+01, v3  }
0xc6: {  	v6 =	vld [tilespmem:s12+$0x4010];
	[tilespmem:s10+$0xB020] =	vst v4;
	v0 =	vmul.f32 $1.131370830e+01, v0  }
.Ltmp4:
0xc7: {  	v4 =	vld [tilespmem:s12+$0x4020];
	[tilespmem:s10+$0xB030] =	vst v3;
	v1 =	vmul.f32 $1.131370830e+01, v1;
	(pc) =	sbr.rel @p0 .LBB2_11-.Ltmp4, $4  }
0xc8: {  	v3 =	vld [tilespmem:s12+$0x4030];
	[tilespmem:s10+$0xB040] =	vst v0;
	v2 =	vmul.f32 $1.131370830e+01, v2  }
0xc9: {  	v0 =	vld [tilespmem:s12+$0x4040];
	v7 =	vmul.f32 $1.131370830e+01, v7;
	[tilespmem:s10+$0xB050] =	vst v1  }
0xca: {  	v5 =	vmul.f32 $1.131370830e+01, v5;
	v1 =	vld [tilespmem:s12+$0x4050];
	[tilespmem:s10+$0xB060] =	vst v2;
	s10 =	smov.u32 s12  }
0xcb: {  	s12 =	sshra.s32 s11, $0x2;
	s11 =	sadd.s32 $0x200, s11;
	v6 =	vmul.f32 $1.131370830e+01, v6;
	v2 =	vld [tilespmem:s10+$0x4060];
	[tilespmem:s10+$0xB070] =	vst v7  }
0xcc: {  	v7 =	vld [tilespmem:s12+$0x4070];
	[tilespmem:s10+$0xB000] =	vst v5;
	v4 =	vmul.f32 $1.131370830e+01, v4  }
0xcd: {  	v5 =	vld [tilespmem:s12+$0x4000];
	[tilespmem:s10+$0xB010] =	vst v6;
	v3 =	vmul.f32 $1.131370830e+01, v3  }
0xce: {  	v6 =	vld [tilespmem:s12+$0x4010];
	[tilespmem:s10+$0xB020] =	vst v4;
	v0 =	vmul.f32 $1.131370830e+01, v0  }
0xcf: {  	v4 =	vld [tilespmem:s12+$0x4020];
	[tilespmem:s10+$0xB030] =	vst v3;
	v1 =	vmul.f32 $1.131370830e+01, v1  }
0xd0: {  	v3 =	vld [tilespmem:s12+$0x4030];
	[tilespmem:s10+$0xB040] =	vst v0;
	v2 =	vmul.f32 $1.131370830e+01, v2  }
0xd1: {  	v0 =	vld [tilespmem:s12+$0x4040];
	[tilespmem:s10+$0xB050] =	vst v1;
	v7 =	vmul.f32 $1.131370830e+01, v7  }
0xd2: {  	v1 =	vld [tilespmem:s12+$0x4050];
	[tilespmem:s10+$0xB060] =	vst v2;
	v2 =	vmul.f32 $1.131370830e+01, v5  }
0xd3: {  	v5 =	vld [tilespmem:s12+$0x4060];
	v6 =	vmul.f32 $1.131370830e+01, v6;
	[tilespmem:s12+$0xB070] =	vst v7  }
0xd4: {  	[tilespmem:s12+$0xB000] =	vst v2;
	v2 =	vmul.f32 $1.131370830e+01, v4  }
0xd5: {  	[tilespmem:s12+$0xB010] =	vst v6;
	v3 =	vmul.f32 $1.131370830e+01, v3  }
0xd6: {  	[tilespmem:s12+$0xB020] =	vst v2;
	v0 =	vmul.f32 $1.131370830e+01, v0  }
0xd7: {  	[tilespmem:s12+$0xB030] =	vst v3;
	v1 =	vmul.f32 $1.131370830e+01, v1  }
0xd8: {  	s11 =	sshll.u32 s9, $0x2;
	s13 =	sshll.u32 s9, $0x9;
	[tilespmem:s12+$0xB040] =	vst v0;
	v0 =	vmul.f32 $1.131370830e+01, v5  }
0xd9: {  	s10 =	sand.u32 $0x3FFFFE00, s13;
	s13 =	sadd.s32 s5, s11;
	[tilespmem:s12+$0xB050] =	vst v1  }
0xda: {  	s14 =	sadd.s32 $0x200, s10;
	s13 =	smul.u32 $0x380, s13;
	[tilespmem:s12+$0xB060] =	vst v0  }
0xdb: {  	[tilespmem:s18], [sflag:$0x1] =	stream.indirect.gather [hbm4b:s1+s17], $0x80, s14, s17, $0xb8;
	[tilespmem:$0x12000] =	vst v63  }
0xdc: {  	s13 =	sadd.s32 s4, s13;
	s14 =	simm.s32 $0x0  }
0xdd: {  	[hbm4b:s13+s14] =	stream.linear.scatter [tilespmem:s28], [sflag:$0x5], $0x1900, $0x38;
	[tilespmem:$0x12000] =	vst v63  }
0xde: {  	_ =	swait.ge [sflag:s29], $0x1900  }
0xdf: {  	[sflag:s29] =	ssyncset.done $0x0  }
0xe0: {  	[sflag:s29] =	ssyncadd.s32 $0xFFFFE700  }
0xe1: {  	_ =	swait.ge [sflag:s0], $0x1900  }
0xe2: {  	[sflag:s0] =	ssyncset.done $0x0  }
0xe3: {  	s13 =	simm.s32 $0x0;
	[sflag:s0] =	ssyncadd.s32 $0xFFFFE700  }
0xe4: {  	v1 =	vld [tilespmem:s13+$0x5C70]  }
0xe5: {  	v5 =	vld [tilespmem:s13+$0x5C00]  }
0xe6: {  	v6 =	vld [tilespmem:s13+$0x5C10]  }
0xe7: {  	v4 =	vld [tilespmem:s13+$0x5C20]  }
0xe8: {  	v3 =	vld [tilespmem:s13+$0x5C30]  }
0xe9: {  	v0 =	vld [tilespmem:s13+$0x5C40];
	v7 =	vmul.f32 $1.131370830e+01, v1  }
0xea: {  	v1 =	vld [tilespmem:s13+$0x5C50];
	v5 =	vmul.f32 $1.131370830e+01, v5  }
0xeb: {  	s12 =	simm.s32 $0x80;
	s14 =	simm.s32 $0x400;
	v2 =	vld [tilespmem:s13+$0x5C60];
	v6 =	vmul.f32 $1.131370830e+01, v6;
	[tilespmem:s13+$0xCC70] =	vst v7  }
.LBB2_13:
0xec: {  	p0 =	sne.s32 s14, $0x6200;
	v7 =	vld [tilespmem:s12+$0x5C70];
	[tilespmem:s13+$0xCC00] =	vst v5;
	v4 =	vmul.f32 $1.131370830e+01, v4  }
0xed: {  	v5 =	vld [tilespmem:s12+$0x5C00];
	[tilespmem:s13+$0xCC10] =	vst v6;
	v3 =	vmul.f32 $1.131370830e+01, v3  }
0xee: {  	v6 =	vld [tilespmem:s12+$0x5C10];
	[tilespmem:s13+$0xCC20] =	vst v4;
	v0 =	vmul.f32 $1.131370830e+01, v0  }
.Ltmp5:
0xef: {  	v4 =	vld [tilespmem:s12+$0x5C20];
	[tilespmem:s13+$0xCC30] =	vst v3;
	v1 =	vmul.f32 $1.131370830e+01, v1;
	(pc) =	sbr.rel @p0 .LBB2_13-.Ltmp5, $4  }
0xf0: {  	v3 =	vld [tilespmem:s12+$0x5C30];
	[tilespmem:s13+$0xCC40] =	vst v0;
	v2 =	vmul.f32 $1.131370830e+01, v2  }
0xf1: {  	v0 =	vld [tilespmem:s12+$0x5C40];
	v7 =	vmul.f32 $1.131370830e+01, v7;
	[tilespmem:s13+$0xCC50] =	vst v1  }
0xf2: {  	v5 =	vmul.f32 $1.131370830e+01, v5;
	v1 =	vld [tilespmem:s12+$0x5C50];
	[tilespmem:s13+$0xCC60] =	vst v2;
	s13 =	smov.u32 s12  }
0xf3: {  	s12 =	sshra.s32 s14, $0x2;
	s14 =	sadd.s32 $0x200, s14;
	v6 =	vmul.f32 $1.131370830e+01, v6;
	v2 =	vld [tilespmem:s13+$0x5C60];
	[tilespmem:s13+$0xCC70] =	vst v7  }
0xf4: {  	v7 =	vld [tilespmem:s12+$0x5C70];
	[tilespmem:s13+$0xCC00] =	vst v5;
	v4 =	vmul.f32 $1.131370830e+01, v4  }
0xf5: {  	v5 =	vld [tilespmem:s12+$0x5C00];
	[tilespmem:s13+$0xCC10] =	vst v6;
	v3 =	vmul.f32 $1.131370830e+01, v3  }
0xf6: {  	v6 =	vld [tilespmem:s12+$0x5C10];
	[tilespmem:s13+$0xCC20] =	vst v4;
	v0 =	vmul.f32 $1.131370830e+01, v0  }
0xf7: {  	v4 =	vld [tilespmem:s12+$0x5C20];
	[tilespmem:s13+$0xCC30] =	vst v3;
	v1 =	vmul.f32 $1.131370830e+01, v1  }
0xf8: {  	v3 =	vld [tilespmem:s12+$0x5C30];
	[tilespmem:s13+$0xCC40] =	vst v0;
	v2 =	vmul.f32 $1.131370830e+01, v2  }
0xf9: {  	v0 =	vld [tilespmem:s12+$0x5C40];
	[tilespmem:s13+$0xCC50] =	vst v1;
	v7 =	vmul.f32 $1.131370830e+01, v7  }
0xfa: {  	v1 =	vld [tilespmem:s12+$0x5C50];
	[tilespmem:s13+$0xCC60] =	vst v2;
	v2 =	vmul.f32 $1.131370830e+01, v5  }
0xfb: {  	v5 =	vld [tilespmem:s12+$0x5C60];
	v6 =	vmul.f32 $1.131370830e+01, v6;
	[tilespmem:s12+$0xCC70] =	vst v7  }
0xfc: {  	[tilespmem:s12+$0xCC00] =	vst v2;
	v2 =	vmul.f32 $1.131370830e+01, v4  }
0xfd: {  	[tilespmem:s12+$0xCC10] =	vst v6;
	v3 =	vmul.f32 $1.131370830e+01, v3  }
0xfe: {  	[tilespmem:s12+$0xCC20] =	vst v2;
	v0 =	vmul.f32 $1.131370830e+01, v0  }
0xff: {  	s11 =	sadd.s32 s11, s5;
	[tilespmem:s12+$0xCC30] =	vst v3;
	v1 =	vmul.f32 $1.131370830e+01, v1  }
0x100: {  	s11 =	smul.u32 $0x380, s11;
	[tilespmem:s12+$0xCC40] =	vst v0;
	v0 =	vmul.f32 $1.131370830e+01, v5  }
0x101: {  	[tilespmem:s12+$0xCC50] =	vst v1  }
0x102: {  	s14 =	sadd.s32 $0x280, s10;
	s11 =	sadd.s32 s4, s11;
	[tilespmem:s12+$0xCC60] =	vst v0  }
0x103: {  	[tilespmem:s20], [sflag:$0x2] =	stream.indirect.gather [hbm4b:s1+s17], $0x80, s14, s17, $0xb8;
	[tilespmem:$0x12000] =	vst v63  }
0x104: {  	s13 =	sadd.s32 $0x380, s11;
	s14 =	simm.s32 $0x0  }
0x105: {  	[hbm4b:s13+s14] =	stream.linear.scatter [tilespmem:s31], [sflag:$0x6], $0x1900, $0x38;
	[tilespmem:$0x12000] =	vst v63  }
0x106: {  	_ =	swait.ge [sflag:s2], $0x1900  }
0x107: {  	[sflag:s2] =	ssyncset.done $0x0  }
0x108: {  	[sflag:s2] =	ssyncadd.s32 $0xFFFFE700  }
0x109: {  	_ =	swait.ge [sflag:s23], $0x1900  }
0x10a: {  	[sflag:s23] =	ssyncset.done $0x0  }
0x10b: {  	s13 =	simm.s32 $0x0;
	[sflag:s23] =	ssyncadd.s32 $0xFFFFE700  }
0x10c: {  	v1 =	vld [tilespmem:s13+$0x7870]  }
0x10d: {  	v5 =	vld [tilespmem:s13+$0x7800]  }
0x10e: {  	v6 =	vld [tilespmem:s13+$0x7810]  }
0x10f: {  	v4 =	vld [tilespmem:s13+$0x7820]  }
0x110: {  	v3 =	vld [tilespmem:s13+$0x7830]  }
0x111: {  	v0 =	vld [tilespmem:s13+$0x7840];
	v7 =	vmul.f32 $1.131370830e+01, v1  }
0x112: {  	v1 =	vld [tilespmem:s13+$0x7850];
	v5 =	vmul.f32 $1.131370830e+01, v5  }
0x113: {  	s12 =	simm.s32 $0x80;
	s14 =	simm.s32 $0x400;
	v2 =	vld [tilespmem:s13+$0x7860];
	v6 =	vmul.f32 $1.131370830e+01, v6;
	[tilespmem:s13+$0xE870] =	vst v7  }
.LBB2_15:
0x114: {  	p0 =	sne.s32 s14, $0x6200;
	v7 =	vld [tilespmem:s12+$0x7870];
	[tilespmem:s13+$0xE800] =	vst v5;
	v4 =	vmul.f32 $1.131370830e+01, v4  }
0x115: {  	v5 =	vld [tilespmem:s12+$0x7800];
	[tilespmem:s13+$0xE810] =	vst v6;
	v3 =	vmul.f32 $1.131370830e+01, v3  }
0x116: {  	v6 =	vld [tilespmem:s12+$0x7810];
	[tilespmem:s13+$0xE820] =	vst v4;
	v0 =	vmul.f32 $1.131370830e+01, v0  }
.Ltmp6:
0x117: {  	v4 =	vld [tilespmem:s12+$0x7820];
	[tilespmem:s13+$0xE830] =	vst v3;
	v1 =	vmul.f32 $1.131370830e+01, v1;
	(pc) =	sbr.rel @p0 .LBB2_15-.Ltmp6, $4  }
0x118: {  	v3 =	vld [tilespmem:s12+$0x7830];
	[tilespmem:s13+$0xE840] =	vst v0;
	v2 =	vmul.f32 $1.131370830e+01, v2  }
0x119: {  	v0 =	vld [tilespmem:s12+$0x7840];
	v7 =	vmul.f32 $1.131370830e+01, v7;
	[tilespmem:s13+$0xE850] =	vst v1  }
0x11a: {  	v5 =	vmul.f32 $1.131370830e+01, v5;
	v1 =	vld [tilespmem:s12+$0x7850];
	[tilespmem:s13+$0xE860] =	vst v2;
	s13 =	smov.u32 s12  }
0x11b: {  	s12 =	sshra.s32 s14, $0x2;
	s14 =	sadd.s32 $0x200, s14;
	v6 =	vmul.f32 $1.131370830e+01, v6;
	v2 =	vld [tilespmem:s13+$0x7860];
	[tilespmem:s13+$0xE870] =	vst v7  }
0x11c: {  	v7 =	vld [tilespmem:s12+$0x7870];
	[tilespmem:s13+$0xE800] =	vst v5;
	v4 =	vmul.f32 $1.131370830e+01, v4  }
0x11d: {  	v5 =	vld [tilespmem:s12+$0x7800];
	[tilespmem:s13+$0xE810] =	vst v6;
	v3 =	vmul.f32 $1.131370830e+01, v3  }
0x11e: {  	v6 =	vld [tilespmem:s12+$0x7810];
	[tilespmem:s13+$0xE820] =	vst v4;
	v0 =	vmul.f32 $1.131370830e+01, v0  }
0x11f: {  	v4 =	vld [tilespmem:s12+$0x7820];
	[tilespmem:s13+$0xE830] =	vst v3;
	v1 =	vmul.f32 $1.131370830e+01, v1  }
0x120: {  	v3 =	vld [tilespmem:s12+$0x7830];
	[tilespmem:s13+$0xE840] =	vst v0;
	v2 =	vmul.f32 $1.131370830e+01, v2  }
0x121: {  	v0 =	vld [tilespmem:s12+$0x7840];
	[tilespmem:s13+$0xE850] =	vst v1;
	v7 =	vmul.f32 $1.131370830e+01, v7  }
0x122: {  	v1 =	vld [tilespmem:s12+$0x7850];
	[tilespmem:s13+$0xE860] =	vst v2;
	v2 =	vmul.f32 $1.131370830e+01, v5  }
0x123: {  	v5 =	vld [tilespmem:s12+$0x7860];
	v6 =	vmul.f32 $1.131370830e+01, v6;
	[tilespmem:s12+$0xE870] =	vst v7  }
0x124: {  	[tilespmem:s12+$0xE800] =	vst v2;
	v2 =	vmul.f32 $1.131370830e+01, v4  }
0x125: {  	[tilespmem:s12+$0xE810] =	vst v6;
	v3 =	vmul.f32 $1.131370830e+01, v3  }
0x126: {  	[tilespmem:s12+$0xE820] =	vst v2;
	v0 =	vmul.f32 $1.131370830e+01, v0  }
0x127: {  	[tilespmem:s12+$0xE830] =	vst v3;
	v1 =	vmul.f32 $1.131370830e+01, v1  }
0x128: {  	[tilespmem:s12+$0xE840] =	vst v0;
	v0 =	vmul.f32 $1.131370830e+01, v5  }
0x129: {  	[tilespmem:s12+$0xE850] =	vst v1  }
0x12a: {  	s14 =	sadd.s32 $0x300, s10;
	[tilespmem:s12+$0xE860] =	vst v0  }
0x12b: {  	[tilespmem:s22], [sflag:$0x3] =	stream.indirect.gather [hbm4b:s1+s17], $0x80, s14, s17, $0xb8;
	[tilespmem:$0x12000] =	vst v63  }
0x12c: {  	s13 =	sadd.s32 $0x700, s11;
	s14 =	simm.s32 $0x0  }
0x12d: {  	[hbm4b:s13+s14] =	stream.linear.scatter [tilespmem:s19], [sflag:$0x7], $0x1900, $0x38;
	[tilespmem:$0x12000] =	vst v63  }
0x12e: {  	_ =	swait.ge [sflag:s21], $0x1900  }
0x12f: {  	[sflag:s21] =	ssyncset.done $0x0  }
0x130: {  	[sflag:s21] =	ssyncadd.s32 $0xFFFFE700  }
0x131: {  	_ =	swait.ge [sflag:s7], $0x1900  }
0x132: {  	[sflag:s7] =	ssyncset.done $0x0  }
0x133: {  	s13 =	simm.s32 $0x0;
	[sflag:s7] =	ssyncadd.s32 $0xFFFFE700  }
0x134: {  	v1 =	vld [tilespmem:s13+$0x9470]  }
0x135: {  	v5 =	vld [tilespmem:s13+$0x9400]  }
0x136: {  	v6 =	vld [tilespmem:s13+$0x9410]  }
0x137: {  	v4 =	vld [tilespmem:s13+$0x9420]  }
0x138: {  	v3 =	vld [tilespmem:s13+$0x9430]  }
0x139: {  	v0 =	vld [tilespmem:s13+$0x9440];
	v7 =	vmul.f32 $1.131370830e+01, v1  }
0x13a: {  	v1 =	vld [tilespmem:s13+$0x9450];
	v5 =	vmul.f32 $1.131370830e+01, v5  }
0x13b: {  	s12 =	simm.s32 $0x80;
	s14 =	simm.s32 $0x400;
	v2 =	vld [tilespmem:s13+$0x9460];
	v6 =	vmul.f32 $1.131370830e+01, v6;
	[tilespmem:s13+$0x10470] =	vst v7  }
.LBB2_17:
0x13c: {  	p0 =	sne.s32 s14, $0x6200;
	v7 =	vld [tilespmem:s12+$0x9470];
	[tilespmem:s13+$0x10400] =	vst v5;
	v4 =	vmul.f32 $1.131370830e+01, v4  }
0x13d: {  	v5 =	vld [tilespmem:s12+$0x9400];
	[tilespmem:s13+$0x10410] =	vst v6;
	v3 =	vmul.f32 $1.131370830e+01, v3  }
0x13e: {  	v6 =	vld [tilespmem:s12+$0x9410];
	[tilespmem:s13+$0x10420] =	vst v4;
	v0 =	vmul.f32 $1.131370830e+01, v0  }
.Ltmp7:
0x13f: {  	v4 =	vld [tilespmem:s12+$0x9420];
	[tilespmem:s13+$0x10430] =	vst v3;
	v1 =	vmul.f32 $1.131370830e+01, v1;
	(pc) =	sbr.rel @p0 .LBB2_17-.Ltmp7, $4  }
0x140: {  	v3 =	vld [tilespmem:s12+$0x9430];
	[tilespmem:s13+$0x10440] =	vst v0;
	v2 =	vmul.f32 $1.131370830e+01, v2  }
0x141: {  	v0 =	vld [tilespmem:s12+$0x9440];
	v7 =	vmul.f32 $1.131370830e+01, v7;
	[tilespmem:s13+$0x10450] =	vst v1  }
0x142: {  	v5 =	vmul.f32 $1.131370830e+01, v5;
	v1 =	vld [tilespmem:s12+$0x9450];
	[tilespmem:s13+$0x10460] =	vst v2;
	s13 =	smov.u32 s12  }
0x143: {  	s12 =	sshra.s32 s14, $0x2;
	s14 =	sadd.s32 $0x200, s14;
	v6 =	vmul.f32 $1.131370830e+01, v6;
	v2 =	vld [tilespmem:s13+$0x9460];
	[tilespmem:s13+$0x10470] =	vst v7  }
0x144: {  	v7 =	vld [tilespmem:s12+$0x9470];
	[tilespmem:s13+$0x10400] =	vst v5;
	v4 =	vmul.f32 $1.131370830e+01, v4  }
0x145: {  	v5 =	vld [tilespmem:s12+$0x9400];
	[tilespmem:s13+$0x10410] =	vst v6;
	v3 =	vmul.f32 $1.131370830e+01, v3  }
0x146: {  	v6 =	vld [tilespmem:s12+$0x9410];
	[tilespmem:s13+$0x10420] =	vst v4;
	v0 =	vmul.f32 $1.131370830e+01, v0  }
0x147: {  	v4 =	vld [tilespmem:s12+$0x9420];
	[tilespmem:s13+$0x10430] =	vst v3;
	v1 =	vmul.f32 $1.131370830e+01, v1  }
0x148: {  	v3 =	vld [tilespmem:s12+$0x9430];
	[tilespmem:s13+$0x10440] =	vst v0;
	v2 =	vmul.f32 $1.131370830e+01, v2  }
0x149: {  	v0 =	vld [tilespmem:s12+$0x9440];
	[tilespmem:s13+$0x10450] =	vst v1;
	v7 =	vmul.f32 $1.131370830e+01, v7  }
0x14a: {  	v1 =	vld [tilespmem:s12+$0x9450];
	[tilespmem:s13+$0x10460] =	vst v2;
	v60 =	vmul.f32 $1.131370830e+01, v5  }
0x14b: {  	v61 =	vld [tilespmem:s12+$0x9460];
	v6 =	vmul.f32 $1.131370830e+01, v6;
	[tilespmem:s12+$0x10470] =	vst v7  }
0x14c: {  	[tilespmem:s12+$0x10400] =	vst v60;
	v62 =	vmul.f32 $1.131370830e+01, v4  }
0x14d: {  	[tilespmem:s12+$0x10410] =	vst v6;
	v3 =	vmul.f32 $1.131370830e+01, v3  }
0x14e: {  	[tilespmem:s12+$0x10420] =	vst v62;
	v0 =	vmul.f32 $1.131370830e+01, v0  }
0x14f: {  	s9 =	sadd.s32 $0x1, s9;
	[tilespmem:s12+$0x10430] =	vst v3;
	v1 =	vmul.f32 $1.131370830e+01, v1  }
0x150: {  	p0 =	sne.s32 s9, $0x1F;
	[tilespmem:s12+$0x10440] =	vst v0;
	v63 =	vmul.f32 $1.131370830e+01, v61  }
.Ltmp8:
0x151: {  	[tilespmem:s12+$0x10450] =	vst v1;
	(pc) =	sbr.rel @p0 .LBB2_10-.Ltmp8, $4  }
0x152: {  	s10 =	sadd.s32 $0x380, s10;
	[tilespmem:s12+$0x10460] =	vst v63  }
0x153: {  	[tilespmem:s24], [sflag:$0x4] =	stream.indirect.gather [hbm4b:s1+s17], $0x80, s10, s17, $0xb8;
	[tilespmem:$0x12000] =	vst v63  }
0x154: {  	s14 =	sadd.s32 $0xA80, s11  }
0x155: {  	[hbm4b:s14+s3] =	stream.linear.scatter [tilespmem:s26], [sflag:$0x8], $0x1900, $0x38;
	[tilespmem:$0x12000] =	vst v63  }
0x156: {  	_ =	swait.ge [sflag:s25], $0x1900  }
0x157: {  	[sflag:s25] =	ssyncset.done $0x0  }
0x158: {  	[sflag:s25] =	ssyncadd.s32 $0xFFFFE700  }
0x159: {  	_ =	swait.ge [sflag:s30], $0x1900  }
0x15a: {  	[sflag:s30] =	ssyncset.done $0x0  }
0x15b: {  	s10 =	simm.s32 $0x0;
	[sflag:s30] =	ssyncadd.s32 $0xFFFFE700  }
0x15c: {  	v1 =	vld [tilespmem:s10+$0x4070]  }
0x15d: {  	v5 =	vld [tilespmem:s10+$0x4000]  }
0x15e: {  	v6 =	vld [tilespmem:s10+$0x4010]  }
0x15f: {  	v4 =	vld [tilespmem:s10+$0x4020]  }
0x160: {  	v3 =	vld [tilespmem:s10+$0x4030]  }
0x161: {  	v0 =	vld [tilespmem:s10+$0x4040];
	v7 =	vmul.f32 $1.131370830e+01, v1  }
0x162: {  	v1 =	vld [tilespmem:s10+$0x4050];
	v5 =	vmul.f32 $1.131370830e+01, v5  }
0x163: {  	s9 =	simm.s32 $0x80;
	s11 =	simm.s32 $0x400;
	v2 =	vld [tilespmem:s10+$0x4060];
	v6 =	vmul.f32 $1.131370830e+01, v6;
	[tilespmem:s10+$0xB070] =	vst v7  }
.LBB2_20:
0x164: {  	p0 =	sne.s32 s11, $0x6200;
	v7 =	vld [tilespmem:s9+$0x4070];
	[tilespmem:s10+$0xB000] =	vst v5;
	v4 =	vmul.f32 $1.131370830e+01, v4  }
0x165: {  	v5 =	vld [tilespmem:s9+$0x4000];
	[tilespmem:s10+$0xB010] =	vst v6;
	v3 =	vmul.f32 $1.131370830e+01, v3  }
0x166: {  	v6 =	vld [tilespmem:s9+$0x4010];
	[tilespmem:s10+$0xB020] =	vst v4;
	v0 =	vmul.f32 $1.131370830e+01, v0  }
.Ltmp9:
0x167: {  	v4 =	vld [tilespmem:s9+$0x4020];
	[tilespmem:s10+$0xB030] =	vst v3;
	v1 =	vmul.f32 $1.131370830e+01, v1;
	(pc) =	sbr.rel @p0 .LBB2_20-.Ltmp9, $4  }
0x168: {  	v3 =	vld [tilespmem:s9+$0x4030];
	[tilespmem:s10+$0xB040] =	vst v0;
	v2 =	vmul.f32 $1.131370830e+01, v2  }
0x169: {  	v0 =	vld [tilespmem:s9+$0x4040];
	v7 =	vmul.f32 $1.131370830e+01, v7;
	[tilespmem:s10+$0xB050] =	vst v1  }
0x16a: {  	v5 =	vmul.f32 $1.131370830e+01, v5;
	v1 =	vld [tilespmem:s9+$0x4050];
	[tilespmem:s10+$0xB060] =	vst v2;
	s10 =	smov.u32 s9  }
0x16b: {  	s9 =	sshra.s32 s11, $0x2;
	s11 =	sadd.s32 $0x200, s11;
	v6 =	vmul.f32 $1.131370830e+01, v6;
	v2 =	vld [tilespmem:s10+$0x4060];
	[tilespmem:s10+$0xB070] =	vst v7  }
0x16c: {  	v7 =	vld [tilespmem:s9+$0x4070];
	[tilespmem:s10+$0xB000] =	vst v5;
	v4 =	vmul.f32 $1.131370830e+01, v4  }
0x16d: {  	v5 =	vld [tilespmem:s9+$0x4000];
	[tilespmem:s10+$0xB010] =	vst v6;
	v3 =	vmul.f32 $1.131370830e+01, v3  }
0x16e: {  	v6 =	vld [tilespmem:s9+$0x4010];
	[tilespmem:s10+$0xB020] =	vst v4;
	v0 =	vmul.f32 $1.131370830e+01, v0  }
0x16f: {  	v4 =	vld [tilespmem:s9+$0x4020];
	[tilespmem:s10+$0xB030] =	vst v3;
	v1 =	vmul.f32 $1.131370830e+01, v1  }
0x170: {  	v3 =	vld [tilespmem:s9+$0x4030];
	[tilespmem:s10+$0xB040] =	vst v0;
	v2 =	vmul.f32 $1.131370830e+01, v2  }
0x171: {  	v0 =	vld [tilespmem:s9+$0x4040];
	[tilespmem:s10+$0xB050] =	vst v1;
	v7 =	vmul.f32 $1.131370830e+01, v7  }
0x172: {  	v1 =	vld [tilespmem:s9+$0x4050];
	[tilespmem:s10+$0xB060] =	vst v2;
	v2 =	vmul.f32 $1.131370830e+01, v5  }
0x173: {  	v5 =	vld [tilespmem:s9+$0x4060];
	v6 =	vmul.f32 $1.131370830e+01, v6;
	[tilespmem:s9+$0xB070] =	vst v7  }
0x174: {  	[tilespmem:s9+$0xB000] =	vst v2;
	v2 =	vmul.f32 $1.131370830e+01, v4  }
0x175: {  	[tilespmem:s9+$0xB010] =	vst v6;
	v3 =	vmul.f32 $1.131370830e+01, v3  }
0x176: {  	[tilespmem:s9+$0xB020] =	vst v2;
	v0 =	vmul.f32 $1.131370830e+01, v0  }
0x177: {  	[tilespmem:s9+$0xB030] =	vst v3;
	v1 =	vmul.f32 $1.131370830e+01, v1  }
0x178: {  	[tilespmem:s9+$0xB040] =	vst v0;
	v0 =	vmul.f32 $1.131370830e+01, v5  }
0x179: {  	[tilespmem:s9+$0xB050] =	vst v1  }
0x17a: {  	s13 =	simm.s32 $0x0;
	s14 =	rddreg [dreg:$0x8];
	[tilespmem:s9+$0xB060] =	vst v0  }
0x17b: {  	[hbm4b:s14+s13] =	stream.linear.scatter [tilespmem:s28], [sflag:$0x5], $0x1900, $0x38;
	[tilespmem:$0x12000] =	vst v63  }
0x17c: {  	_ =	swait.ge [sflag:s29], $0x1900  }
0x17d: {  	[sflag:s29] =	ssyncset.done $0x0  }
0x17e: {  	[sflag:s29] =	ssyncadd.s32 $0xFFFFE700  }
0x17f: {  	_ =	swait.ge [sflag:s0], $0x1900  }
0x180: {  	[sflag:s0] =	ssyncset.done $0x0  }
0x181: {  	s10 =	simm.s32 $0x0;
	[sflag:s0] =	ssyncadd.s32 $0xFFFFE700  }
0x182: {  	v1 =	vld [tilespmem:s10+$0x5C70]  }
0x183: {  	v5 =	vld [tilespmem:s10+$0x5C00]  }
0x184: {  	v6 =	vld [tilespmem:s10+$0x5C10]  }
0x185: {  	v4 =	vld [tilespmem:s10+$0x5C20]  }
0x186: {  	v3 =	vld [tilespmem:s10+$0x5C30]  }
0x187: {  	v0 =	vld [tilespmem:s10+$0x5C40];
	v7 =	vmul.f32 $1.131370830e+01, v1  }
0x188: {  	v1 =	vld [tilespmem:s10+$0x5C50];
	v5 =	vmul.f32 $1.131370830e+01, v5  }
0x189: {  	s11 =	simm.s32 $0x400;
	s9 =	simm.s32 $0x80;
	v2 =	vld [tilespmem:s10+$0x5C60];
	v6 =	vmul.f32 $1.131370830e+01, v6;
	[tilespmem:s10+$0xCC70] =	vst v7  }
.LBB2_22:
0x18a: {  	p0 =	sne.s32 s11, $0x6200;
	v7 =	vld [tilespmem:s9+$0x5C70];
	[tilespmem:s10+$0xCC00] =	vst v5;
	v4 =	vmul.f32 $1.131370830e+01, v4  }
0x18b: {  	v5 =	vld [tilespmem:s9+$0x5C00];
	[tilespmem:s10+$0xCC10] =	vst v6;
	v3 =	vmul.f32 $1.131370830e+01, v3  }
0x18c: {  	v6 =	vld [tilespmem:s9+$0x5C10];
	[tilespmem:s10+$0xCC20] =	vst v4;
	v0 =	vmul.f32 $1.131370830e+01, v0  }
.Ltmp10:
0x18d: {  	v4 =	vld [tilespmem:s9+$0x5C20];
	[tilespmem:s10+$0xCC30] =	vst v3;
	v1 =	vmul.f32 $1.131370830e+01, v1;
	(pc) =	sbr.rel @p0 .LBB2_22-.Ltmp10, $4  }
0x18e: {  	v3 =	vld [tilespmem:s9+$0x5C30];
	[tilespmem:s10+$0xCC40] =	vst v0;
	v2 =	vmul.f32 $1.131370830e+01, v2  }
0x18f: {  	v0 =	vld [tilespmem:s9+$0x5C40];
	v7 =	vmul.f32 $1.131370830e+01, v7;
	[tilespmem:s10+$0xCC50] =	vst v1  }
0x190: {  	v5 =	vmul.f32 $1.131370830e+01, v5;
	v1 =	vld [tilespmem:s9+$0x5C50];
	[tilespmem:s10+$0xCC60] =	vst v2;
	s10 =	smov.u32 s9  }
0x191: {  	s9 =	sshra.s32 s11, $0x2;
	s11 =	sadd.s32 $0x200, s11;
	v6 =	vmul.f32 $1.131370830e+01, v6;
	v2 =	vld [tilespmem:s10+$0x5C60];
	[tilespmem:s10+$0xCC70] =	vst v7  }
0x192: {  	v7 =	vld [tilespmem:s9+$0x5C70];
	[tilespmem:s10+$0xCC00] =	vst v5;
	v4 =	vmul.f32 $1.131370830e+01, v4  }
0x193: {  	v5 =	vld [tilespmem:s9+$0x5C00];
	[tilespmem:s10+$0xCC10] =	vst v6;
	v3 =	vmul.f32 $1.131370830e+01, v3  }
0x194: {  	v6 =	vld [tilespmem:s9+$0x5C10];
	[tilespmem:s10+$0xCC20] =	vst v4;
	v0 =	vmul.f32 $1.131370830e+01, v0  }
0x195: {  	v4 =	vld [tilespmem:s9+$0x5C20];
	[tilespmem:s10+$0xCC30] =	vst v3;
	v1 =	vmul.f32 $1.131370830e+01, v1  }
0x196: {  	v3 =	vld [tilespmem:s9+$0x5C30];
	[tilespmem:s10+$0xCC40] =	vst v0;
	v2 =	vmul.f32 $1.131370830e+01, v2  }
0x197: {  	v0 =	vld [tilespmem:s9+$0x5C40];
	[tilespmem:s10+$0xCC50] =	vst v1;
	v7 =	vmul.f32 $1.131370830e+01, v7  }
0x198: {  	v1 =	vld [tilespmem:s9+$0x5C50];
	[tilespmem:s10+$0xCC60] =	vst v2;
	v2 =	vmul.f32 $1.131370830e+01, v5  }
0x199: {  	v5 =	vld [tilespmem:s9+$0x5C60];
	v6 =	vmul.f32 $1.131370830e+01, v6;
	[tilespmem:s9+$0xCC70] =	vst v7  }
0x19a: {  	[tilespmem:s9+$0xCC00] =	vst v2;
	v2 =	vmul.f32 $1.131370830e+01, v4  }
0x19b: {  	[tilespmem:s9+$0xCC10] =	vst v6;
	v3 =	vmul.f32 $1.131370830e+01, v3  }
0x19c: {  	[tilespmem:s9+$0xCC20] =	vst v2;
	v0 =	vmul.f32 $1.131370830e+01, v0  }
0x19d: {  	[tilespmem:s9+$0xCC30] =	vst v3;
	v1 =	vmul.f32 $1.131370830e+01, v1  }
0x19e: {  	[tilespmem:s9+$0xCC40] =	vst v0;
	v0 =	vmul.f32 $1.131370830e+01, v5  }
0x19f: {  	[tilespmem:s9+$0xCC50] =	vst v1  }
0x1a0: {  	s13 =	simm.s32 $0x0;
	s14 =	rddreg [dreg:$0x9];
	[tilespmem:s9+$0xCC60] =	vst v0  }
0x1a1: {  	[hbm4b:s14+s13] =	stream.linear.scatter [tilespmem:s31], [sflag:$0x6], $0x1900, $0x38;
	[tilespmem:$0x12000] =	vst v63  }
0x1a2: {  	_ =	swait.ge [sflag:s2], $0x1900  }
0x1a3: {  	[sflag:s2] =	ssyncset.done $0x0  }
0x1a4: {  	[sflag:s2] =	ssyncadd.s32 $0xFFFFE700  }
0x1a5: {  	_ =	swait.ge [sflag:s23], $0x1900  }
0x1a6: {  	[sflag:s23] =	ssyncset.done $0x0  }
0x1a7: {  	s10 =	simm.s32 $0x0;
	[sflag:s23] =	ssyncadd.s32 $0xFFFFE700  }
0x1a8: {  	v1 =	vld [tilespmem:s10+$0x7870]  }
0x1a9: {  	v5 =	vld [tilespmem:s10+$0x7800]  }
0x1aa: {  	v6 =	vld [tilespmem:s10+$0x7810]  }
0x1ab: {  	v4 =	vld [tilespmem:s10+$0x7820]  }
0x1ac: {  	v3 =	vld [tilespmem:s10+$0x7830]  }
0x1ad: {  	v0 =	vld [tilespmem:s10+$0x7840];
	v7 =	vmul.f32 $1.131370830e+01, v1  }
0x1ae: {  	v1 =	vld [tilespmem:s10+$0x7850];
	v5 =	vmul.f32 $1.131370830e+01, v5  }
0x1af: {  	s11 =	simm.s32 $0x400;
	s9 =	simm.s32 $0x80;
	v2 =	vld [tilespmem:s10+$0x7860];
	v6 =	vmul.f32 $1.131370830e+01, v6;
	[tilespmem:s10+$0xE870] =	vst v7  }
.LBB2_24:
0x1b0: {  	p0 =	sne.s32 s11, $0x6200;
	v7 =	vld [tilespmem:s9+$0x7870];
	[tilespmem:s10+$0xE800] =	vst v5;
	v4 =	vmul.f32 $1.131370830e+01, v4  }
0x1b1: {  	v5 =	vld [tilespmem:s9+$0x7800];
	[tilespmem:s10+$0xE810] =	vst v6;
	v3 =	vmul.f32 $1.131370830e+01, v3  }
0x1b2: {  	v6 =	vld [tilespmem:s9+$0x7810];
	[tilespmem:s10+$0xE820] =	vst v4;
	v0 =	vmul.f32 $1.131370830e+01, v0  }
.Ltmp11:
0x1b3: {  	v4 =	vld [tilespmem:s9+$0x7820];
	[tilespmem:s10+$0xE830] =	vst v3;
	v1 =	vmul.f32 $1.131370830e+01, v1;
	(pc) =	sbr.rel @p0 .LBB2_24-.Ltmp11, $4  }
0x1b4: {  	v3 =	vld [tilespmem:s9+$0x7830];
	[tilespmem:s10+$0xE840] =	vst v0;
	v2 =	vmul.f32 $1.131370830e+01, v2  }
0x1b5: {  	v0 =	vld [tilespmem:s9+$0x7840];
	v7 =	vmul.f32 $1.131370830e+01, v7;
	[tilespmem:s10+$0xE850] =	vst v1  }
0x1b6: {  	v5 =	vmul.f32 $1.131370830e+01, v5;
	v1 =	vld [tilespmem:s9+$0x7850];
	[tilespmem:s10+$0xE860] =	vst v2;
	s10 =	smov.u32 s9  }
0x1b7: {  	s9 =	sshra.s32 s11, $0x2;
	s11 =	sadd.s32 $0x200, s11;
	v6 =	vmul.f32 $1.131370830e+01, v6;
	v2 =	vld [tilespmem:s10+$0x7860];
	[tilespmem:s10+$0xE870] =	vst v7  }
0x1b8: {  	v7 =	vld [tilespmem:s9+$0x7870];
	[tilespmem:s10+$0xE800] =	vst v5;
	v4 =	vmul.f32 $1.131370830e+01, v4  }
0x1b9: {  	v5 =	vld [tilespmem:s9+$0x7800];
	[tilespmem:s10+$0xE810] =	vst v6;
	v3 =	vmul.f32 $1.131370830e+01, v3  }
0x1ba: {  	v6 =	vld [tilespmem:s9+$0x7810];
	[tilespmem:s10+$0xE820] =	vst v4;
	v0 =	vmul.f32 $1.131370830e+01, v0  }
0x1bb: {  	v4 =	vld [tilespmem:s9+$0x7820];
	[tilespmem:s10+$0xE830] =	vst v3;
	v1 =	vmul.f32 $1.131370830e+01, v1  }
0x1bc: {  	v3 =	vld [tilespmem:s9+$0x7830];
	[tilespmem:s10+$0xE840] =	vst v0;
	v2 =	vmul.f32 $1.131370830e+01, v2  }
0x1bd: {  	v0 =	vld [tilespmem:s9+$0x7840];
	[tilespmem:s10+$0xE850] =	vst v1;
	v7 =	vmul.f32 $1.131370830e+01, v7  }
0x1be: {  	v1 =	vld [tilespmem:s9+$0x7850];
	[tilespmem:s10+$0xE860] =	vst v2;
	v2 =	vmul.f32 $1.131370830e+01, v5  }
0x1bf: {  	v5 =	vld [tilespmem:s9+$0x7860];
	v6 =	vmul.f32 $1.131370830e+01, v6;
	[tilespmem:s9+$0xE870] =	vst v7  }
0x1c0: {  	[tilespmem:s9+$0xE800] =	vst v2;
	v2 =	vmul.f32 $1.131370830e+01, v4  }
0x1c1: {  	[tilespmem:s9+$0xE810] =	vst v6;
	v3 =	vmul.f32 $1.131370830e+01, v3  }
0x1c2: {  	[tilespmem:s9+$0xE820] =	vst v2;
	v0 =	vmul.f32 $1.131370830e+01, v0  }
0x1c3: {  	[tilespmem:s9+$0xE830] =	vst v3;
	v1 =	vmul.f32 $1.131370830e+01, v1  }
0x1c4: {  	[tilespmem:s9+$0xE840] =	vst v0;
	v0 =	vmul.f32 $1.131370830e+01, v5  }
0x1c5: {  	[tilespmem:s9+$0xE850] =	vst v1  }
0x1c6: {  	s13 =	simm.s32 $0x0;
	s14 =	rddreg [dreg:$0xa];
	[tilespmem:s9+$0xE860] =	vst v0  }
0x1c7: {  	[hbm4b:s14+s13] =	stream.linear.scatter [tilespmem:s19], [sflag:$0x7], $0x1900, $0x38;
	[tilespmem:$0x12000] =	vst v63  }
0x1c8: {  	_ =	swait.ge [sflag:s21], $0x1900  }
0x1c9: {  	[sflag:s21] =	ssyncset.done $0x0  }
0x1ca: {  	[sflag:s21] =	ssyncadd.s32 $0xFFFFE700  }
0x1cb: {  	_ =	swait.ge [sflag:s7], $0x1900  }
0x1cc: {  	[sflag:s7] =	ssyncset.done $0x0  }
0x1cd: {  	s10 =	simm.s32 $0x0;
	[sflag:s7] =	ssyncadd.s32 $0xFFFFE700  }
0x1ce: {  	v1 =	vld [tilespmem:s10+$0x9470]  }
0x1cf: {  	v5 =	vld [tilespmem:s10+$0x9400]  }
0x1d0: {  	v6 =	vld [tilespmem:s10+$0x9410]  }
0x1d1: {  	v4 =	vld [tilespmem:s10+$0x9420]  }
0x1d2: {  	v3 =	vld [tilespmem:s10+$0x9430]  }
0x1d3: {  	v0 =	vld [tilespmem:s10+$0x9440];
	v7 =	vmul.f32 $1.131370830e+01, v1  }
0x1d4: {  	v1 =	vld [tilespmem:s10+$0x9450];
	v5 =	vmul.f32 $1.131370830e+01, v5  }
0x1d5: {  	s11 =	simm.s32 $0x400;
	s9 =	simm.s32 $0x80;
	v2 =	vld [tilespmem:s10+$0x9460];
	v6 =	vmul.f32 $1.131370830e+01, v6;
	[tilespmem:s10+$0x10470] =	vst v7  }
.LBB2_26:
0x1d6: {  	p0 =	sne.s32 s11, $0x6200;
	v7 =	vld [tilespmem:s9+$0x9470];
	[tilespmem:s10+$0x10400] =	vst v5;
	v4 =	vmul.f32 $1.131370830e+01, v4  }
0x1d7: {  	v5 =	vld [tilespmem:s9+$0x9400];
	[tilespmem:s10+$0x10410] =	vst v6;
	v3 =	vmul.f32 $1.131370830e+01, v3  }
0x1d8: {  	v6 =	vld [tilespmem:s9+$0x9410];
	[tilespmem:s10+$0x10420] =	vst v4;
	v0 =	vmul.f32 $1.131370830e+01, v0  }
.Ltmp12:
0x1d9: {  	v4 =	vld [tilespmem:s9+$0x9420];
	[tilespmem:s10+$0x10430] =	vst v3;
	v1 =	vmul.f32 $1.131370830e+01, v1;
	(pc) =	sbr.rel @p0 .LBB2_26-.Ltmp12, $4  }
0x1da: {  	v3 =	vld [tilespmem:s9+$0x9430];
	[tilespmem:s10+$0x10440] =	vst v0;
	v2 =	vmul.f32 $1.131370830e+01, v2  }
0x1db: {  	v0 =	vld [tilespmem:s9+$0x9440];
	v7 =	vmul.f32 $1.131370830e+01, v7;
	[tilespmem:s10+$0x10450] =	vst v1  }
0x1dc: {  	v5 =	vmul.f32 $1.131370830e+01, v5;
	v1 =	vld [tilespmem:s9+$0x9450];
	[tilespmem:s10+$0x10460] =	vst v2;
	s10 =	smov.u32 s9  }
0x1dd: {  	s9 =	sshra.s32 s11, $0x2;
	s11 =	sadd.s32 $0x200, s11;
	v6 =	vmul.f32 $1.131370830e+01, v6;
	v2 =	vld [tilespmem:s10+$0x9460];
	[tilespmem:s10+$0x10470] =	vst v7  }
0x1de: {  	v7 =	vld [tilespmem:s9+$0x9470];
	[tilespmem:s10+$0x10400] =	vst v5;
	v4 =	vmul.f32 $1.131370830e+01, v4  }
0x1df: {  	v5 =	vld [tilespmem:s9+$0x9400];
	[tilespmem:s10+$0x10410] =	vst v6;
	v3 =	vmul.f32 $1.131370830e+01, v3  }
0x1e0: {  	v6 =	vld [tilespmem:s9+$0x9410];
	[tilespmem:s10+$0x10420] =	vst v4;
	v0 =	vmul.f32 $1.131370830e+01, v0  }
0x1e1: {  	v4 =	vld [tilespmem:s9+$0x9420];
	[tilespmem:s10+$0x10430] =	vst v3;
	v1 =	vmul.f32 $1.131370830e+01, v1  }
0x1e2: {  	v3 =	vld [tilespmem:s9+$0x9430];
	[tilespmem:s10+$0x10440] =	vst v0;
	v2 =	vmul.f32 $1.131370830e+01, v2  }
0x1e3: {  	v0 =	vld [tilespmem:s9+$0x9440];
	[tilespmem:s10+$0x10450] =	vst v1;
	v7 =	vmul.f32 $1.131370830e+01, v7  }
0x1e4: {  	v1 =	vld [tilespmem:s9+$0x9450];
	[tilespmem:s10+$0x10460] =	vst v2;
	v60 =	vmul.f32 $1.131370830e+01, v5  }
0x1e5: {  	v61 =	vld [tilespmem:s9+$0x9460];
	v6 =	vmul.f32 $1.131370830e+01, v6;
	[tilespmem:s9+$0x10470] =	vst v7  }
0x1e6: {  	[tilespmem:s9+$0x10400] =	vst v60;
	v62 =	vmul.f32 $1.131370830e+01, v4  }
0x1e7: {  	[tilespmem:s9+$0x10410] =	vst v6;
	v3 =	vmul.f32 $1.131370830e+01, v3  }
0x1e8: {  	[tilespmem:s9+$0x10420] =	vst v62;
	v0 =	vmul.f32 $1.131370830e+01, v0  }
0x1e9: {  	[tilespmem:s9+$0x10430] =	vst v3;
	v1 =	vmul.f32 $1.131370830e+01, v1  }
0x1ea: {  	[tilespmem:s9+$0x10440] =	vst v0;
	v63 =	vmul.f32 $1.131370830e+01, v61  }
0x1eb: {  	[tilespmem:s9+$0x10450] =	vst v1  }
0x1ec: {  	s14 =	rddreg [dreg:$0xb];
	[tilespmem:s9+$0x10460] =	vst v63  }
0x1ed: {  	[hbm4b:s14+s3] =	stream.linear.scatter [tilespmem:s26], [sflag:$0x8], $0x1900, $0x38;
	[tilespmem:$0x12000] =	vst v63  }
0x1ee: {  	_ =	swait.ge [sflag:s30], $0x1900  }
0x1ef: {  	[sflag:s30] =	ssyncset.done $0x0  }
0x1f0: {  	[sflag:s30] =	ssyncadd.s32 $0xFFFFE700  }
0x1f1: {  	_ =	swait.ge [sflag:s0], $0x1900  }
0x1f2: {  	[sflag:s0] =	ssyncset.done $0x0  }
0x1f3: {  	s8 =	sadd.s32 $0x1, s8;
	[sflag:s0] =	ssyncadd.s32 $0xFFFFE700  }
0x1f4: {  	p0 =	sne.s32 s8, s15;
	_ =	swait.ge [sflag:s23], $0x1900  }
.Ltmp13:
0x1f5: {  	[sflag:s23] =	ssyncset.done $0x0;
	(pc) =	sbr.rel @p0 .LBB2_1-.Ltmp13, $4  }
0x1f6: {  	[sflag:s23] =	ssyncadd.s32 $0xFFFFE700  }
0x1f7: {  	_ =	swait.ge [sflag:s7], $0x1900  }
0x1f8: {  	[sflag:s7] =	ssyncset.done $0x0  }
0x1f9: {  	[sflag:s7] =	ssyncadd.s32 $0xFFFFE700  }
0x1fa: {  	_ =	sfence.sel $0x180000  }
0x1fb: {  	[bflag:$0x0] =	sbarrier.arrive $0xFFFF  }
0x1fc: {  	_ =	strace $0x90000047  }
0x1fd: {  	s0 =	stileid.u32;
	[bflag:$0x2] =	sbarrier.arrive $0xFFFF  }
0x1fe: {  	p0 =	sne.s32 s0, $0x0;
	s0 =	rddreg [dreg:$0x3]  }
0x1ff: {  	s0 =	sadd.s32 @!p0 $0x100000, s0  }
0x200: {  	[sflag:s0] =	ssyncadd.tile.s32 @!p0 $0x1;
	_ =	shalt  }
.Lfunc_end2:
_tile_overlayer_lowered:
.L_overlay_start_2:
0x201: {  	(tag) =	ssettag $0x2  }
0x202: {  	s0 =	rddreg [dreg:$0x0];
	s2 =	stileid.u32  }
0x203: {  	s1 =	rddreg [dreg:$0x1];
	p0 =	sne.s32 s2, $0x0  }
0x204: {  	s3 =	rddreg [dreg:$0x2];
	[bflag:$0x3] =	sbarrier.arrive $0xFFFF;
	s2 =	simm.s32 @!p0 $0x1C09  }
0x205: {  	[timem:s3], [sflag:s2] =	dma.local @!p0 [hbm:s0], s1  }
0x206: {  	s0 =	simm.s32 @!p0 $0x9  }
0x207: {  	_ =	swait.ge @!p0 [sflag:s0], s1  }
0x208: {  	s1 =	ssub.s32 @!p0 $0x0, s1;
	[sflag:s0] =	ssyncset.done @!p0 $0x0  }
0x209: {  	[sflag:s0] =	ssyncadd.s32 @!p0 s1  }
0x20a: {  	[bflag:$0x3] =	sbarrier.arrive $0xFFFF  }
0x20b: {  	_ =	shalt  }

</sc_bundles>
